<compile_context>
chip_gen: v7x
topology: tpu7x:2x2x1
jax: 0.10.2.dev20260603
libtpu: 0.0.44.dev20260713+nightly
codegen_flags: <defaults>
</compile_context>

<pallas_src>
import dataclasses
import functools

import jax
import jax.numpy as jnp
from jax import lax
from jax.experimental import pallas as pl
from jax.experimental.pallas import tpu as pltpu
from jax.experimental.pallas import tpu_sc as plsc

N = 10000
NP = 10240
D = 128
E = 320000
NC, NS = 2, 16
NW = NC * NS
EP = 327680
RPT = NP // NS
IB = 8
FAST_CORE = 0


@functools.lru_cache(maxsize=None)
def _sc_aggregate(with_cnt):
    CHUNK = 64
    NCH = EP // CHUNK
    CPT0 = (NCH * 9 // 10) // NS
    CPT0 -= CPT0 % IB
    CPT1 = (NCH - NS * CPT0) // NS
    assert NS * (CPT0 + CPT1) == NCH and CPT1 % IB == 0
    NB0, NB1 = CPT0 // IB, CPT1 // IB

    mesh = plsc.VectorSubcoreMesh(
        core_axis_name="c", subcore_axis_name="s", num_cores=NC, num_subcores=NS
    )
    out_type = [jax.ShapeDtypeStruct((NC, NP, D), jnp.float32)]
    scratch = [
        pltpu.VMEM((IB, CHUNK), jnp.int32),
        pltpu.VMEM((IB, CHUNK), jnp.int32),
        pltpu.VMEM((CHUNK, D), jnp.float32),
        pltpu.VMEM((CHUNK, D), jnp.float32),
        pltpu.VMEM_SHARED((NP, D), jnp.float32),
        pltpu.SemaphoreType.DMA,
        pltpu.SemaphoreType.DMA,
    ]
    if with_cnt:
        out_type.append(jax.ShapeDtypeStruct((NW, NP), jnp.float32))
        scratch.append(pltpu.VMEM((NP,), jnp.float32))

    def body(feat_hbm, src_hbm, dst_hbm, *rest):
        if with_cnt:
            (sum_hbm, cnt_hbm, src_v, dst_v, rows0, rows1, acc_sh,
             sg0, sg1, hist_v) = rest
        else:
            sum_hbm, src_v, dst_v, rows0, rows1, acc_sh, sg0, sg1 = rest
        rows = (rows0, rows1)
        sem_g = (sg0, sg1)
        c = lax.axis_index("c")
        s = lax.axis_index("s")
        wid = c * NS + s
        row0 = s * RPT
        big = (c == FAST_CORE).astype(jnp.int32)
        nblocks = NB1 + big * (NB0 - NB1)
        base = (1 - big) * (NS * CPT0) + s * (CPT1 + big * (CPT0 - CPT1))

        @pl.loop(0, CHUNK)
        def _(i):
            @pl.loop(0, D // 16)
            def _(j):
                rows0[i, pl.ds(j * 16, 16)] = jnp.zeros((16,), jnp.float32)

        if with_cnt:
            @pl.loop(0, NP // 16)
            def _(i):
                hist_v[pl.ds(i * 16, 16)] = jnp.zeros((16,), jnp.float32)

        @pl.loop(0, RPT // CHUNK)
        def _(z):
            pltpu.sync_copy(rows0, acc_sh.at[pl.ds(row0 + z * CHUNK, CHUNK)])

        plsc.subcore_barrier()

        ones16 = jnp.ones((16,), jnp.float32)

        @pl.loop(0, nblocks)
        def _(b):
            blk = base + b * IB
            pltpu.sync_copy(src_hbm.at[pl.ds(blk, IB)], src_v)
            pltpu.sync_copy(dst_hbm.at[pl.ds(blk, IB)], dst_v)
            dg = [None] * IB
            dg[0] = pltpu.async_copy(feat_hbm.at[src_v.at[0]], rows[0], sem_g[0])
            for j in range(IB):
                p = j % 2
                if j + 1 < IB:
                    dg[j + 1] = pltpu.async_copy(
                        feat_hbm.at[src_v.at[j + 1]], rows[1 - p], sem_g[1 - p])
                dg[j].wait()
                pltpu.sync_copy(rows[p], acc_sh.at[dst_v.at[j]], add=True)
                if with_cnt:
                    @pl.loop(0, CHUNK // 16)
                    def _(k):
                        idx = dst_v[j, pl.ds(k * 16, 16)]
                        plsc.addupdate_scatter(hist_v, [idx], ones16)

        plsc.subcore_barrier()

        pltpu.sync_copy(acc_sh.at[pl.ds(row0, RPT)], sum_hbm.at[c, pl.ds(row0, RPT)])
        if with_cnt:
            pltpu.sync_copy(hist_v, cnt_hbm.at[wid])

    cp = pltpu.CompilerParams()
    if "needs_layout_passes" in pltpu.CompilerParams.__dataclass_fields__:
        cp = dataclasses.replace(cp, needs_layout_passes=False)
    return pl.kernel(body, out_type=tuple(out_type) if with_cnt else out_type[0],
                     mesh=mesh, scratch_types=scratch, compiler_params=cp)


BLK = 2048


def _tc_layer(sum_parts, inv_cnt, feats, Wl, bl, Wr, relu):

    def body(sum_ref, inv_ref, x_ref, wl_ref, bl_ref, wr_ref, o_ref):
        mean = (sum_ref[0] + sum_ref[1]) * inv_ref[...]
        acc = lax.dot_general(mean, wl_ref[...], (((1,), (1,)), ((), ())),
                              preferred_element_type=jnp.float32)
        acc = acc + lax.dot_general(x_ref[...], wr_ref[...],
                                    (((1,), (1,)), ((), ())),
                                    preferred_element_type=jnp.float32)
        acc = acc + bl_ref[...]
        if relu:
            acc = jnp.maximum(acc, 0.0)
        o_ref[...] = acc

    return pl.pallas_call(
        body,
        grid=(NP // BLK,),
        in_specs=[
            pl.BlockSpec((2, BLK, D), lambda i: (0, i, 0)),
            pl.BlockSpec((BLK, 1), lambda i: (i, 0)),
            pl.BlockSpec((BLK, D), lambda i: (i, 0)),
            pl.BlockSpec((D, D), lambda i: (0, 0)),
            pl.BlockSpec((1, D), lambda i: (0, 0)),
            pl.BlockSpec((D, D), lambda i: (0, 0)),
        ],
        out_specs=pl.BlockSpec((BLK, D), lambda i: (i, 0)),
        out_shape=jax.ShapeDtypeStruct((NP, D), jnp.float32),
    )(sum_parts, inv_cnt, feats, Wl, bl.reshape(1, D), Wr)


def kernel(x, edge_index, W1l, b1, W1r, W2l, b2, W2r):
    pad = EP - E
    src_flat = jnp.concatenate(
        [edge_index[0].astype(jnp.int32), jnp.zeros((pad,), jnp.int32)]
    )
    dst_flat = jnp.concatenate(
        [edge_index[1].astype(jnp.int32),
         N + (jnp.arange(pad, dtype=jnp.int32) % (NP - N))]
    )
    x_pad = jnp.pad(x, ((0, NP - N), (0, 0)))
    sum1, cnt_parts = _sc_aggregate(True)(
        x_pad, src_flat.reshape(-1, 64), dst_flat.reshape(-1, 64))
    inv_cnt = (1.0 / jnp.maximum(cnt_parts.sum(axis=0), 1.0)).reshape(NP, 1)
    h = _tc_layer(sum1, inv_cnt, x_pad, W1l, b1, W1r, relu=True)
    sum2 = _sc_aggregate(False)(
        h, src_flat.reshape(-1, 64), dst_flat.reshape(-1, 64))
    out = _tc_layer(sum2, inv_cnt, h, W2l, b2, W2r, relu=False)
    return out[:N]

# --- scband reference (transcript-rebuilt; emitter-appended) ---
"""Pipeline reference for scband-graph-sage-81681688035405 (READ-ONLY COPY).

The authoritative reference and input builder live on the scoring server;
editing this copy changes nothing except your own understanding.
"""

import jax, jax.numpy as jnp
import numpy as np

N_NODES = 10000
N_EDGES = 320000
D_IN = 128
D_HID = 128
D_OUT = 128


def setup_inputs(seed: int = 0) -> dict:
    key = jax.random.key(seed)
    ks = jax.random.split(key, 9)
    x = jax.random.normal(ks[0], (N_NODES, D_IN), dtype=jnp.float32)
    edge_index = jax.random.randint(ks[1], (2, N_EDGES), 0, N_NODES, dtype=jnp.int64)
    s1 = 1.0 / np.sqrt(D_IN)
    s2 = 1.0 / np.sqrt(D_HID)
    # SAGEConv layer 1: lin_l (neighbor aggr, with bias), lin_r (root, no bias)
    W1l = jax.random.uniform(ks[2], (D_HID, D_IN), jnp.float32, -s1, s1)
    b1 = jax.random.uniform(ks[3], (D_HID,), jnp.float32, -s1, s1)
    W1r = jax.random.uniform(ks[4], (D_HID, D_IN), jnp.float32, -s1, s1)
    # SAGEConv layer 2
    W2l = jax.random.uniform(ks[5], (D_OUT, D_HID), jnp.float32, -s2, s2)
    b2 = jax.random.uniform(ks[6], (D_OUT,), jnp.float32, -s2, s2)
    W2r = jax.random.uniform(ks[7], (D_OUT, D_HID), jnp.float32, -s2, s2)
    return {"x": x, "edge_index": edge_index, "W1l": W1l, "b1": b1, "W1r": W1r,
            "W2l": W2l, "b2": b2, "W2r": W2r}


def _sage_conv(x, edge_index, Wl, bl, Wr):
    # PyG SAGEConv with mean aggregation:
    # out[i] = Wl @ mean_{j in N(i)} x[j] + bl + Wr @ x[i]
    src = edge_index[0]
    dst = edge_index[1]
    msgs = jnp.take(x, src, axis=0)                                  # gather [E, d]
    summed = jax.ops.segment_sum(msgs, dst, num_segments=x.shape[0])  # scatter-add
    cnt = jax.ops.segment_sum(jnp.ones((edge_index.shape[1],), dtype=x.dtype),
                              dst, num_segments=x.shape[0])
    mean = summed / jnp.clip(cnt, 1.0, None)[:, None]
    return mean @ Wl.T + bl + x @ Wr.T


def reference(x, edge_index, W1l, b1, W1r, W2l, b2, W2r):
    h = _sage_conv(x, edge_index, W1l, b1, W1r)
    h = jax.nn.relu(h)
    # F.dropout(p=0.5, training=self.training): identity in eval mode
    out = _sage_conv(h, edge_index, W2l, b2, W2r)
    return out

if __name__ == "__main__":
    import jax
    _d = setup_inputs()
    print(jax.jit(kernel)(*tuple(_d.values())))

</pallas_src>

<mosaic_0001>
#map = affine_map<(d0, d1) -> (0, 0)>
#map1 = affine_map<(d0, d1) -> (0, 0, 0)>
module attributes {stable_mosaic.version = 14 : i64} {
  func.func @body(%arg0: i32, %arg1: i32, %arg2: memref<10240x128xf32, #tpu.memory_space<hbm>>, %arg3: memref<5120x64xi32, #tpu.memory_space<hbm>>, %arg4: memref<5120x64xi32, #tpu.memory_space<hbm>>, %arg5: memref<2x10240x128xf32, #tpu.memory_space<hbm>>, %arg6: memref<32x10240xf32, #tpu.memory_space<hbm>>, %arg7: memref<8x64xi32, #tpu.memory_space<vmem>>, %arg8: memref<8x64xi32, #tpu.memory_space<vmem>>, %arg9: memref<64x128xf32, #tpu.memory_space<vmem>>, %arg10: memref<64x128xf32, #tpu.memory_space<vmem>>, %arg11: memref<10240x128xf32, #tpu.memory_space<vmem_shared>>, %arg12: memref<!tpu.dma_semaphore, #tpu.memory_space<semaphore_mem>>, %arg13: memref<!tpu.dma_semaphore, #tpu.memory_space<semaphore_mem>>, %arg14: memref<10240xf32, #tpu.memory_space<vmem>>) attributes {dimension_semantics = [#tpu.dimension_semantics<core_parallel>, #tpu.dimension_semantics<subcore_parallel>], iteration_bounds = array<i64: 2, 16>, scalar_prefetch = 0 : i64, scratch_operands = 8 : i64, tpu.core_type = #tpu.core_type<sc_vector_subcore>, window_params = [{transform_indices = #map}, {transform_indices = #map}, {transform_indices = #map}, {transform_indices = #map1}, {transform_indices = #map}]} {
    %mul3A = arith.constant 16 : i32
    %mul3A_0 = arith.muli %arg0, %mul3A : i32
    %add3A = arith.addi %mul3A_0, %arg1 : i32
    %mul3A_1 = arith.constant 640 : i32
    %mul3A_2 = arith.muli %arg1, %mul3A_1 : i32
    %eq3A = arith.constant 0 : i32
    %eq3A_3 = arith.cmpi eq, %arg0, %eq3A : i32
    %convert_element_type3A = arith.extui %eq3A_3 : i1 to i32
    %mul3A_4 = arith.constant 32 : i32
    %mul3A_5 = arith.muli %convert_element_type3A, %mul3A_4 : i32
    %add3A_6 = arith.constant 4 : i32
    %add3A_7 = arith.addi %add3A_6, %mul3A_5 : i32
    %sub3A = arith.constant 1 : i32
    %sub3A_8 = arith.subi %sub3A, %convert_element_type3A : i32
    %mul3A_9 = arith.constant 4608 : i32
    %mul3A_10 = arith.muli %sub3A_8, %mul3A_9 : i32
    %mul3A_11 = arith.constant 256 : i32
    %mul3A_12 = arith.muli %convert_element_type3A, %mul3A_11 : i32
    %add3A_13 = arith.constant 32 : i32
    %add3A_14 = arith.addi %add3A_13, %mul3A_12 : i32
    %mul3A_15 = arith.muli %arg1, %add3A_14 : i32
    %add3A_16 = arith.addi %mul3A_10, %mul3A_15 : i32
    %scan3A = arith.constant 0 : i32
    %scan3A_17 = arith.constant 64 : i32
    %scan3A_18 = arith.addi %scan3A, %scan3A_17 : i32
    %scan3A_19 = arith.constant 1 : i32
    scf.for %scan3A_50 = %scan3A to %scan3A_18 step %scan3A_19  : i32 {
      %mul3A_51 = arith.constant 1 : i32
      %mul3A_52 = arith.muli %scan3A_50, %mul3A_51 : i32
      %add3A_53 = arith.constant 0 : i32
      %add3A_54 = arith.addi %add3A_53, %mul3A_52 : i32
      %scan3A_55 = arith.constant 0 : i32
      %scan3A_56 = arith.constant 8 : i32
      %scan3A_57 = arith.addi %scan3A_55, %scan3A_56 : i32
      %scan3A_58 = arith.constant 1 : i32
      scf.for %scan3A_60 = %scan3A_55 to %scan3A_57 step %scan3A_58  : i32 {
        %mul3A_61 = arith.constant 1 : i32
        %mul3A_62 = arith.muli %scan3A_60, %mul3A_61 : i32
        %add3A_63 = arith.constant 0 : i32
        %add3A_64 = arith.addi %add3A_63, %mul3A_62 : i32
        %broadcast_in_dim3A_65 = arith.constant 0.000000e+00 : f32
        %broadcast_in_dim3A_66 = vector.broadcast %broadcast_in_dim3A_65 : f32 to vector<16xf32>
        %mul3A_67 = arith.constant 16 : i32
        %mul3A_68 = arith.muli %add3A_64, %mul3A_67 : i32
        %swap3A = arith.index_cast %add3A_54 : i32 to index
        %swap3A_69 = arith.index_cast %mul3A_68 : i32 to index
        %swap3A_70 = tpu.vector_load %arg9[%swap3A, %swap3A_69] {strides = array<i32>} : memref<64x128xf32, #tpu.memory_space<vmem>>, vector<16xf32>,
        tpu.vector_store %arg9[%swap3A, %swap3A_69], %broadcast_in_dim3A_66 {strides = array<i32>} : memref<64x128xf32, #tpu.memory_space<vmem>>, vector<16xf32>,
      }
      %scan3A_59 = arith.constant 8 : i32
    }
    %scan3A_20 = arith.constant 64 : i32
    %scan3A_21 = arith.constant 0 : i32
    %scan3A_22 = arith.constant 640 : i32
    %scan3A_23 = arith.addi %scan3A_21, %scan3A_22 : i32
    %scan3A_24 = arith.constant 1 : i32
    scf.for %scan3A_50 = %scan3A_21 to %scan3A_23 step %scan3A_24  : i32 {
      %mul3A_51 = arith.constant 1 : i32
      %mul3A_52 = arith.muli %scan3A_50, %mul3A_51 : i32
      %add3A_53 = arith.constant 0 : i32
      %add3A_54 = arith.addi %add3A_53, %mul3A_52 : i32
      %broadcast_in_dim3A_55 = arith.constant 0.000000e+00 : f32
      %broadcast_in_dim3A_56 = vector.broadcast %broadcast_in_dim3A_55 : f32 to vector<16xf32>
      %mul3A_57 = arith.constant 16 : i32
      %mul3A_58 = arith.muli %add3A_54, %mul3A_57 : i32
      %swap3A = arith.index_cast %mul3A_58 : i32 to index
      %swap3A_59 = tpu.vector_load %arg14[%swap3A] {strides = array<i32>} : memref<10240xf32, #tpu.memory_space<vmem>>, vector<16xf32>,
      tpu.vector_store %arg14[%swap3A], %broadcast_in_dim3A_56 {strides = array<i32>} : memref<10240xf32, #tpu.memory_space<vmem>>, vector<16xf32>,
    }
    %scan3A_25 = arith.constant 640 : i32
    %scan3A_26 = arith.constant 0 : i32
    %scan3A_27 = arith.constant 10 : i32
    %scan3A_28 = arith.addi %scan3A_26, %scan3A_27 : i32
    %scan3A_29 = arith.constant 1 : i32
    scf.for %scan3A_50 = %scan3A_26 to %scan3A_28 step %scan3A_29  : i32 {
      %mul3A_51 = arith.constant 1 : i32
      %mul3A_52 = arith.muli %scan3A_50, %mul3A_51 : i32
      %add3A_53 = arith.constant 0 : i32
      %add3A_54 = arith.addi %add3A_53, %mul3A_52 : i32
      %mul3A_55 = arith.constant 64 : i32
      %mul3A_56 = arith.muli %add3A_54, %mul3A_55 : i32
      %add3A_57 = arith.addi %mul3A_2, %mul3A_56 : i32
      "tpu.region"() ({
        %run_scoped3A = tpu.sem_alloc : memref<!tpu.dma_semaphore, #tpu.memory_space<semaphore_mem>>
        %dma_start3A = arith.constant 0 : i32
        %dma_start3A_58 = tpu.memref_slice %arg11[%add3A_57, %dma_start3A] : memref<10240x128xf32, #tpu.memory_space<vmem_shared>> -> memref<64x128xf32, #tpu.memory_space<vmem_shared>>
        %dma_start3A_59 = arith.constant 0 : i32
        %dma_start3A_60 = tpu.memref_slice %arg11[%add3A_57, %dma_start3A_59] : memref<10240x128xf32, #tpu.memory_space<vmem_shared>> -> memref<64x128xf32, #tpu.memory_space<vmem_shared>>
        tpu.enqueue_dma source(%arg9 : memref<64x128xf32, #tpu.memory_space<vmem>>) target(%dma_start3A_60 : memref<64x128xf32, #tpu.memory_space<vmem_shared>>) target_semaphore(%run_scoped3A : memref<!tpu.dma_semaphore, #tpu.memory_space<semaphore_mem>>)
        %dma_wait3A = arith.constant 0 : i32
        %dma_wait3A_61 = tpu.memref_slice %arg11[%add3A_57, %dma_wait3A] : memref<10240x128xf32, #tpu.memory_space<vmem_shared>> -> memref<64x128xf32, #tpu.memory_space<vmem_shared>>
        %dma_wait3A_62 = arith.constant 0 : i32
        %dma_wait3A_63 = tpu.memref_slice %arg11[%add3A_57, %dma_wait3A_62] : memref<10240x128xf32, #tpu.memory_space<vmem_shared>> -> memref<64x128xf32, #tpu.memory_space<vmem_shared>>
        tpu.wait_dma2 semaphore(%run_scoped3A : memref<!tpu.dma_semaphore, #tpu.memory_space<semaphore_mem>>) src(%arg9 : memref<64x128xf32, #tpu.memory_space<vmem>>) dst(%dma_wait3A_63 : memref<64x128xf32, #tpu.memory_space<vmem_shared>>)
        tpu.yield
      }) : () -> ()
    }
    %scan3A_30 = arith.constant 10 : i32
    %barrier3A = arith.constant 0 : index
    tpu.barrier barrier_id(%barrier3A)
    %broadcast_in_dim3A = arith.constant 1.000000e+00 : f32
    %broadcast_in_dim3A_31 = vector.broadcast %broadcast_in_dim3A : f32 to vector<16xf32>
    %sub3A_32 = arith.constant 0 : i32
    %sub3A_33 = arith.subi %add3A_7, %sub3A_32 : i32
    %sub3A_34 = arith.constant 1 : i32
    %sub3A_35 = arith.constant 1 : i32
    %sub3A_36 = arith.subi %sub3A_34, %sub3A_35 : i32
    %add3A_37 = arith.addi %sub3A_33, %sub3A_36 : i32
    %div3A = arith.constant 1 : i32
    %div3A_38 = arith.divsi %add3A_37, %div3A : i32
    %while3A = arith.constant 1 : i32
    %while3A_39 = arith.constant 0 : i32
    %while3A_40 = arith.constant 0 : i32
    %while3A_41 = arith.subi %div3A_38, %while3A_40 : i32
    %while3A_42 = arith.addi %while3A_40, %while3A_41 : i32
    %while3A_43 = arith.constant 1 : i32
    %while3A_44 = arith.divsi %while3A_41, %while3A_43 : i32
    %while3A_45 = arith.muli %while3A_44, %while3A_43 : i32
    %while3A_46 = arith.addi %while3A_40, %while3A_45 : i32
    %while3A_47 = arith.constant 1 : i32
    scf.for %while3A_50 = %while3A_40 to %while3A_46 step %while3A_47  : i32 {
      %mul3A_51 = arith.muli %while3A_50, %while3A : i32
      %add3A_52 = arith.addi %while3A_39, %mul3A_51 : i32
      %mul3A_53 = arith.constant 8 : i32
      %mul3A_54 = arith.muli %add3A_52, %mul3A_53 : i32
      %add3A_55 = arith.addi %add3A_16, %mul3A_54 : i32
      "tpu.region"() ({
        %run_scoped3A_213 = tpu.sem_alloc : memref<!tpu.dma_semaphore, #tpu.memory_space<semaphore_mem>>
        %dma_start3A_214 = arith.constant 0 : i32
        %dma_start3A_215 = tpu.memref_slice %arg3[%add3A_55, %dma_start3A_214] : memref<5120x64xi32, #tpu.memory_space<hbm>> -> memref<8x64xi32, #tpu.memory_space<hbm>>
        %dma_start3A_216 = arith.constant 0 : i32
        %dma_start3A_217 = tpu.memref_slice %arg3[%add3A_55, %dma_start3A_216] : memref<5120x64xi32, #tpu.memory_space<hbm>> -> memref<8x64xi32, #tpu.memory_space<hbm>>
        tpu.enqueue_dma source(%dma_start3A_217 : memref<8x64xi32, #tpu.memory_space<hbm>>) target(%arg7 : memref<8x64xi32, #tpu.memory_space<vmem>>) target_semaphore(%run_scoped3A_213 : memref<!tpu.dma_semaphore, #tpu.memory_space<semaphore_mem>>)
        %dma_wait3A_218 = arith.constant 0 : i32
        %dma_wait3A_219 = tpu.memref_slice %arg3[%add3A_55, %dma_wait3A_218] : memref<5120x64xi32, #tpu.memory_space<hbm>> -> memref<8x64xi32, #tpu.memory_space<hbm>>
        %dma_wait3A_220 = arith.constant 0 : i32
        %dma_wait3A_221 = tpu.memref_slice %arg3[%add3A_55, %dma_wait3A_220] : memref<5120x64xi32, #tpu.memory_space<hbm>> -> memref<8x64xi32, #tpu.memory_space<hbm>>
        tpu.wait_dma2 semaphore(%run_scoped3A_213 : memref<!tpu.dma_semaphore, #tpu.memory_space<semaphore_mem>>) src(%dma_wait3A_221 : memref<8x64xi32, #tpu.memory_space<hbm>>) dst(%arg7 : memref<8x64xi32, #tpu.memory_space<vmem>>)
        tpu.yield
      }) : () -> ()
      "tpu.region"() ({
        %run_scoped3A_213 = tpu.sem_alloc : memref<!tpu.dma_semaphore, #tpu.memory_space<semaphore_mem>>
        %dma_start3A_214 = arith.constant 0 : i32
        %dma_start3A_215 = tpu.memref_slice %arg4[%add3A_55, %dma_start3A_214] : memref<5120x64xi32, #tpu.memory_space<hbm>> -> memref<8x64xi32, #tpu.memory_space<hbm>>
        %dma_start3A_216 = arith.constant 0 : i32
        %dma_start3A_217 = tpu.memref_slice %arg4[%add3A_55, %dma_start3A_216] : memref<5120x64xi32, #tpu.memory_space<hbm>> -> memref<8x64xi32, #tpu.memory_space<hbm>>
        tpu.enqueue_dma source(%dma_start3A_217 : memref<8x64xi32, #tpu.memory_space<hbm>>) target(%arg8 : memref<8x64xi32, #tpu.memory_space<vmem>>) target_semaphore(%run_scoped3A_213 : memref<!tpu.dma_semaphore, #tpu.memory_space<semaphore_mem>>)
        %dma_wait3A_218 = arith.constant 0 : i32
        %dma_wait3A_219 = tpu.memref_slice %arg4[%add3A_55, %dma_wait3A_218] : memref<5120x64xi32, #tpu.memory_space<hbm>> -> memref<8x64xi32, #tpu.memory_space<hbm>>
        %dma_wait3A_220 = arith.constant 0 : i32
        %dma_wait3A_221 = tpu.memref_slice %arg4[%add3A_55, %dma_wait3A_220] : memref<5120x64xi32, #tpu.memory_space<hbm>> -> memref<8x64xi32, #tpu.memory_space<hbm>>
        tpu.wait_dma2 semaphore(%run_scoped3A_213 : memref<!tpu.dma_semaphore, #tpu.memory_space<semaphore_mem>>) src(%dma_wait3A_221 : memref<8x64xi32, #tpu.memory_space<hbm>>) dst(%arg8 : memref<8x64xi32, #tpu.memory_space<vmem>>)
        tpu.yield
      }) : () -> ()
      %dma_start3A = arith.constant 0 : i32
      %dma_start3A_56 = arith.constant 0 : i32
      %dma_start3A_57 = tpu.memref_slice %arg7[%dma_start3A, %dma_start3A_56] : memref<8x64xi32, #tpu.memory_space<vmem>> -> memref<1x64xi32, #tpu.memory_space<vmem>>
      %dma_start3A_58 = tpu.memref_squeeze %dma_start3A_57 : memref<1x64xi32, #tpu.memory_space<vmem>> -> memref<64xi32, #tpu.memory_space<vmem>>
      %dma_start3A_59 = arith.constant 0 : i32
      %dma_start3A_60 = arith.constant 0 : i32
      %dma_start3A_61 = tpu.memref_slice %arg2[%dma_start3A_59, %dma_start3A_60] : memref<10240x128xf32, #tpu.memory_space<hbm>> -> memref<10240x128xf32, #tpu.memory_space<hbm>>
      tpu.enqueue_indirect_dma source(%dma_start3A_61 : memref<10240x128xf32, #tpu.memory_space<hbm>>) target(%arg9 : memref<64x128xf32, #tpu.memory_space<vmem>>) offsets(%dma_start3A_58 : memref<64xi32, #tpu.memory_space<vmem>>) semaphore(%arg12 : memref<!tpu.dma_semaphore, #tpu.memory_space<semaphore_mem>>)
      %dma_start3A_62 = arith.constant 1 : i32
      %dma_start3A_63 = arith.constant 0 : i32
      %dma_start3A_64 = tpu.memref_slice %arg7[%dma_start3A_62, %dma_start3A_63] : memref<8x64xi32, #tpu.memory_space<vmem>> -> memref<1x64xi32, #tpu.memory_space<vmem>>
      %dma_start3A_65 = tpu.memref_squeeze %dma_start3A_64 : memref<1x64xi32, #tpu.memory_space<vmem>> -> memref<64xi32, #tpu.memory_space<vmem>>
      %dma_start3A_66 = arith.constant 0 : i32
      %dma_start3A_67 = arith.constant 0 : i32
      %dma_start3A_68 = tpu.memref_slice %arg2[%dma_start3A_66, %dma_start3A_67] : memref<10240x128xf32, #tpu.memory_space<hbm>> -> memref<10240x128xf32, #tpu.memory_space<hbm>>
      tpu.enqueue_indirect_dma source(%dma_start3A_68 : memref<10240x128xf32, #tpu.memory_space<hbm>>) target(%arg10 : memref<64x128xf32, #tpu.memory_space<vmem>>) offsets(%dma_start3A_65 : memref<64xi32, #tpu.memory_space<vmem>>) semaphore(%arg13 : memref<!tpu.dma_semaphore, #tpu.memory_space<semaphore_mem>>)
      %dma_wait3A = arith.constant 0 : i32
      %dma_wait3A_69 = arith.constant 0 : i32
      %dma_wait3A_70 = tpu.memref_slice %arg7[%dma_wait3A, %dma_wait3A_69] : memref<8x64xi32, #tpu.memory_space<vmem>> -> memref<1x64xi32, #tpu.memory_space<vmem>>
      %dma_wait3A_71 = tpu.memref_squeeze %dma_wait3A_70 : memref<1x64xi32, #tpu.memory_space<vmem>> -> memref<64xi32, #tpu.memory_space<vmem>>
      %dma_wait3A_72 = arith.constant 0 : i32
      %dma_wait3A_73 = arith.constant 0 : i32
      %dma_wait3A_74 = tpu.memref_slice %arg2[%dma_wait3A_72, %dma_wait3A_73] : memref<10240x128xf32, #tpu.memory_space<hbm>> -> memref<10240x128xf32, #tpu.memory_space<hbm>>
      tpu.wait_indirect_dma semaphore(%arg12 : memref<!tpu.dma_semaphore, #tpu.memory_space<semaphore_mem>>) src(%dma_wait3A_74 : memref<10240x128xf32, #tpu.memory_space<hbm>>) dst(%arg9 : memref<64x128xf32, #tpu.memory_space<vmem>>)
      %run_scoped3A = arith.constant 0 : i32
      "tpu.region"() ({
        %run_scoped3A_213 = tpu.sem_alloc : memref<!tpu.dma_semaphore, #tpu.memory_space<semaphore_mem>>
        %dma_start3A_214 = arith.constant 0 : i32
        %dma_start3A_215 = tpu.memref_slice %arg8[%run_scoped3A, %dma_start3A_214] : memref<8x64xi32, #tpu.memory_space<vmem>> -> memref<1x64xi32, #tpu.memory_space<vmem>>
        %dma_start3A_216 = tpu.memref_squeeze %dma_start3A_215 : memref<1x64xi32, #tpu.memory_space<vmem>> -> memref<64xi32, #tpu.memory_space<vmem>>
        %dma_start3A_217 = arith.constant 0 : i32
        %dma_start3A_218 = arith.constant 0 : i32
        %dma_start3A_219 = tpu.memref_slice %arg11[%dma_start3A_217, %dma_start3A_218] : memref<10240x128xf32, #tpu.memory_space<vmem_shared>> -> memref<10240x128xf32, #tpu.memory_space<vmem_shared>>
        tpu.enqueue_indirect_dma source(%arg9 : memref<64x128xf32, #tpu.memory_space<vmem>>) target(%dma_start3A_219 : memref<10240x128xf32, #tpu.memory_space<vmem_shared>>) offsets(%dma_start3A_216 : memref<64xi32, #tpu.memory_space<vmem>>) semaphore(%run_scoped3A_213 : memref<!tpu.dma_semaphore, #tpu.memory_space<semaphore_mem>>) {add = true}
        %dma_wait3A_220 = arith.constant 0 : i32
        %dma_wait3A_221 = tpu.memref_slice %arg8[%run_scoped3A, %dma_wait3A_220] : memref<8x64xi32, #tpu.memory_space<vmem>> -> memref<1x64xi32, #tpu.memory_space<vmem>>
        %dma_wait3A_222 = tpu.memref_squeeze %dma_wait3A_221 : memref<1x64xi32, #tpu.memory_space<vmem>> -> memref<64xi32, #tpu.memory_space<vmem>>
        %dma_wait3A_223 = arith.constant 0 : i32
        %dma_wait3A_224 = arith.constant 0 : i32
        %dma_wait3A_225 = tpu.memref_slice %arg11[%dma_wait3A_223, %dma_wait3A_224] : memref<10240x128xf32, #tpu.memory_space<vmem_shared>> -> memref<10240x128xf32, #tpu.memory_space<vmem_shared>>
        tpu.wait_indirect_dma semaphore(%run_scoped3A_213 : memref<!tpu.dma_semaphore, #tpu.memory_space<semaphore_mem>>) src(%arg9 : memref<64x128xf32, #tpu.memory_space<vmem>>) dst(%dma_wait3A_225 : memref<10240x128xf32, #tpu.memory_space<vmem_shared>>)
        tpu.yield
      }) : () -> ()
      %scan3A_75 = arith.constant 0 : i32
      %scan3A_76 = arith.constant 4 : i32
      %scan3A_77 = arith.addi %scan3A_75, %scan3A_76 : i32
      %scan3A_78 = arith.constant 1 : i32
      scf.for %scan3A_213 = %scan3A_75 to %scan3A_77 step %scan3A_78  : i32 {
        %mul3A_214 = arith.constant 1 : i32
        %mul3A_215 = arith.muli %scan3A_213, %mul3A_214 : i32
        %add3A_216 = arith.constant 0 : i32
        %add3A_217 = arith.addi %add3A_216, %mul3A_215 : i32
        %mul3A_218 = arith.constant 16 : i32
        %mul3A_219 = arith.muli %add3A_217, %mul3A_218 : i32
        %get3A = arith.constant 0 : i32
        %get3A_220 = arith.index_cast %get3A : i32 to index
        %get3A_221 = arith.index_cast %mul3A_219 : i32 to index
        %get3A_222 = tpu.vector_load %arg8[%get3A_220, %get3A_221] {strides = array<i32>} : memref<8x64xi32, #tpu.memory_space<vmem>>, vector<16xi32>,
        tpu.vector_store_idx %arg14[%get3A_222], %broadcast_in_dim3A_31 {add = true} : memref<10240xf32, #tpu.memory_space<vmem>>[vector<16xi32>], vector<16xf32>,
      }
      %scan3A_79 = arith.constant 4 : i32
      %dma_start3A_80 = arith.constant 2 : i32
      %dma_start3A_81 = arith.constant 0 : i32
      %dma_start3A_82 = tpu.memref_slice %arg7[%dma_start3A_80, %dma_start3A_81] : memref<8x64xi32, #tpu.memory_space<vmem>> -> memref<1x64xi32, #tpu.memory_space<vmem>>
      %dma_start3A_83 = tpu.memref_squeeze %dma_start3A_82 : memref<1x64xi32, #tpu.memory_space<vmem>> -> memref<64xi32, #tpu.memory_space<vmem>>
      %dma_start3A_84 = arith.constant 0 : i32
      %dma_start3A_85 = arith.constant 0 : i32
      %dma_start3A_86 = tpu.memref_slice %arg2[%dma_start3A_84, %dma_start3A_85] : memref<10240x128xf32, #tpu.memory_space<hbm>> -> memref<10240x128xf32, #tpu.memory_space<hbm>>
      tpu.enqueue_indirect_dma source(%dma_start3A_86 : memref<10240x128xf32, #tpu.memory_space<hbm>>) target(%arg9 : memref<64x128xf32, #tpu.memory_space<vmem>>) offsets(%dma_start3A_83 : memref<64xi32, #tpu.memory_space<vmem>>) semaphore(%arg12 : memref<!tpu.dma_semaphore, #tpu.memory_space<semaphore_mem>>)
      %dma_wait3A_87 = arith.constant 1 : i32
      %dma_wait3A_88 = arith.constant 0 : i32
      %dma_wait3A_89 = tpu.memref_slice %arg7[%dma_wait3A_87, %dma_wait3A_88] : memref<8x64xi32, #tpu.memory_space<vmem>> -> memref<1x64xi32, #tpu.memory_space<vmem>>
      %dma_wait3A_90 = tpu.memref_squeeze %dma_wait3A_89 : memref<1x64xi32, #tpu.memory_space<vmem>> -> memref<64xi32, #tpu.memory_space<vmem>>
      %dma_wait3A_91 = arith.constant 0 : i32
      %dma_wait3A_92 = arith.constant 0 : i32
      %dma_wait3A_93 = tpu.memref_slice %arg2[%dma_wait3A_91, %dma_wait3A_92] : memref<10240x128xf32, #tpu.memory_space<hbm>> -> memref<10240x128xf32, #tpu.memory_space<hbm>>
      tpu.wait_indirect_dma semaphore(%arg13 : memref<!tpu.dma_semaphore, #tpu.memory_space<semaphore_mem>>) src(%dma_wait3A_93 : memref<10240x128xf32, #tpu.memory_space<hbm>>) dst(%arg10 : memref<64x128xf32, #tpu.memory_space<vmem>>)
      %run_scoped3A_94 = arith.constant 1 : i32
      "tpu.region"() ({
        %run_scoped3A_213 = tpu.sem_alloc : memref<!tpu.dma_semaphore, #tpu.memory_space<semaphore_mem>>
        %dma_start3A_214 = arith.constant 0 : i32
        %dma_start3A_215 = tpu.memref_slice %arg8[%run_scoped3A_94, %dma_start3A_214] : memref<8x64xi32, #tpu.memory_space<vmem>> -> memref<1x64xi32, #tpu.memory_space<vmem>>
        %dma_start3A_216 = tpu.memref_squeeze %dma_start3A_215 : memref<1x64xi32, #tpu.memory_space<vmem>> -> memref<64xi32, #tpu.memory_space<vmem>>
        %dma_start3A_217 = arith.constant 0 : i32
        %dma_start3A_218 = arith.constant 0 : i32
        %dma_start3A_219 = tpu.memref_slice %arg11[%dma_start3A_217, %dma_start3A_218] : memref<10240x128xf32, #tpu.memory_space<vmem_shared>> -> memref<10240x128xf32, #tpu.memory_space<vmem_shared>>
        tpu.enqueue_indirect_dma source(%arg10 : memref<64x128xf32, #tpu.memory_space<vmem>>) target(%dma_start3A_219 : memref<10240x128xf32, #tpu.memory_space<vmem_shared>>) offsets(%dma_start3A_216 : memref<64xi32, #tpu.memory_space<vmem>>) semaphore(%run_scoped3A_213 : memref<!tpu.dma_semaphore, #tpu.memory_space<semaphore_mem>>) {add = true}
        %dma_wait3A_220 = arith.constant 0 : i32
        %dma_wait3A_221 = tpu.memref_slice %arg8[%run_scoped3A_94, %dma_wait3A_220] : memref<8x64xi32, #tpu.memory_space<vmem>> -> memref<1x64xi32, #tpu.memory_space<vmem>>
        %dma_wait3A_222 = tpu.memref_squeeze %dma_wait3A_221 : memref<1x64xi32, #tpu.memory_space<vmem>> -> memref<64xi32, #tpu.memory_space<vmem>>
        %dma_wait3A_223 = arith.constant 0 : i32
        %dma_wait3A_224 = arith.constant 0 : i32
        %dma_wait3A_225 = tpu.memref_slice %arg11[%dma_wait3A_223, %dma_wait3A_224] : memref<10240x128xf32, #tpu.memory_space<vmem_shared>> -> memref<10240x128xf32, #tpu.memory_space<vmem_shared>>
        tpu.wait_indirect_dma semaphore(%run_scoped3A_213 : memref<!tpu.dma_semaphore, #tpu.memory_space<semaphore_mem>>) src(%arg10 : memref<64x128xf32, #tpu.memory_space<vmem>>) dst(%dma_wait3A_225 : memref<10240x128xf32, #tpu.memory_space<vmem_shared>>)
        tpu.yield
      }) : () -> ()
      %scan3A_95 = arith.constant 0 : i32
      %scan3A_96 = arith.constant 4 : i32
      %scan3A_97 = arith.addi %scan3A_95, %scan3A_96 : i32
      %scan3A_98 = arith.constant 1 : i32
      scf.for %scan3A_213 = %scan3A_95 to %scan3A_97 step %scan3A_98  : i32 {
        %mul3A_214 = arith.constant 1 : i32
        %mul3A_215 = arith.muli %scan3A_213, %mul3A_214 : i32
        %add3A_216 = arith.constant 0 : i32
        %add3A_217 = arith.addi %add3A_216, %mul3A_215 : i32
        %mul3A_218 = arith.constant 16 : i32
        %mul3A_219 = arith.muli %add3A_217, %mul3A_218 : i32
        %get3A = arith.constant 1 : i32
        %get3A_220 = arith.index_cast %get3A : i32 to index
        %get3A_221 = arith.index_cast %mul3A_219 : i32 to index
        %get3A_222 = tpu.vector_load %arg8[%get3A_220, %get3A_221] {strides = array<i32>} : memref<8x64xi32, #tpu.memory_space<vmem>>, vector<16xi32>,
        tpu.vector_store_idx %arg14[%get3A_222], %broadcast_in_dim3A_31 {add = true} : memref<10240xf32, #tpu.memory_space<vmem>>[vector<16xi32>], vector<16xf32>,
      }
      %scan3A_99 = arith.constant 4 : i32
      %dma_start3A_100 = arith.constant 3 : i32
      %dma_start3A_101 = arith.constant 0 : i32
      %dma_start3A_102 = tpu.memref_slice %arg7[%dma_start3A_100, %dma_start3A_101] : memref<8x64xi32, #tpu.memory_space<vmem>> -> memref<1x64xi32, #tpu.memory_space<vmem>>
      %dma_start3A_103 = tpu.memref_squeeze %dma_start3A_102 : memref<1x64xi32, #tpu.memory_space<vmem>> -> memref<64xi32, #tpu.memory_space<vmem>>
      %dma_start3A_104 = arith.constant 0 : i32
      %dma_start3A_105 = arith.constant 0 : i32
      %dma_start3A_106 = tpu.memref_slice %arg2[%dma_start3A_104, %dma_start3A_105] : memref<10240x128xf32, #tpu.memory_space<hbm>> -> memref<10240x128xf32, #tpu.memory_space<hbm>>
      tpu.enqueue_indirect_dma source(%dma_start3A_106 : memref<10240x128xf32, #tpu.memory_space<hbm>>) target(%arg10 : memref<64x128xf32, #tpu.memory_space<vmem>>) offsets(%dma_start3A_103 : memref<64xi32, #tpu.memory_space<vmem>>) semaphore(%arg13 : memref<!tpu.dma_semaphore, #tpu.memory_space<semaphore_mem>>)
      %dma_wait3A_107 = arith.constant 2 : i32
      %dma_wait3A_108 = arith.constant 0 : i32
      %dma_wait3A_109 = tpu.memref_slice %arg7[%dma_wait3A_107, %dma_wait3A_108] : memref<8x64xi32, #tpu.memory_space<vmem>> -> memref<1x64xi32, #tpu.memory_space<vmem>>
      %dma_wait3A_110 = tpu.memref_squeeze %dma_wait3A_109 : memref<1x64xi32, #tpu.memory_space<vmem>> -> memref<64xi32, #tpu.memory_space<vmem>>
      %dma_wait3A_111 = arith.constant 0 : i32
      %dma_wait3A_112 = arith.constant 0 : i32
      %dma_wait3A_113 = tpu.memref_slice %arg2[%dma_wait3A_111, %dma_wait3A_112] : memref<10240x128xf32, #tpu.memory_space<hbm>> -> memref<10240x128xf32, #tpu.memory_space<hbm>>
      tpu.wait_indirect_dma semaphore(%arg12 : memref<!tpu.dma_semaphore, #tpu.memory_space<semaphore_mem>>) src(%dma_wait3A_113 : memref<10240x128xf32, #tpu.memory_space<hbm>>) dst(%arg9 : memref<64x128xf32, #tpu.memory_space<vmem>>)
      %run_scoped3A_114 = arith.constant 2 : i32
      "tpu.region"() ({
        %run_scoped3A_213 = tpu.sem_alloc : memref<!tpu.dma_semaphore, #tpu.memory_space<semaphore_mem>>
        %dma_start3A_214 = arith.constant 0 : i32
        %dma_start3A_215 = tpu.memref_slice %arg8[%run_scoped3A_114, %dma_start3A_214] : memref<8x64xi32, #tpu.memory_space<vmem>> -> memref<1x64xi32, #tpu.memory_space<vmem>>
        %dma_start3A_216 = tpu.memref_squeeze %dma_start3A_215 : memref<1x64xi32, #tpu.memory_space<vmem>> -> memref<64xi32, #tpu.memory_space<vmem>>
        %dma_start3A_217 = arith.constant 0 : i32
        %dma_start3A_218 = arith.constant 0 : i32
        %dma_start3A_219 = tpu.memref_slice %arg11[%dma_start3A_217, %dma_start3A_218] : memref<10240x128xf32, #tpu.memory_space<vmem_shared>> -> memref<10240x128xf32, #tpu.memory_space<vmem_shared>>
        tpu.enqueue_indirect_dma source(%arg9 : memref<64x128xf32, #tpu.memory_space<vmem>>) target(%dma_start3A_219 : memref<10240x128xf32, #tpu.memory_space<vmem_shared>>) offsets(%dma_start3A_216 : memref<64xi32, #tpu.memory_space<vmem>>) semaphore(%run_scoped3A_213 : memref<!tpu.dma_semaphore, #tpu.memory_space<semaphore_mem>>) {add = true}
        %dma_wait3A_220 = arith.constant 0 : i32
        %dma_wait3A_221 = tpu.memref_slice %arg8[%run_scoped3A_114, %dma_wait3A_220] : memref<8x64xi32, #tpu.memory_space<vmem>> -> memref<1x64xi32, #tpu.memory_space<vmem>>
        %dma_wait3A_222 = tpu.memref_squeeze %dma_wait3A_221 : memref<1x64xi32, #tpu.memory_space<vmem>> -> memref<64xi32, #tpu.memory_space<vmem>>
        %dma_wait3A_223 = arith.constant 0 : i32
        %dma_wait3A_224 = arith.constant 0 : i32
        %dma_wait3A_225 = tpu.memref_slice %arg11[%dma_wait3A_223, %dma_wait3A_224] : memref<10240x128xf32, #tpu.memory_space<vmem_shared>> -> memref<10240x128xf32, #tpu.memory_space<vmem_shared>>
        tpu.wait_indirect_dma semaphore(%run_scoped3A_213 : memref<!tpu.dma_semaphore, #tpu.memory_space<semaphore_mem>>) src(%arg9 : memref<64x128xf32, #tpu.memory_space<vmem>>) dst(%dma_wait3A_225 : memref<10240x128xf32, #tpu.memory_space<vmem_shared>>)
        tpu.yield
      }) : () -> ()
      %scan3A_115 = arith.constant 0 : i32
      %scan3A_116 = arith.constant 4 : i32
      %scan3A_117 = arith.addi %scan3A_115, %scan3A_116 : i32
      %scan3A_118 = arith.constant 1 : i32
      scf.for %scan3A_213 = %scan3A_115 to %scan3A_117 step %scan3A_118  : i32 {
        %mul3A_214 = arith.constant 1 : i32
        %mul3A_215 = arith.muli %scan3A_213, %mul3A_214 : i32
        %add3A_216 = arith.constant 0 : i32
        %add3A_217 = arith.addi %add3A_216, %mul3A_215 : i32
        %mul3A_218 = arith.constant 16 : i32
        %mul3A_219 = arith.muli %add3A_217, %mul3A_218 : i32
        %get3A = arith.constant 2 : i32
        %get3A_220 = arith.index_cast %get3A : i32 to index
        %get3A_221 = arith.index_cast %mul3A_219 : i32 to index
        %get3A_222 = tpu.vector_load %arg8[%get3A_220, %get3A_221] {strides = array<i32>} : memref<8x64xi32, #tpu.memory_space<vmem>>, vector<16xi32>,
        tpu.vector_store_idx %arg14[%get3A_222], %broadcast_in_dim3A_31 {add = true} : memref<10240xf32, #tpu.memory_space<vmem>>[vector<16xi32>], vector<16xf32>,
      }
      %scan3A_119 = arith.constant 4 : i32
      %dma_start3A_120 = arith.constant 4 : i32
      %dma_start3A_121 = arith.constant 0 : i32
      %dma_start3A_122 = tpu.memref_slice %arg7[%dma_start3A_120, %dma_start3A_121] : memref<8x64xi32, #tpu.memory_space<vmem>> -> memref<1x64xi32, #tpu.memory_space<vmem>>
      %dma_start3A_123 = tpu.memref_squeeze %dma_start3A_122 : memref<1x64xi32, #tpu.memory_space<vmem>> -> memref<64xi32, #tpu.memory_space<vmem>>
      %dma_start3A_124 = arith.constant 0 : i32
      %dma_start3A_125 = arith.constant 0 : i32
      %dma_start3A_126 = tpu.memref_slice %arg2[%dma_start3A_124, %dma_start3A_125] : memref<10240x128xf32, #tpu.memory_space<hbm>> -> memref<10240x128xf32, #tpu.memory_space<hbm>>
      tpu.enqueue_indirect_dma source(%dma_start3A_126 : memref<10240x128xf32, #tpu.memory_space<hbm>>) target(%arg9 : memref<64x128xf32, #tpu.memory_space<vmem>>) offsets(%dma_start3A_123 : memref<64xi32, #tpu.memory_space<vmem>>) semaphore(%arg12 : memref<!tpu.dma_semaphore, #tpu.memory_space<semaphore_mem>>)
      %dma_wait3A_127 = arith.constant 3 : i32
      %dma_wait3A_128 = arith.constant 0 : i32
      %dma_wait3A_129 = tpu.memref_slice %arg7[%dma_wait3A_127, %dma_wait3A_128] : memref<8x64xi32, #tpu.memory_space<vmem>> -> memref<1x64xi32, #tpu.memory_space<vmem>>
      %dma_wait3A_130 = tpu.memref_squeeze %dma_wait3A_129 : memref<1x64xi32, #tpu.memory_space<vmem>> -> memref<64xi32, #tpu.memory_space<vmem>>
      %dma_wait3A_131 = arith.constant 0 : i32
      %dma_wait3A_132 = arith.constant 0 : i32
      %dma_wait3A_133 = tpu.memref_slice %arg2[%dma_wait3A_131, %dma_wait3A_132] : memref<10240x128xf32, #tpu.memory_space<hbm>> -> memref<10240x128xf32, #tpu.memory_space<hbm>>
      tpu.wait_indirect_dma semaphore(%arg13 : memref<!tpu.dma_semaphore, #tpu.memory_space<semaphore_mem>>) src(%dma_wait3A_133 : memref<10240x128xf32, #tpu.memory_space<hbm>>) dst(%arg10 : memref<64x128xf32, #tpu.memory_space<vmem>>)
      %run_scoped3A_134 = arith.constant 3 : i32
      "tpu.region"() ({
        %run_scoped3A_213 = tpu.sem_alloc : memref<!tpu.dma_semaphore, #tpu.memory_space<semaphore_mem>>
        %dma_start3A_214 = arith.constant 0 : i32
        %dma_start3A_215 = tpu.memref_slice %arg8[%run_scoped3A_134, %dma_start3A_214] : memref<8x64xi32, #tpu.memory_space<vmem>> -> memref<1x64xi32, #tpu.memory_space<vmem>>
        %dma_start3A_216 = tpu.memref_squeeze %dma_start3A_215 : memref<1x64xi32, #tpu.memory_space<vmem>> -> memref<64xi32, #tpu.memory_space<vmem>>
        %dma_start3A_217 = arith.constant 0 : i32
        %dma_start3A_218 = arith.constant 0 : i32
        %dma_start3A_219 = tpu.memref_slice %arg11[%dma_start3A_217, %dma_start3A_218] : memref<10240x128xf32, #tpu.memory_space<vmem_shared>> -> memref<10240x128xf32, #tpu.memory_space<vmem_shared>>
        tpu.enqueue_indirect_dma source(%arg10 : memref<64x128xf32, #tpu.memory_space<vmem>>) target(%dma_start3A_219 : memref<10240x128xf32, #tpu.memory_space<vmem_shared>>) offsets(%dma_start3A_216 : memref<64xi32, #tpu.memory_space<vmem>>) semaphore(%run_scoped3A_213 : memref<!tpu.dma_semaphore, #tpu.memory_space<semaphore_mem>>) {add = true}
        %dma_wait3A_220 = arith.constant 0 : i32
        %dma_wait3A_221 = tpu.memref_slice %arg8[%run_scoped3A_134, %dma_wait3A_220] : memref<8x64xi32, #tpu.memory_space<vmem>> -> memref<1x64xi32, #tpu.memory_space<vmem>>
        %dma_wait3A_222 = tpu.memref_squeeze %dma_wait3A_221 : memref<1x64xi32, #tpu.memory_space<vmem>> -> memref<64xi32, #tpu.memory_space<vmem>>
        %dma_wait3A_223 = arith.constant 0 : i32
        %dma_wait3A_224 = arith.constant 0 : i32
        %dma_wait3A_225 = tpu.memref_slice %arg11[%dma_wait3A_223, %dma_wait3A_224] : memref<10240x128xf32, #tpu.memory_space<vmem_shared>> -> memref<10240x128xf32, #tpu.memory_space<vmem_shared>>
        tpu.wait_indirect_dma semaphore(%run_scoped3A_213 : memref<!tpu.dma_semaphore, #tpu.memory_space<semaphore_mem>>) src(%arg10 : memref<64x128xf32, #tpu.memory_space<vmem>>) dst(%dma_wait3A_225 : memref<10240x128xf32, #tpu.memory_space<vmem_shared>>)
        tpu.yield
      }) : () -> ()
      %scan3A_135 = arith.constant 0 : i32
      %scan3A_136 = arith.constant 4 : i32
      %scan3A_137 = arith.addi %scan3A_135, %scan3A_136 : i32
      %scan3A_138 = arith.constant 1 : i32
      scf.for %scan3A_213 = %scan3A_135 to %scan3A_137 step %scan3A_138  : i32 {
        %mul3A_214 = arith.constant 1 : i32
        %mul3A_215 = arith.muli %scan3A_213, %mul3A_214 : i32
        %add3A_216 = arith.constant 0 : i32
        %add3A_217 = arith.addi %add3A_216, %mul3A_215 : i32
        %mul3A_218 = arith.constant 16 : i32
        %mul3A_219 = arith.muli %add3A_217, %mul3A_218 : i32
        %get3A = arith.constant 3 : i32
        %get3A_220 = arith.index_cast %get3A : i32 to index
        %get3A_221 = arith.index_cast %mul3A_219 : i32 to index
        %get3A_222 = tpu.vector_load %arg8[%get3A_220, %get3A_221] {strides = array<i32>} : memref<8x64xi32, #tpu.memory_space<vmem>>, vector<16xi32>,
        tpu.vector_store_idx %arg14[%get3A_222], %broadcast_in_dim3A_31 {add = true} : memref<10240xf32, #tpu.memory_space<vmem>>[vector<16xi32>], vector<16xf32>,
      }
      %scan3A_139 = arith.constant 4 : i32
      %dma_start3A_140 = arith.constant 5 : i32
      %dma_start3A_141 = arith.constant 0 : i32
      %dma_start3A_142 = tpu.memref_slice %arg7[%dma_start3A_140, %dma_start3A_141] : memref<8x64xi32, #tpu.memory_space<vmem>> -> memref<1x64xi32, #tpu.memory_space<vmem>>
      %dma_start3A_143 = tpu.memref_squeeze %dma_start3A_142 : memref<1x64xi32, #tpu.memory_space<vmem>> -> memref<64xi32, #tpu.memory_space<vmem>>
      %dma_start3A_144 = arith.constant 0 : i32
      %dma_start3A_145 = arith.constant 0 : i32
      %dma_start3A_146 = tpu.memref_slice %arg2[%dma_start3A_144, %dma_start3A_145] : memref<10240x128xf32, #tpu.memory_space<hbm>> -> memref<10240x128xf32, #tpu.memory_space<hbm>>
      tpu.enqueue_indirect_dma source(%dma_start3A_146 : memref<10240x128xf32, #tpu.memory_space<hbm>>) target(%arg10 : memref<64x128xf32, #tpu.memory_space<vmem>>) offsets(%dma_start3A_143 : memref<64xi32, #tpu.memory_space<vmem>>) semaphore(%arg13 : memref<!tpu.dma_semaphore, #tpu.memory_space<semaphore_mem>>)
      %dma_wait3A_147 = arith.constant 4 : i32
      %dma_wait3A_148 = arith.constant 0 : i32
      %dma_wait3A_149 = tpu.memref_slice %arg7[%dma_wait3A_147, %dma_wait3A_148] : memref<8x64xi32, #tpu.memory_space<vmem>> -> memref<1x64xi32, #tpu.memory_space<vmem>>
      %dma_wait3A_150 = tpu.memref_squeeze %dma_wait3A_149 : memref<1x64xi32, #tpu.memory_space<vmem>> -> memref<64xi32, #tpu.memory_space<vmem>>
      %dma_wait3A_151 = arith.constant 0 : i32
      %dma_wait3A_152 = arith.constant 0 : i32
      %dma_wait3A_153 = tpu.memref_slice %arg2[%dma_wait3A_151, %dma_wait3A_152] : memref<10240x128xf32, #tpu.memory_space<hbm>> -> memref<10240x128xf32, #tpu.memory_space<hbm>>
      tpu.wait_indirect_dma semaphore(%arg12 : memref<!tpu.dma_semaphore, #tpu.memory_space<semaphore_mem>>) src(%dma_wait3A_153 : memref<10240x128xf32, #tpu.memory_space<hbm>>) dst(%arg9 : memref<64x128xf32, #tpu.memory_space<vmem>>)
      %run_scoped3A_154 = arith.constant 4 : i32
      "tpu.region"() ({
        %run_scoped3A_213 = tpu.sem_alloc : memref<!tpu.dma_semaphore, #tpu.memory_space<semaphore_mem>>
        %dma_start3A_214 = arith.constant 0 : i32
        %dma_start3A_215 = tpu.memref_slice %arg8[%run_scoped3A_154, %dma_start3A_214] : memref<8x64xi32, #tpu.memory_space<vmem>> -> memref<1x64xi32, #tpu.memory_space<vmem>>
        %dma_start3A_216 = tpu.memref_squeeze %dma_start3A_215 : memref<1x64xi32, #tpu.memory_space<vmem>> -> memref<64xi32, #tpu.memory_space<vmem>>
        %dma_start3A_217 = arith.constant 0 : i32
        %dma_start3A_218 = arith.constant 0 : i32
        %dma_start3A_219 = tpu.memref_slice %arg11[%dma_start3A_217, %dma_start3A_218] : memref<10240x128xf32, #tpu.memory_space<vmem_shared>> -> memref<10240x128xf32, #tpu.memory_space<vmem_shared>>
        tpu.enqueue_indirect_dma source(%arg9 : memref<64x128xf32, #tpu.memory_space<vmem>>) target(%dma_start3A_219 : memref<10240x128xf32, #tpu.memory_space<vmem_shared>>) offsets(%dma_start3A_216 : memref<64xi32, #tpu.memory_space<vmem>>) semaphore(%run_scoped3A_213 : memref<!tpu.dma_semaphore, #tpu.memory_space<semaphore_mem>>) {add = true}
        %dma_wait3A_220 = arith.constant 0 : i32
        %dma_wait3A_221 = tpu.memref_slice %arg8[%run_scoped3A_154, %dma_wait3A_220] : memref<8x64xi32, #tpu.memory_space<vmem>> -> memref<1x64xi32, #tpu.memory_space<vmem>>
        %dma_wait3A_222 = tpu.memref_squeeze %dma_wait3A_221 : memref<1x64xi32, #tpu.memory_space<vmem>> -> memref<64xi32, #tpu.memory_space<vmem>>
        %dma_wait3A_223 = arith.constant 0 : i32
        %dma_wait3A_224 = arith.constant 0 : i32
        %dma_wait3A_225 = tpu.memref_slice %arg11[%dma_wait3A_223, %dma_wait3A_224] : memref<10240x128xf32, #tpu.memory_space<vmem_shared>> -> memref<10240x128xf32, #tpu.memory_space<vmem_shared>>
        tpu.wait_indirect_dma semaphore(%run_scoped3A_213 : memref<!tpu.dma_semaphore, #tpu.memory_space<semaphore_mem>>) src(%arg9 : memref<64x128xf32, #tpu.memory_space<vmem>>) dst(%dma_wait3A_225 : memref<10240x128xf32, #tpu.memory_space<vmem_shared>>)
        tpu.yield
      }) : () -> ()
      %scan3A_155 = arith.constant 0 : i32
      %scan3A_156 = arith.constant 4 : i32
      %scan3A_157 = arith.addi %scan3A_155, %scan3A_156 : i32
      %scan3A_158 = arith.constant 1 : i32
      scf.for %scan3A_213 = %scan3A_155 to %scan3A_157 step %scan3A_158  : i32 {
        %mul3A_214 = arith.constant 1 : i32
        %mul3A_215 = arith.muli %scan3A_213, %mul3A_214 : i32
        %add3A_216 = arith.constant 0 : i32
        %add3A_217 = arith.addi %add3A_216, %mul3A_215 : i32
        %mul3A_218 = arith.constant 16 : i32
        %mul3A_219 = arith.muli %add3A_217, %mul3A_218 : i32
        %get3A = arith.constant 4 : i32
        %get3A_220 = arith.index_cast %get3A : i32 to index
        %get3A_221 = arith.index_cast %mul3A_219 : i32 to index
        %get3A_222 = tpu.vector_load %arg8[%get3A_220, %get3A_221] {strides = array<i32>} : memref<8x64xi32, #tpu.memory_space<vmem>>, vector<16xi32>,
        tpu.vector_store_idx %arg14[%get3A_222], %broadcast_in_dim3A_31 {add = true} : memref<10240xf32, #tpu.memory_space<vmem>>[vector<16xi32>], vector<16xf32>,
      }
      %scan3A_159 = arith.constant 4 : i32
      %dma_start3A_160 = arith.constant 6 : i32
      %dma_start3A_161 = arith.constant 0 : i32
      %dma_start3A_162 = tpu.memref_slice %arg7[%dma_start3A_160, %dma_start3A_161] : memref<8x64xi32, #tpu.memory_space<vmem>> -> memref<1x64xi32, #tpu.memory_space<vmem>>
      %dma_start3A_163 = tpu.memref_squeeze %dma_start3A_162 : memref<1x64xi32, #tpu.memory_space<vmem>> -> memref<64xi32, #tpu.memory_space<vmem>>
      %dma_start3A_164 = arith.constant 0 : i32
      %dma_start3A_165 = arith.constant 0 : i32
      %dma_start3A_166 = tpu.memref_slice %arg2[%dma_start3A_164, %dma_start3A_165] : memref<10240x128xf32, #tpu.memory_space<hbm>> -> memref<10240x128xf32, #tpu.memory_space<hbm>>
      tpu.enqueue_indirect_dma source(%dma_start3A_166 : memref<10240x128xf32, #tpu.memory_space<hbm>>) target(%arg9 : memref<64x128xf32, #tpu.memory_space<vmem>>) offsets(%dma_start3A_163 : memref<64xi32, #tpu.memory_space<vmem>>) semaphore(%arg12 : memref<!tpu.dma_semaphore, #tpu.memory_space<semaphore_mem>>)
      %dma_wait3A_167 = arith.constant 5 : i32
      %dma_wait3A_168 = arith.constant 0 : i32
      %dma_wait3A_169 = tpu.memref_slice %arg7[%dma_wait3A_167, %dma_wait3A_168] : memref<8x64xi32, #tpu.memory_space<vmem>> -> memref<1x64xi32, #tpu.memory_space<vmem>>
      %dma_wait3A_170 = tpu.memref_squeeze %dma_wait3A_169 : memref<1x64xi32, #tpu.memory_space<vmem>> -> memref<64xi32, #tpu.memory_space<vmem>>
      %dma_wait3A_171 = arith.constant 0 : i32
      %dma_wait3A_172 = arith.constant 0 : i32
      %dma_wait3A_173 = tpu.memref_slice %arg2[%dma_wait3A_171, %dma_wait3A_172] : memref<10240x128xf32, #tpu.memory_space<hbm>> -> memref<10240x128xf32, #tpu.memory_space<hbm>>
      tpu.wait_indirect_dma semaphore(%arg13 : memref<!tpu.dma_semaphore, #tpu.memory_space<semaphore_mem>>) src(%dma_wait3A_173 : memref<10240x128xf32, #tpu.memory_space<hbm>>) dst(%arg10 : memref<64x128xf32, #tpu.memory_space<vmem>>)
      %run_scoped3A_174 = arith.constant 5 : i32
      "tpu.region"() ({
        %run_scoped3A_213 = tpu.sem_alloc : memref<!tpu.dma_semaphore, #tpu.memory_space<semaphore_mem>>
        %dma_start3A_214 = arith.constant 0 : i32
        %dma_start3A_215 = tpu.memref_slice %arg8[%run_scoped3A_174, %dma_start3A_214] : memref<8x64xi32, #tpu.memory_space<vmem>> -> memref<1x64xi32, #tpu.memory_space<vmem>>
        %dma_start3A_216 = tpu.memref_squeeze %dma_start3A_215 : memref<1x64xi32, #tpu.memory_space<vmem>> -> memref<64xi32, #tpu.memory_space<vmem>>
        %dma_start3A_217 = arith.constant 0 : i32
        %dma_start3A_218 = arith.constant 0 : i32
        %dma_start3A_219 = tpu.memref_slice %arg11[%dma_start3A_217, %dma_start3A_218] : memref<10240x128xf32, #tpu.memory_space<vmem_shared>> -> memref<10240x128xf32, #tpu.memory_space<vmem_shared>>
        tpu.enqueue_indirect_dma source(%arg10 : memref<64x128xf32, #tpu.memory_space<vmem>>) target(%dma_start3A_219 : memref<10240x128xf32, #tpu.memory_space<vmem_shared>>) offsets(%dma_start3A_216 : memref<64xi32, #tpu.memory_space<vmem>>) semaphore(%run_scoped3A_213 : memref<!tpu.dma_semaphore, #tpu.memory_space<semaphore_mem>>) {add = true}
        %dma_wait3A_220 = arith.constant 0 : i32
        %dma_wait3A_221 = tpu.memref_slice %arg8[%run_scoped3A_174, %dma_wait3A_220] : memref<8x64xi32, #tpu.memory_space<vmem>> -> memref<1x64xi32, #tpu.memory_space<vmem>>
        %dma_wait3A_222 = tpu.memref_squeeze %dma_wait3A_221 : memref<1x64xi32, #tpu.memory_space<vmem>> -> memref<64xi32, #tpu.memory_space<vmem>>
        %dma_wait3A_223 = arith.constant 0 : i32
        %dma_wait3A_224 = arith.constant 0 : i32
        %dma_wait3A_225 = tpu.memref_slice %arg11[%dma_wait3A_223, %dma_wait3A_224] : memref<10240x128xf32, #tpu.memory_space<vmem_shared>> -> memref<10240x128xf32, #tpu.memory_space<vmem_shared>>
        tpu.wait_indirect_dma semaphore(%run_scoped3A_213 : memref<!tpu.dma_semaphore, #tpu.memory_space<semaphore_mem>>) src(%arg10 : memref<64x128xf32, #tpu.memory_space<vmem>>) dst(%dma_wait3A_225 : memref<10240x128xf32, #tpu.memory_space<vmem_shared>>)
        tpu.yield
      }) : () -> ()
      %scan3A_175 = arith.constant 0 : i32
      %scan3A_176 = arith.constant 4 : i32
      %scan3A_177 = arith.addi %scan3A_175, %scan3A_176 : i32
      %scan3A_178 = arith.constant 1 : i32
      scf.for %scan3A_213 = %scan3A_175 to %scan3A_177 step %scan3A_178  : i32 {
        %mul3A_214 = arith.constant 1 : i32
        %mul3A_215 = arith.muli %scan3A_213, %mul3A_214 : i32
        %add3A_216 = arith.constant 0 : i32
        %add3A_217 = arith.addi %add3A_216, %mul3A_215 : i32
        %mul3A_218 = arith.constant 16 : i32
        %mul3A_219 = arith.muli %add3A_217, %mul3A_218 : i32
        %get3A = arith.constant 5 : i32
        %get3A_220 = arith.index_cast %get3A : i32 to index
        %get3A_221 = arith.index_cast %mul3A_219 : i32 to index
        %get3A_222 = tpu.vector_load %arg8[%get3A_220, %get3A_221] {strides = array<i32>} : memref<8x64xi32, #tpu.memory_space<vmem>>, vector<16xi32>,
        tpu.vector_store_idx %arg14[%get3A_222], %broadcast_in_dim3A_31 {add = true} : memref<10240xf32, #tpu.memory_space<vmem>>[vector<16xi32>], vector<16xf32>,
      }
      %scan3A_179 = arith.constant 4 : i32
      %dma_start3A_180 = arith.constant 7 : i32
      %dma_start3A_181 = arith.constant 0 : i32
      %dma_start3A_182 = tpu.memref_slice %arg7[%dma_start3A_180, %dma_start3A_181] : memref<8x64xi32, #tpu.memory_space<vmem>> -> memref<1x64xi32, #tpu.memory_space<vmem>>
      %dma_start3A_183 = tpu.memref_squeeze %dma_start3A_182 : memref<1x64xi32, #tpu.memory_space<vmem>> -> memref<64xi32, #tpu.memory_space<vmem>>
      %dma_start3A_184 = arith.constant 0 : i32
      %dma_start3A_185 = arith.constant 0 : i32
      %dma_start3A_186 = tpu.memref_slice %arg2[%dma_start3A_184, %dma_start3A_185] : memref<10240x128xf32, #tpu.memory_space<hbm>> -> memref<10240x128xf32, #tpu.memory_space<hbm>>
      tpu.enqueue_indirect_dma source(%dma_start3A_186 : memref<10240x128xf32, #tpu.memory_space<hbm>>) target(%arg10 : memref<64x128xf32, #tpu.memory_space<vmem>>) offsets(%dma_start3A_183 : memref<64xi32, #tpu.memory_space<vmem>>) semaphore(%arg13 : memref<!tpu.dma_semaphore, #tpu.memory_space<semaphore_mem>>)
      %dma_wait3A_187 = arith.constant 6 : i32
      %dma_wait3A_188 = arith.constant 0 : i32
      %dma_wait3A_189 = tpu.memref_slice %arg7[%dma_wait3A_187, %dma_wait3A_188] : memref<8x64xi32, #tpu.memory_space<vmem>> -> memref<1x64xi32, #tpu.memory_space<vmem>>
      %dma_wait3A_190 = tpu.memref_squeeze %dma_wait3A_189 : memref<1x64xi32, #tpu.memory_space<vmem>> -> memref<64xi32, #tpu.memory_space<vmem>>
      %dma_wait3A_191 = arith.constant 0 : i32
      %dma_wait3A_192 = arith.constant 0 : i32
      %dma_wait3A_193 = tpu.memref_slice %arg2[%dma_wait3A_191, %dma_wait3A_192] : memref<10240x128xf32, #tpu.memory_space<hbm>> -> memref<10240x128xf32, #tpu.memory_space<hbm>>
      tpu.wait_indirect_dma semaphore(%arg12 : memref<!tpu.dma_semaphore, #tpu.memory_space<semaphore_mem>>) src(%dma_wait3A_193 : memref<10240x128xf32, #tpu.memory_space<hbm>>) dst(%arg9 : memref<64x128xf32, #tpu.memory_space<vmem>>)
      %run_scoped3A_194 = arith.constant 6 : i32
      "tpu.region"() ({
        %run_scoped3A_213 = tpu.sem_alloc : memref<!tpu.dma_semaphore, #tpu.memory_space<semaphore_mem>>
        %dma_start3A_214 = arith.constant 0 : i32
        %dma_start3A_215 = tpu.memref_slice %arg8[%run_scoped3A_194, %dma_start3A_214] : memref<8x64xi32, #tpu.memory_space<vmem>> -> memref<1x64xi32, #tpu.memory_space<vmem>>
        %dma_start3A_216 = tpu.memref_squeeze %dma_start3A_215 : memref<1x64xi32, #tpu.memory_space<vmem>> -> memref<64xi32, #tpu.memory_space<vmem>>
        %dma_start3A_217 = arith.constant 0 : i32
        %dma_start3A_218 = arith.constant 0 : i32
        %dma_start3A_219 = tpu.memref_slice %arg11[%dma_start3A_217, %dma_start3A_218] : memref<10240x128xf32, #tpu.memory_space<vmem_shared>> -> memref<10240x128xf32, #tpu.memory_space<vmem_shared>>
        tpu.enqueue_indirect_dma source(%arg9 : memref<64x128xf32, #tpu.memory_space<vmem>>) target(%dma_start3A_219 : memref<10240x128xf32, #tpu.memory_space<vmem_shared>>) offsets(%dma_start3A_216 : memref<64xi32, #tpu.memory_space<vmem>>) semaphore(%run_scoped3A_213 : memref<!tpu.dma_semaphore, #tpu.memory_space<semaphore_mem>>) {add = true}
        %dma_wait3A_220 = arith.constant 0 : i32
        %dma_wait3A_221 = tpu.memref_slice %arg8[%run_scoped3A_194, %dma_wait3A_220] : memref<8x64xi32, #tpu.memory_space<vmem>> -> memref<1x64xi32, #tpu.memory_space<vmem>>
        %dma_wait3A_222 = tpu.memref_squeeze %dma_wait3A_221 : memref<1x64xi32, #tpu.memory_space<vmem>> -> memref<64xi32, #tpu.memory_space<vmem>>
        %dma_wait3A_223 = arith.constant 0 : i32
        %dma_wait3A_224 = arith.constant 0 : i32
        %dma_wait3A_225 = tpu.memref_slice %arg11[%dma_wait3A_223, %dma_wait3A_224] : memref<10240x128xf32, #tpu.memory_space<vmem_shared>> -> memref<10240x128xf32, #tpu.memory_space<vmem_shared>>
        tpu.wait_indirect_dma semaphore(%run_scoped3A_213 : memref<!tpu.dma_semaphore, #tpu.memory_space<semaphore_mem>>) src(%arg9 : memref<64x128xf32, #tpu.memory_space<vmem>>) dst(%dma_wait3A_225 : memref<10240x128xf32, #tpu.memory_space<vmem_shared>>)
        tpu.yield
      }) : () -> ()
      %scan3A_195 = arith.constant 0 : i32
      %scan3A_196 = arith.constant 4 : i32
      %scan3A_197 = arith.addi %scan3A_195, %scan3A_196 : i32
      %scan3A_198 = arith.constant 1 : i32
      scf.for %scan3A_213 = %scan3A_195 to %scan3A_197 step %scan3A_198  : i32 {
        %mul3A_214 = arith.constant 1 : i32
        %mul3A_215 = arith.muli %scan3A_213, %mul3A_214 : i32
        %add3A_216 = arith.constant 0 : i32
        %add3A_217 = arith.addi %add3A_216, %mul3A_215 : i32
        %mul3A_218 = arith.constant 16 : i32
        %mul3A_219 = arith.muli %add3A_217, %mul3A_218 : i32
        %get3A = arith.constant 6 : i32
        %get3A_220 = arith.index_cast %get3A : i32 to index
        %get3A_221 = arith.index_cast %mul3A_219 : i32 to index
        %get3A_222 = tpu.vector_load %arg8[%get3A_220, %get3A_221] {strides = array<i32>} : memref<8x64xi32, #tpu.memory_space<vmem>>, vector<16xi32>,
        tpu.vector_store_idx %arg14[%get3A_222], %broadcast_in_dim3A_31 {add = true} : memref<10240xf32, #tpu.memory_space<vmem>>[vector<16xi32>], vector<16xf32>,
      }
      %scan3A_199 = arith.constant 4 : i32
      %dma_wait3A_200 = arith.constant 7 : i32
      %dma_wait3A_201 = arith.constant 0 : i32
      %dma_wait3A_202 = tpu.memref_slice %arg7[%dma_wait3A_200, %dma_wait3A_201] : memref<8x64xi32, #tpu.memory_space<vmem>> -> memref<1x64xi32, #tpu.memory_space<vmem>>
      %dma_wait3A_203 = tpu.memref_squeeze %dma_wait3A_202 : memref<1x64xi32, #tpu.memory_space<vmem>> -> memref<64xi32, #tpu.memory_space<vmem>>
      %dma_wait3A_204 = arith.constant 0 : i32
      %dma_wait3A_205 = arith.constant 0 : i32
      %dma_wait3A_206 = tpu.memref_slice %arg2[%dma_wait3A_204, %dma_wait3A_205] : memref<10240x128xf32, #tpu.memory_space<hbm>> -> memref<10240x128xf32, #tpu.memory_space<hbm>>
      tpu.wait_indirect_dma semaphore(%arg13 : memref<!tpu.dma_semaphore, #tpu.memory_space<semaphore_mem>>) src(%dma_wait3A_206 : memref<10240x128xf32, #tpu.memory_space<hbm>>) dst(%arg10 : memref<64x128xf32, #tpu.memory_space<vmem>>)
      %run_scoped3A_207 = arith.constant 7 : i32
      "tpu.region"() ({
        %run_scoped3A_213 = tpu.sem_alloc : memref<!tpu.dma_semaphore, #tpu.memory_space<semaphore_mem>>
        %dma_start3A_214 = arith.constant 0 : i32
        %dma_start3A_215 = tpu.memref_slice %arg8[%run_scoped3A_207, %dma_start3A_214] : memref<8x64xi32, #tpu.memory_space<vmem>> -> memref<1x64xi32, #tpu.memory_space<vmem>>
        %dma_start3A_216 = tpu.memref_squeeze %dma_start3A_215 : memref<1x64xi32, #tpu.memory_space<vmem>> -> memref<64xi32, #tpu.memory_space<vmem>>
        %dma_start3A_217 = arith.constant 0 : i32
        %dma_start3A_218 = arith.constant 0 : i32
        %dma_start3A_219 = tpu.memref_slice %arg11[%dma_start3A_217, %dma_start3A_218] : memref<10240x128xf32, #tpu.memory_space<vmem_shared>> -> memref<10240x128xf32, #tpu.memory_space<vmem_shared>>
        tpu.enqueue_indirect_dma source(%arg10 : memref<64x128xf32, #tpu.memory_space<vmem>>) target(%dma_start3A_219 : memref<10240x128xf32, #tpu.memory_space<vmem_shared>>) offsets(%dma_start3A_216 : memref<64xi32, #tpu.memory_space<vmem>>) semaphore(%run_scoped3A_213 : memref<!tpu.dma_semaphore, #tpu.memory_space<semaphore_mem>>) {add = true}
        %dma_wait3A_220 = arith.constant 0 : i32
        %dma_wait3A_221 = tpu.memref_slice %arg8[%run_scoped3A_207, %dma_wait3A_220] : memref<8x64xi32, #tpu.memory_space<vmem>> -> memref<1x64xi32, #tpu.memory_space<vmem>>
        %dma_wait3A_222 = tpu.memref_squeeze %dma_wait3A_221 : memref<1x64xi32, #tpu.memory_space<vmem>> -> memref<64xi32, #tpu.memory_space<vmem>>
        %dma_wait3A_223 = arith.constant 0 : i32
        %dma_wait3A_224 = arith.constant 0 : i32
        %dma_wait3A_225 = tpu.memref_slice %arg11[%dma_wait3A_223, %dma_wait3A_224] : memref<10240x128xf32, #tpu.memory_space<vmem_shared>> -> memref<10240x128xf32, #tpu.memory_space<vmem_shared>>
        tpu.wait_indirect_dma semaphore(%run_scoped3A_213 : memref<!tpu.dma_semaphore, #tpu.memory_space<semaphore_mem>>) src(%arg10 : memref<64x128xf32, #tpu.memory_space<vmem>>) dst(%dma_wait3A_225 : memref<10240x128xf32, #tpu.memory_space<vmem_shared>>)
        tpu.yield
      }) : () -> ()
      %scan3A_208 = arith.constant 0 : i32
      %scan3A_209 = arith.constant 4 : i32
      %scan3A_210 = arith.addi %scan3A_208, %scan3A_209 : i32
      %scan3A_211 = arith.constant 1 : i32
      scf.for %scan3A_213 = %scan3A_208 to %scan3A_210 step %scan3A_211  : i32 {
        %mul3A_214 = arith.constant 1 : i32
        %mul3A_215 = arith.muli %scan3A_213, %mul3A_214 : i32
        %add3A_216 = arith.constant 0 : i32
        %add3A_217 = arith.addi %add3A_216, %mul3A_215 : i32
        %mul3A_218 = arith.constant 16 : i32
        %mul3A_219 = arith.muli %add3A_217, %mul3A_218 : i32
        %get3A = arith.constant 7 : i32
        %get3A_220 = arith.index_cast %get3A : i32 to index
        %get3A_221 = arith.index_cast %mul3A_219 : i32 to index
        %get3A_222 = tpu.vector_load %arg8[%get3A_220, %get3A_221] {strides = array<i32>} : memref<8x64xi32, #tpu.memory_space<vmem>>, vector<16xi32>,
        tpu.vector_store_idx %arg14[%get3A_222], %broadcast_in_dim3A_31 {add = true} : memref<10240xf32, #tpu.memory_space<vmem>>[vector<16xi32>], vector<16xf32>,
      }
      %scan3A_212 = arith.constant 4 : i32
    }
    %while3A_48 = arith.constant 1 : i32
    scf.for %while3A_50 = %while3A_46 to %while3A_42 step %while3A_48  : i32 {
      %mul3A_51 = arith.muli %while3A_50, %while3A : i32
      %add3A_52 = arith.addi %while3A_39, %mul3A_51 : i32
      %mul3A_53 = arith.constant 8 : i32
      %mul3A_54 = arith.muli %add3A_52, %mul3A_53 : i32
      %add3A_55 = arith.addi %add3A_16, %mul3A_54 : i32
      "tpu.region"() ({
        %run_scoped3A_213 = tpu.sem_alloc : memref<!tpu.dma_semaphore, #tpu.memory_space<semaphore_mem>>
        %dma_start3A_214 = arith.constant 0 : i32
        %dma_start3A_215 = tpu.memref_slice %arg3[%add3A_55, %dma_start3A_214] : memref<5120x64xi32, #tpu.memory_space<hbm>> -> memref<8x64xi32, #tpu.memory_space<hbm>>
        %dma_start3A_216 = arith.constant 0 : i32
        %dma_start3A_217 = tpu.memref_slice %arg3[%add3A_55, %dma_start3A_216] : memref<5120x64xi32, #tpu.memory_space<hbm>> -> memref<8x64xi32, #tpu.memory_space<hbm>>
        tpu.enqueue_dma source(%dma_start3A_217 : memref<8x64xi32, #tpu.memory_space<hbm>>) target(%arg7 : memref<8x64xi32, #tpu.memory_space<vmem>>) target_semaphore(%run_scoped3A_213 : memref<!tpu.dma_semaphore, #tpu.memory_space<semaphore_mem>>)
        %dma_wait3A_218 = arith.constant 0 : i32
        %dma_wait3A_219 = tpu.memref_slice %arg3[%add3A_55, %dma_wait3A_218] : memref<5120x64xi32, #tpu.memory_space<hbm>> -> memref<8x64xi32, #tpu.memory_space<hbm>>
        %dma_wait3A_220 = arith.constant 0 : i32
        %dma_wait3A_221 = tpu.memref_slice %arg3[%add3A_55, %dma_wait3A_220] : memref<5120x64xi32, #tpu.memory_space<hbm>> -> memref<8x64xi32, #tpu.memory_space<hbm>>
        tpu.wait_dma2 semaphore(%run_scoped3A_213 : memref<!tpu.dma_semaphore, #tpu.memory_space<semaphore_mem>>) src(%dma_wait3A_221 : memref<8x64xi32, #tpu.memory_space<hbm>>) dst(%arg7 : memref<8x64xi32, #tpu.memory_space<vmem>>)
        tpu.yield
      }) : () -> ()
      "tpu.region"() ({
        %run_scoped3A_213 = tpu.sem_alloc : memref<!tpu.dma_semaphore, #tpu.memory_space<semaphore_mem>>
        %dma_start3A_214 = arith.constant 0 : i32
        %dma_start3A_215 = tpu.memref_slice %arg4[%add3A_55, %dma_start3A_214] : memref<5120x64xi32, #tpu.memory_space<hbm>> -> memref<8x64xi32, #tpu.memory_space<hbm>>
        %dma_start3A_216 = arith.constant 0 : i32
        %dma_start3A_217 = tpu.memref_slice %arg4[%add3A_55, %dma_start3A_216] : memref<5120x64xi32, #tpu.memory_space<hbm>> -> memref<8x64xi32, #tpu.memory_space<hbm>>
        tpu.enqueue_dma source(%dma_start3A_217 : memref<8x64xi32, #tpu.memory_space<hbm>>) target(%arg8 : memref<8x64xi32, #tpu.memory_space<vmem>>) target_semaphore(%run_scoped3A_213 : memref<!tpu.dma_semaphore, #tpu.memory_space<semaphore_mem>>)
        %dma_wait3A_218 = arith.constant 0 : i32
        %dma_wait3A_219 = tpu.memref_slice %arg4[%add3A_55, %dma_wait3A_218] : memref<5120x64xi32, #tpu.memory_space<hbm>> -> memref<8x64xi32, #tpu.memory_space<hbm>>
        %dma_wait3A_220 = arith.constant 0 : i32
        %dma_wait3A_221 = tpu.memref_slice %arg4[%add3A_55, %dma_wait3A_220] : memref<5120x64xi32, #tpu.memory_space<hbm>> -> memref<8x64xi32, #tpu.memory_space<hbm>>
        tpu.wait_dma2 semaphore(%run_scoped3A_213 : memref<!tpu.dma_semaphore, #tpu.memory_space<semaphore_mem>>) src(%dma_wait3A_221 : memref<8x64xi32, #tpu.memory_space<hbm>>) dst(%arg8 : memref<8x64xi32, #tpu.memory_space<vmem>>)
        tpu.yield
      }) : () -> ()
      %dma_start3A = arith.constant 0 : i32
      %dma_start3A_56 = arith.constant 0 : i32
      %dma_start3A_57 = tpu.memref_slice %arg7[%dma_start3A, %dma_start3A_56] : memref<8x64xi32, #tpu.memory_space<vmem>> -> memref<1x64xi32, #tpu.memory_space<vmem>>
      %dma_start3A_58 = tpu.memref_squeeze %dma_start3A_57 : memref<1x64xi32, #tpu.memory_space<vmem>> -> memref<64xi32, #tpu.memory_space<vmem>>
      %dma_start3A_59 = arith.constant 0 : i32
      %dma_start3A_60 = arith.constant 0 : i32
      %dma_start3A_61 = tpu.memref_slice %arg2[%dma_start3A_59, %dma_start3A_60] : memref<10240x128xf32, #tpu.memory_space<hbm>> -> memref<10240x128xf32, #tpu.memory_space<hbm>>
      tpu.enqueue_indirect_dma source(%dma_start3A_61 : memref<10240x128xf32, #tpu.memory_space<hbm>>) target(%arg9 : memref<64x128xf32, #tpu.memory_space<vmem>>) offsets(%dma_start3A_58 : memref<64xi32, #tpu.memory_space<vmem>>) semaphore(%arg12 : memref<!tpu.dma_semaphore, #tpu.memory_space<semaphore_mem>>)
      %dma_start3A_62 = arith.constant 1 : i32
      %dma_start3A_63 = arith.constant 0 : i32
      %dma_start3A_64 = tpu.memref_slice %arg7[%dma_start3A_62, %dma_start3A_63] : memref<8x64xi32, #tpu.memory_space<vmem>> -> memref<1x64xi32, #tpu.memory_space<vmem>>
      %dma_start3A_65 = tpu.memref_squeeze %dma_start3A_64 : memref<1x64xi32, #tpu.memory_space<vmem>> -> memref<64xi32, #tpu.memory_space<vmem>>
      %dma_start3A_66 = arith.constant 0 : i32
      %dma_start3A_67 = arith.constant 0 : i32
      %dma_start3A_68 = tpu.memref_slice %arg2[%dma_start3A_66, %dma_start3A_67] : memref<10240x128xf32, #tpu.memory_space<hbm>> -> memref<10240x128xf32, #tpu.memory_space<hbm>>
      tpu.enqueue_indirect_dma source(%dma_start3A_68 : memref<10240x128xf32, #tpu.memory_space<hbm>>) target(%arg10 : memref<64x128xf32, #tpu.memory_space<vmem>>) offsets(%dma_start3A_65 : memref<64xi32, #tpu.memory_space<vmem>>) semaphore(%arg13 : memref<!tpu.dma_semaphore, #tpu.memory_space<semaphore_mem>>)
      %dma_wait3A = arith.constant 0 : i32
      %dma_wait3A_69 = arith.constant 0 : i32
      %dma_wait3A_70 = tpu.memref_slice %arg7[%dma_wait3A, %dma_wait3A_69] : memref<8x64xi32, #tpu.memory_space<vmem>> -> memref<1x64xi32, #tpu.memory_space<vmem>>
      %dma_wait3A_71 = tpu.memref_squeeze %dma_wait3A_70 : memref<1x64xi32, #tpu.memory_space<vmem>> -> memref<64xi32, #tpu.memory_space<vmem>>
      %dma_wait3A_72 = arith.constant 0 : i32
      %dma_wait3A_73 = arith.constant 0 : i32
      %dma_wait3A_74 = tpu.memref_slice %arg2[%dma_wait3A_72, %dma_wait3A_73] : memref<10240x128xf32, #tpu.memory_space<hbm>> -> memref<10240x128xf32, #tpu.memory_space<hbm>>
      tpu.wait_indirect_dma semaphore(%arg12 : memref<!tpu.dma_semaphore, #tpu.memory_space<semaphore_mem>>) src(%dma_wait3A_74 : memref<10240x128xf32, #tpu.memory_space<hbm>>) dst(%arg9 : memref<64x128xf32, #tpu.memory_space<vmem>>)
      %run_scoped3A = arith.constant 0 : i32
      "tpu.region"() ({
        %run_scoped3A_213 = tpu.sem_alloc : memref<!tpu.dma_semaphore, #tpu.memory_space<semaphore_mem>>
        %dma_start3A_214 = arith.constant 0 : i32
        %dma_start3A_215 = tpu.memref_slice %arg8[%run_scoped3A, %dma_start3A_214] : memref<8x64xi32, #tpu.memory_space<vmem>> -> memref<1x64xi32, #tpu.memory_space<vmem>>
        %dma_start3A_216 = tpu.memref_squeeze %dma_start3A_215 : memref<1x64xi32, #tpu.memory_space<vmem>> -> memref<64xi32, #tpu.memory_space<vmem>>
        %dma_start3A_217 = arith.constant 0 : i32
        %dma_start3A_218 = arith.constant 0 : i32
        %dma_start3A_219 = tpu.memref_slice %arg11[%dma_start3A_217, %dma_start3A_218] : memref<10240x128xf32, #tpu.memory_space<vmem_shared>> -> memref<10240x128xf32, #tpu.memory_space<vmem_shared>>
        tpu.enqueue_indirect_dma source(%arg9 : memref<64x128xf32, #tpu.memory_space<vmem>>) target(%dma_start3A_219 : memref<10240x128xf32, #tpu.memory_space<vmem_shared>>) offsets(%dma_start3A_216 : memref<64xi32, #tpu.memory_space<vmem>>) semaphore(%run_scoped3A_213 : memref<!tpu.dma_semaphore, #tpu.memory_space<semaphore_mem>>) {add = true}
        %dma_wait3A_220 = arith.constant 0 : i32
        %dma_wait3A_221 = tpu.memref_slice %arg8[%run_scoped3A, %dma_wait3A_220] : memref<8x64xi32, #tpu.memory_space<vmem>> -> memref<1x64xi32, #tpu.memory_space<vmem>>
        %dma_wait3A_222 = tpu.memref_squeeze %dma_wait3A_221 : memref<1x64xi32, #tpu.memory_space<vmem>> -> memref<64xi32, #tpu.memory_space<vmem>>
        %dma_wait3A_223 = arith.constant 0 : i32
        %dma_wait3A_224 = arith.constant 0 : i32
        %dma_wait3A_225 = tpu.memref_slice %arg11[%dma_wait3A_223, %dma_wait3A_224] : memref<10240x128xf32, #tpu.memory_space<vmem_shared>> -> memref<10240x128xf32, #tpu.memory_space<vmem_shared>>
        tpu.wait_indirect_dma semaphore(%run_scoped3A_213 : memref<!tpu.dma_semaphore, #tpu.memory_space<semaphore_mem>>) src(%arg9 : memref<64x128xf32, #tpu.memory_space<vmem>>) dst(%dma_wait3A_225 : memref<10240x128xf32, #tpu.memory_space<vmem_shared>>)
        tpu.yield
      }) : () -> ()
      %scan3A_75 = arith.constant 0 : i32
      %scan3A_76 = arith.constant 4 : i32
      %scan3A_77 = arith.addi %scan3A_75, %scan3A_76 : i32
      %scan3A_78 = arith.constant 1 : i32
      scf.for %scan3A_213 = %scan3A_75 to %scan3A_77 step %scan3A_78  : i32 {
        %mul3A_214 = arith.constant 1 : i32
        %mul3A_215 = arith.muli %scan3A_213, %mul3A_214 : i32
        %add3A_216 = arith.constant 0 : i32
        %add3A_217 = arith.addi %add3A_216, %mul3A_215 : i32
        %mul3A_218 = arith.constant 16 : i32
        %mul3A_219 = arith.muli %add3A_217, %mul3A_218 : i32
        %get3A = arith.constant 0 : i32
        %get3A_220 = arith.index_cast %get3A : i32 to index
        %get3A_221 = arith.index_cast %mul3A_219 : i32 to index
        %get3A_222 = tpu.vector_load %arg8[%get3A_220, %get3A_221] {strides = array<i32>} : memref<8x64xi32, #tpu.memory_space<vmem>>, vector<16xi32>,
        tpu.vector_store_idx %arg14[%get3A_222], %broadcast_in_dim3A_31 {add = true} : memref<10240xf32, #tpu.memory_space<vmem>>[vector<16xi32>], vector<16xf32>,
      }
      %scan3A_79 = arith.constant 4 : i32
      %dma_start3A_80 = arith.constant 2 : i32
      %dma_start3A_81 = arith.constant 0 : i32
      %dma_start3A_82 = tpu.memref_slice %arg7[%dma_start3A_80, %dma_start3A_81] : memref<8x64xi32, #tpu.memory_space<vmem>> -> memref<1x64xi32, #tpu.memory_space<vmem>>
      %dma_start3A_83 = tpu.memref_squeeze %dma_start3A_82 : memref<1x64xi32, #tpu.memory_space<vmem>> -> memref<64xi32, #tpu.memory_space<vmem>>
      %dma_start3A_84 = arith.constant 0 : i32
      %dma_start3A_85 = arith.constant 0 : i32
      %dma_start3A_86 = tpu.memref_slice %arg2[%dma_start3A_84, %dma_start3A_85] : memref<10240x128xf32, #tpu.memory_space<hbm>> -> memref<10240x128xf32, #tpu.memory_space<hbm>>
      tpu.enqueue_indirect_dma source(%dma_start3A_86 : memref<10240x128xf32, #tpu.memory_space<hbm>>) target(%arg9 : memref<64x128xf32, #tpu.memory_space<vmem>>) offsets(%dma_start3A_83 : memref<64xi32, #tpu.memory_space<vmem>>) semaphore(%arg12 : memref<!tpu.dma_semaphore, #tpu.memory_space<semaphore_mem>>)
      %dma_wait3A_87 = arith.constant 1 : i32
      %dma_wait3A_88 = arith.constant 0 : i32
      %dma_wait3A_89 = tpu.memref_slice %arg7[%dma_wait3A_87, %dma_wait3A_88] : memref<8x64xi32, #tpu.memory_space<vmem>> -> memref<1x64xi32, #tpu.memory_space<vmem>>
      %dma_wait3A_90 = tpu.memref_squeeze %dma_wait3A_89 : memref<1x64xi32, #tpu.memory_space<vmem>> -> memref<64xi32, #tpu.memory_space<vmem>>
      %dma_wait3A_91 = arith.constant 0 : i32
      %dma_wait3A_92 = arith.constant 0 : i32
      %dma_wait3A_93 = tpu.memref_slice %arg2[%dma_wait3A_91, %dma_wait3A_92] : memref<10240x128xf32, #tpu.memory_space<hbm>> -> memref<10240x128xf32, #tpu.memory_space<hbm>>
      tpu.wait_indirect_dma semaphore(%arg13 : memref<!tpu.dma_semaphore, #tpu.memory_space<semaphore_mem>>) src(%dma_wait3A_93 : memref<10240x128xf32, #tpu.memory_space<hbm>>) dst(%arg10 : memref<64x128xf32, #tpu.memory_space<vmem>>)
      %run_scoped3A_94 = arith.constant 1 : i32
      "tpu.region"() ({
        %run_scoped3A_213 = tpu.sem_alloc : memref<!tpu.dma_semaphore, #tpu.memory_space<semaphore_mem>>
        %dma_start3A_214 = arith.constant 0 : i32
        %dma_start3A_215 = tpu.memref_slice %arg8[%run_scoped3A_94, %dma_start3A_214] : memref<8x64xi32, #tpu.memory_space<vmem>> -> memref<1x64xi32, #tpu.memory_space<vmem>>
        %dma_start3A_216 = tpu.memref_squeeze %dma_start3A_215 : memref<1x64xi32, #tpu.memory_space<vmem>> -> memref<64xi32, #tpu.memory_space<vmem>>
        %dma_start3A_217 = arith.constant 0 : i32
        %dma_start3A_218 = arith.constant 0 : i32
        %dma_start3A_219 = tpu.memref_slice %arg11[%dma_start3A_217, %dma_start3A_218] : memref<10240x128xf32, #tpu.memory_space<vmem_shared>> -> memref<10240x128xf32, #tpu.memory_space<vmem_shared>>
        tpu.enqueue_indirect_dma source(%arg10 : memref<64x128xf32, #tpu.memory_space<vmem>>) target(%dma_start3A_219 : memref<10240x128xf32, #tpu.memory_space<vmem_shared>>) offsets(%dma_start3A_216 : memref<64xi32, #tpu.memory_space<vmem>>) semaphore(%run_scoped3A_213 : memref<!tpu.dma_semaphore, #tpu.memory_space<semaphore_mem>>) {add = true}
        %dma_wait3A_220 = arith.constant 0 : i32
        %dma_wait3A_221 = tpu.memref_slice %arg8[%run_scoped3A_94, %dma_wait3A_220] : memref<8x64xi32, #tpu.memory_space<vmem>> -> memref<1x64xi32, #tpu.memory_space<vmem>>
        %dma_wait3A_222 = tpu.memref_squeeze %dma_wait3A_221 : memref<1x64xi32, #tpu.memory_space<vmem>> -> memref<64xi32, #tpu.memory_space<vmem>>
        %dma_wait3A_223 = arith.constant 0 : i32
        %dma_wait3A_224 = arith.constant 0 : i32
        %dma_wait3A_225 = tpu.memref_slice %arg11[%dma_wait3A_223, %dma_wait3A_224] : memref<10240x128xf32, #tpu.memory_space<vmem_shared>> -> memref<10240x128xf32, #tpu.memory_space<vmem_shared>>
        tpu.wait_indirect_dma semaphore(%run_scoped3A_213 : memref<!tpu.dma_semaphore, #tpu.memory_space<semaphore_mem>>) src(%arg10 : memref<64x128xf32, #tpu.memory_space<vmem>>) dst(%dma_wait3A_225 : memref<10240x128xf32, #tpu.memory_space<vmem_shared>>)
        tpu.yield
      }) : () -> ()
      %scan3A_95 = arith.constant 0 : i32
      %scan3A_96 = arith.constant 4 : i32
      %scan3A_97 = arith.addi %scan3A_95, %scan3A_96 : i32
      %scan3A_98 = arith.constant 1 : i32
      scf.for %scan3A_213 = %scan3A_95 to %scan3A_97 step %scan3A_98  : i32 {
        %mul3A_214 = arith.constant 1 : i32
        %mul3A_215 = arith.muli %scan3A_213, %mul3A_214 : i32
        %add3A_216 = arith.constant 0 : i32
        %add3A_217 = arith.addi %add3A_216, %mul3A_215 : i32
        %mul3A_218 = arith.constant 16 : i32
        %mul3A_219 = arith.muli %add3A_217, %mul3A_218 : i32
        %get3A = arith.constant 1 : i32
        %get3A_220 = arith.index_cast %get3A : i32 to index
        %get3A_221 = arith.index_cast %mul3A_219 : i32 to index
        %get3A_222 = tpu.vector_load %arg8[%get3A_220, %get3A_221] {strides = array<i32>} : memref<8x64xi32, #tpu.memory_space<vmem>>, vector<16xi32>,
        tpu.vector_store_idx %arg14[%get3A_222], %broadcast_in_dim3A_31 {add = true} : memref<10240xf32, #tpu.memory_space<vmem>>[vector<16xi32>], vector<16xf32>,
      }
      %scan3A_99 = arith.constant 4 : i32
      %dma_start3A_100 = arith.constant 3 : i32
      %dma_start3A_101 = arith.constant 0 : i32
      %dma_start3A_102 = tpu.memref_slice %arg7[%dma_start3A_100, %dma_start3A_101] : memref<8x64xi32, #tpu.memory_space<vmem>> -> memref<1x64xi32, #tpu.memory_space<vmem>>
      %dma_start3A_103 = tpu.memref_squeeze %dma_start3A_102 : memref<1x64xi32, #tpu.memory_space<vmem>> -> memref<64xi32, #tpu.memory_space<vmem>>
      %dma_start3A_104 = arith.constant 0 : i32
      %dma_start3A_105 = arith.constant 0 : i32
      %dma_start3A_106 = tpu.memref_slice %arg2[%dma_start3A_104, %dma_start3A_105] : memref<10240x128xf32, #tpu.memory_space<hbm>> -> memref<10240x128xf32, #tpu.memory_space<hbm>>
      tpu.enqueue_indirect_dma source(%dma_start3A_106 : memref<10240x128xf32, #tpu.memory_space<hbm>>) target(%arg10 : memref<64x128xf32, #tpu.memory_space<vmem>>) offsets(%dma_start3A_103 : memref<64xi32, #tpu.memory_space<vmem>>) semaphore(%arg13 : memref<!tpu.dma_semaphore, #tpu.memory_space<semaphore_mem>>)
      %dma_wait3A_107 = arith.constant 2 : i32
      %dma_wait3A_108 = arith.constant 0 : i32
      %dma_wait3A_109 = tpu.memref_slice %arg7[%dma_wait3A_107, %dma_wait3A_108] : memref<8x64xi32, #tpu.memory_space<vmem>> -> memref<1x64xi32, #tpu.memory_space<vmem>>
      %dma_wait3A_110 = tpu.memref_squeeze %dma_wait3A_109 : memref<1x64xi32, #tpu.memory_space<vmem>> -> memref<64xi32, #tpu.memory_space<vmem>>
      %dma_wait3A_111 = arith.constant 0 : i32
      %dma_wait3A_112 = arith.constant 0 : i32
      %dma_wait3A_113 = tpu.memref_slice %arg2[%dma_wait3A_111, %dma_wait3A_112] : memref<10240x128xf32, #tpu.memory_space<hbm>> -> memref<10240x128xf32, #tpu.memory_space<hbm>>
      tpu.wait_indirect_dma semaphore(%arg12 : memref<!tpu.dma_semaphore, #tpu.memory_space<semaphore_mem>>) src(%dma_wait3A_113 : memref<10240x128xf32, #tpu.memory_space<hbm>>) dst(%arg9 : memref<64x128xf32, #tpu.memory_space<vmem>>)
      %run_scoped3A_114 = arith.constant 2 : i32
      "tpu.region"() ({
        %run_scoped3A_213 = tpu.sem_alloc : memref<!tpu.dma_semaphore, #tpu.memory_space<semaphore_mem>>
        %dma_start3A_214 = arith.constant 0 : i32
        %dma_start3A_215 = tpu.memref_slice %arg8[%run_scoped3A_114, %dma_start3A_214] : memref<8x64xi32, #tpu.memory_space<vmem>> -> memref<1x64xi32, #tpu.memory_space<vmem>>
        %dma_start3A_216 = tpu.memref_squeeze %dma_start3A_215 : memref<1x64xi32, #tpu.memory_space<vmem>> -> memref<64xi32, #tpu.memory_space<vmem>>
        %dma_start3A_217 = arith.constant 0 : i32
        %dma_start3A_218 = arith.constant 0 : i32
        %dma_start3A_219 = tpu.memref_slice %arg11[%dma_start3A_217, %dma_start3A_218] : memref<10240x128xf32, #tpu.memory_space<vmem_shared>> -> memref<10240x128xf32, #tpu.memory_space<vmem_shared>>
        tpu.enqueue_indirect_dma source(%arg9 : memref<64x128xf32, #tpu.memory_space<vmem>>) target(%dma_start3A_219 : memref<10240x128xf32, #tpu.memory_space<vmem_shared>>) offsets(%dma_start3A_216 : memref<64xi32, #tpu.memory_space<vmem>>) semaphore(%run_scoped3A_213 : memref<!tpu.dma_semaphore, #tpu.memory_space<semaphore_mem>>) {add = true}
        %dma_wait3A_220 = arith.constant 0 : i32
        %dma_wait3A_221 = tpu.memref_slice %arg8[%run_scoped3A_114, %dma_wait3A_220] : memref<8x64xi32, #tpu.memory_space<vmem>> -> memref<1x64xi32, #tpu.memory_space<vmem>>
        %dma_wait3A_222 = tpu.memref_squeeze %dma_wait3A_221 : memref<1x64xi32, #tpu.memory_space<vmem>> -> memref<64xi32, #tpu.memory_space<vmem>>
        %dma_wait3A_223 = arith.constant 0 : i32
        %dma_wait3A_224 = arith.constant 0 : i32
        %dma_wait3A_225 = tpu.memref_slice %arg11[%dma_wait3A_223, %dma_wait3A_224] : memref<10240x128xf32, #tpu.memory_space<vmem_shared>> -> memref<10240x128xf32, #tpu.memory_space<vmem_shared>>
        tpu.wait_indirect_dma semaphore(%run_scoped3A_213 : memref<!tpu.dma_semaphore, #tpu.memory_space<semaphore_mem>>) src(%arg9 : memref<64x128xf32, #tpu.memory_space<vmem>>) dst(%dma_wait3A_225 : memref<10240x128xf32, #tpu.memory_space<vmem_shared>>)
        tpu.yield
      }) : () -> ()
      %scan3A_115 = arith.constant 0 : i32
      %scan3A_116 = arith.constant 4 : i32
      %scan3A_117 = arith.addi %scan3A_115, %scan3A_116 : i32
      %scan3A_118 = arith.constant 1 : i32
      scf.for %scan3A_213 = %scan3A_115 to %scan3A_117 step %scan3A_118  : i32 {
        %mul3A_214 = arith.constant 1 : i32
        %mul3A_215 = arith.muli %scan3A_213, %mul3A_214 : i32
        %add3A_216 = arith.constant 0 : i32
        %add3A_217 = arith.addi %add3A_216, %mul3A_215 : i32
        %mul3A_218 = arith.constant 16 : i32
        %mul3A_219 = arith.muli %add3A_217, %mul3A_218 : i32
        %get3A = arith.constant 2 : i32
        %get3A_220 = arith.index_cast %get3A : i32 to index
        %get3A_221 = arith.index_cast %mul3A_219 : i32 to index
        %get3A_222 = tpu.vector_load %arg8[%get3A_220, %get3A_221] {strides = array<i32>} : memref<8x64xi32, #tpu.memory_space<vmem>>, vector<16xi32>,
        tpu.vector_store_idx %arg14[%get3A_222], %broadcast_in_dim3A_31 {add = true} : memref<10240xf32, #tpu.memory_space<vmem>>[vector<16xi32>], vector<16xf32>,
      }
      %scan3A_119 = arith.constant 4 : i32
      %dma_start3A_120 = arith.constant 4 : i32
      %dma_start3A_121 = arith.constant 0 : i32
      %dma_start3A_122 = tpu.memref_slice %arg7[%dma_start3A_120, %dma_start3A_121] : memref<8x64xi32, #tpu.memory_space<vmem>> -> memref<1x64xi32, #tpu.memory_space<vmem>>
      %dma_start3A_123 = tpu.memref_squeeze %dma_start3A_122 : memref<1x64xi32, #tpu.memory_space<vmem>> -> memref<64xi32, #tpu.memory_space<vmem>>
      %dma_start3A_124 = arith.constant 0 : i32
      %dma_start3A_125 = arith.constant 0 : i32
      %dma_start3A_126 = tpu.memref_slice %arg2[%dma_start3A_124, %dma_start3A_125] : memref<10240x128xf32, #tpu.memory_space<hbm>> -> memref<10240x128xf32, #tpu.memory_space<hbm>>
      tpu.enqueue_indirect_dma source(%dma_start3A_126 : memref<10240x128xf32, #tpu.memory_space<hbm>>) target(%arg9 : memref<64x128xf32, #tpu.memory_space<vmem>>) offsets(%dma_start3A_123 : memref<64xi32, #tpu.memory_space<vmem>>) semaphore(%arg12 : memref<!tpu.dma_semaphore, #tpu.memory_space<semaphore_mem>>)
      %dma_wait3A_127 = arith.constant 3 : i32
      %dma_wait3A_128 = arith.constant 0 : i32
      %dma_wait3A_129 = tpu.memref_slice %arg7[%dma_wait3A_127, %dma_wait3A_128] : memref<8x64xi32, #tpu.memory_space<vmem>> -> memref<1x64xi32, #tpu.memory_space<vmem>>
      %dma_wait3A_130 = tpu.memref_squeeze %dma_wait3A_129 : memref<1x64xi32, #tpu.memory_space<vmem>> -> memref<64xi32, #tpu.memory_space<vmem>>
      %dma_wait3A_131 = arith.constant 0 : i32
      %dma_wait3A_132 = arith.constant 0 : i32
      %dma_wait3A_133 = tpu.memref_slice %arg2[%dma_wait3A_131, %dma_wait3A_132] : memref<10240x128xf32, #tpu.memory_space<hbm>> -> memref<10240x128xf32, #tpu.memory_space<hbm>>
      tpu.wait_indirect_dma semaphore(%arg13 : memref<!tpu.dma_semaphore, #tpu.memory_space<semaphore_mem>>) src(%dma_wait3A_133 : memref<10240x128xf32, #tpu.memory_space<hbm>>) dst(%arg10 : memref<64x128xf32, #tpu.memory_space<vmem>>)
      %run_scoped3A_134 = arith.constant 3 : i32
      "tpu.region"() ({
        %run_scoped3A_213 = tpu.sem_alloc : memref<!tpu.dma_semaphore, #tpu.memory_space<semaphore_mem>>
        %dma_start3A_214 = arith.constant 0 : i32
        %dma_start3A_215 = tpu.memref_slice %arg8[%run_scoped3A_134, %dma_start3A_214] : memref<8x64xi32, #tpu.memory_space<vmem>> -> memref<1x64xi32, #tpu.memory_space<vmem>>
        %dma_start3A_216 = tpu.memref_squeeze %dma_start3A_215 : memref<1x64xi32, #tpu.memory_space<vmem>> -> memref<64xi32, #tpu.memory_space<vmem>>
        %dma_start3A_217 = arith.constant 0 : i32
        %dma_start3A_218 = arith.constant 0 : i32
        %dma_start3A_219 = tpu.memref_slice %arg11[%dma_start3A_217, %dma_start3A_218] : memref<10240x128xf32, #tpu.memory_space<vmem_shared>> -> memref<10240x128xf32, #tpu.memory_space<vmem_shared>>
        tpu.enqueue_indirect_dma source(%arg10 : memref<64x128xf32, #tpu.memory_space<vmem>>) target(%dma_start3A_219 : memref<10240x128xf32, #tpu.memory_space<vmem_shared>>) offsets(%dma_start3A_216 : memref<64xi32, #tpu.memory_space<vmem>>) semaphore(%run_scoped3A_213 : memref<!tpu.dma_semaphore, #tpu.memory_space<semaphore_mem>>) {add = true}
        %dma_wait3A_220 = arith.constant 0 : i32
        %dma_wait3A_221 = tpu.memref_slice %arg8[%run_scoped3A_134, %dma_wait3A_220] : memref<8x64xi32, #tpu.memory_space<vmem>> -> memref<1x64xi32, #tpu.memory_space<vmem>>
        %dma_wait3A_222 = tpu.memref_squeeze %dma_wait3A_221 : memref<1x64xi32, #tpu.memory_space<vmem>> -> memref<64xi32, #tpu.memory_space<vmem>>
        %dma_wait3A_223 = arith.constant 0 : i32
        %dma_wait3A_224 = arith.constant 0 : i32
        %dma_wait3A_225 = tpu.memref_slice %arg11[%dma_wait3A_223, %dma_wait3A_224] : memref<10240x128xf32, #tpu.memory_space<vmem_shared>> -> memref<10240x128xf32, #tpu.memory_space<vmem_shared>>
        tpu.wait_indirect_dma semaphore(%run_scoped3A_213 : memref<!tpu.dma_semaphore, #tpu.memory_space<semaphore_mem>>) src(%arg10 : memref<64x128xf32, #tpu.memory_space<vmem>>) dst(%dma_wait3A_225 : memref<10240x128xf32, #tpu.memory_space<vmem_shared>>)
        tpu.yield
      }) : () -> ()
      %scan3A_135 = arith.constant 0 : i32
      %scan3A_136 = arith.constant 4 : i32
      %scan3A_137 = arith.addi %scan3A_135, %scan3A_136 : i32
      %scan3A_138 = arith.constant 1 : i32
      scf.for %scan3A_213 = %scan3A_135 to %scan3A_137 step %scan3A_138  : i32 {
        %mul3A_214 = arith.constant 1 : i32
        %mul3A_215 = arith.muli %scan3A_213, %mul3A_214 : i32
        %add3A_216 = arith.constant 0 : i32
        %add3A_217 = arith.addi %add3A_216, %mul3A_215 : i32
        %mul3A_218 = arith.constant 16 : i32
        %mul3A_219 = arith.muli %add3A_217, %mul3A_218 : i32
        %get3A = arith.constant 3 : i32
        %get3A_220 = arith.index_cast %get3A : i32 to index
        %get3A_221 = arith.index_cast %mul3A_219 : i32 to index
        %get3A_222 = tpu.vector_load %arg8[%get3A_220, %get3A_221] {strides = array<i32>} : memref<8x64xi32, #tpu.memory_space<vmem>>, vector<16xi32>,
        tpu.vector_store_idx %arg14[%get3A_222], %broadcast_in_dim3A_31 {add = true} : memref<10240xf32, #tpu.memory_space<vmem>>[vector<16xi32>], vector<16xf32>,
      }
      %scan3A_139 = arith.constant 4 : i32
      %dma_start3A_140 = arith.constant 5 : i32
      %dma_start3A_141 = arith.constant 0 : i32
      %dma_start3A_142 = tpu.memref_slice %arg7[%dma_start3A_140, %dma_start3A_141] : memref<8x64xi32, #tpu.memory_space<vmem>> -> memref<1x64xi32, #tpu.memory_space<vmem>>
      %dma_start3A_143 = tpu.memref_squeeze %dma_start3A_142 : memref<1x64xi32, #tpu.memory_space<vmem>> -> memref<64xi32, #tpu.memory_space<vmem>>
      %dma_start3A_144 = arith.constant 0 : i32
      %dma_start3A_145 = arith.constant 0 : i32
      %dma_start3A_146 = tpu.memref_slice %arg2[%dma_start3A_144, %dma_start3A_145] : memref<10240x128xf32, #tpu.memory_space<hbm>> -> memref<10240x128xf32, #tpu.memory_space<hbm>>
      tpu.enqueue_indirect_dma source(%dma_start3A_146 : memref<10240x128xf32, #tpu.memory_space<hbm>>) target(%arg10 : memref<64x128xf32, #tpu.memory_space<vmem>>) offsets(%dma_start3A_143 : memref<64xi32, #tpu.memory_space<vmem>>) semaphore(%arg13 : memref<!tpu.dma_semaphore, #tpu.memory_space<semaphore_mem>>)
      %dma_wait3A_147 = arith.constant 4 : i32
      %dma_wait3A_148 = arith.constant 0 : i32
      %dma_wait3A_149 = tpu.memref_slice %arg7[%dma_wait3A_147, %dma_wait3A_148] : memref<8x64xi32, #tpu.memory_space<vmem>> -> memref<1x64xi32, #tpu.memory_space<vmem>>
      %dma_wait3A_150 = tpu.memref_squeeze %dma_wait3A_149 : memref<1x64xi32, #tpu.memory_space<vmem>> -> memref<64xi32, #tpu.memory_space<vmem>>
      %dma_wait3A_151 = arith.constant 0 : i32
      %dma_wait3A_152 = arith.constant 0 : i32
      %dma_wait3A_153 = tpu.memref_slice %arg2[%dma_wait3A_151, %dma_wait3A_152] : memref<10240x128xf32, #tpu.memory_space<hbm>> -> memref<10240x128xf32, #tpu.memory_space<hbm>>
      tpu.wait_indirect_dma semaphore(%arg12 : memref<!tpu.dma_semaphore, #tpu.memory_space<semaphore_mem>>) src(%dma_wait3A_153 : memref<10240x128xf32, #tpu.memory_space<hbm>>) dst(%arg9 : memref<64x128xf32, #tpu.memory_space<vmem>>)
      %run_scoped3A_154 = arith.constant 4 : i32
      "tpu.region"() ({
        %run_scoped3A_213 = tpu.sem_alloc : memref<!tpu.dma_semaphore, #tpu.memory_space<semaphore_mem>>
        %dma_start3A_214 = arith.constant 0 : i32
        %dma_start3A_215 = tpu.memref_slice %arg8[%run_scoped3A_154, %dma_start3A_214] : memref<8x64xi32, #tpu.memory_space<vmem>> -> memref<1x64xi32, #tpu.memory_space<vmem>>
        %dma_start3A_216 = tpu.memref_squeeze %dma_start3A_215 : memref<1x64xi32, #tpu.memory_space<vmem>> -> memref<64xi32, #tpu.memory_space<vmem>>
        %dma_start3A_217 = arith.constant 0 : i32
        %dma_start3A_218 = arith.constant 0 : i32
        %dma_start3A_219 = tpu.memref_slice %arg11[%dma_start3A_217, %dma_start3A_218] : memref<10240x128xf32, #tpu.memory_space<vmem_shared>> -> memref<10240x128xf32, #tpu.memory_space<vmem_shared>>
        tpu.enqueue_indirect_dma source(%arg9 : memref<64x128xf32, #tpu.memory_space<vmem>>) target(%dma_start3A_219 : memref<10240x128xf32, #tpu.memory_space<vmem_shared>>) offsets(%dma_start3A_216 : memref<64xi32, #tpu.memory_space<vmem>>) semaphore(%run_scoped3A_213 : memref<!tpu.dma_semaphore, #tpu.memory_space<semaphore_mem>>) {add = true}
        %dma_wait3A_220 = arith.constant 0 : i32
        %dma_wait3A_221 = tpu.memref_slice %arg8[%run_scoped3A_154, %dma_wait3A_220] : memref<8x64xi32, #tpu.memory_space<vmem>> -> memref<1x64xi32, #tpu.memory_space<vmem>>
        %dma_wait3A_222 = tpu.memref_squeeze %dma_wait3A_221 : memref<1x64xi32, #tpu.memory_space<vmem>> -> memref<64xi32, #tpu.memory_space<vmem>>
        %dma_wait3A_223 = arith.constant 0 : i32
        %dma_wait3A_224 = arith.constant 0 : i32
        %dma_wait3A_225 = tpu.memref_slice %arg11[%dma_wait3A_223, %dma_wait3A_224] : memref<10240x128xf32, #tpu.memory_space<vmem_shared>> -> memref<10240x128xf32, #tpu.memory_space<vmem_shared>>
        tpu.wait_indirect_dma semaphore(%run_scoped3A_213 : memref<!tpu.dma_semaphore, #tpu.memory_space<semaphore_mem>>) src(%arg9 : memref<64x128xf32, #tpu.memory_space<vmem>>) dst(%dma_wait3A_225 : memref<10240x128xf32, #tpu.memory_space<vmem_shared>>)
        tpu.yield
      }) : () -> ()
      %scan3A_155 = arith.constant 0 : i32
      %scan3A_156 = arith.constant 4 : i32
      %scan3A_157 = arith.addi %scan3A_155, %scan3A_156 : i32
      %scan3A_158 = arith.constant 1 : i32
      scf.for %scan3A_213 = %scan3A_155 to %scan3A_157 step %scan3A_158  : i32 {
        %mul3A_214 = arith.constant 1 : i32
        %mul3A_215 = arith.muli %scan3A_213, %mul3A_214 : i32
        %add3A_216 = arith.constant 0 : i32
        %add3A_217 = arith.addi %add3A_216, %mul3A_215 : i32
        %mul3A_218 = arith.constant 16 : i32
        %mul3A_219 = arith.muli %add3A_217, %mul3A_218 : i32
        %get3A = arith.constant 4 : i32
        %get3A_220 = arith.index_cast %get3A : i32 to index
        %get3A_221 = arith.index_cast %mul3A_219 : i32 to index
        %get3A_222 = tpu.vector_load %arg8[%get3A_220, %get3A_221] {strides = array<i32>} : memref<8x64xi32, #tpu.memory_space<vmem>>, vector<16xi32>,
        tpu.vector_store_idx %arg14[%get3A_222], %broadcast_in_dim3A_31 {add = true} : memref<10240xf32, #tpu.memory_space<vmem>>[vector<16xi32>], vector<16xf32>,
      }
      %scan3A_159 = arith.constant 4 : i32
      %dma_start3A_160 = arith.constant 6 : i32
      %dma_start3A_161 = arith.constant 0 : i32
      %dma_start3A_162 = tpu.memref_slice %arg7[%dma_start3A_160, %dma_start3A_161] : memref<8x64xi32, #tpu.memory_space<vmem>> -> memref<1x64xi32, #tpu.memory_space<vmem>>
      %dma_start3A_163 = tpu.memref_squeeze %dma_start3A_162 : memref<1x64xi32, #tpu.memory_space<vmem>> -> memref<64xi32, #tpu.memory_space<vmem>>
      %dma_start3A_164 = arith.constant 0 : i32
      %dma_start3A_165 = arith.constant 0 : i32
      %dma_start3A_166 = tpu.memref_slice %arg2[%dma_start3A_164, %dma_start3A_165] : memref<10240x128xf32, #tpu.memory_space<hbm>> -> memref<10240x128xf32, #tpu.memory_space<hbm>>
      tpu.enqueue_indirect_dma source(%dma_start3A_166 : memref<10240x128xf32, #tpu.memory_space<hbm>>) target(%arg9 : memref<64x128xf32, #tpu.memory_space<vmem>>) offsets(%dma_start3A_163 : memref<64xi32, #tpu.memory_space<vmem>>) semaphore(%arg12 : memref<!tpu.dma_semaphore, #tpu.memory_space<semaphore_mem>>)
      %dma_wait3A_167 = arith.constant 5 : i32
      %dma_wait3A_168 = arith.constant 0 : i32
      %dma_wait3A_169 = tpu.memref_slice %arg7[%dma_wait3A_167, %dma_wait3A_168] : memref<8x64xi32, #tpu.memory_space<vmem>> -> memref<1x64xi32, #tpu.memory_space<vmem>>
      %dma_wait3A_170 = tpu.memref_squeeze %dma_wait3A_169 : memref<1x64xi32, #tpu.memory_space<vmem>> -> memref<64xi32, #tpu.memory_space<vmem>>
      %dma_wait3A_171 = arith.constant 0 : i32
      %dma_wait3A_172 = arith.constant 0 : i32
      %dma_wait3A_173 = tpu.memref_slice %arg2[%dma_wait3A_171, %dma_wait3A_172] : memref<10240x128xf32, #tpu.memory_space<hbm>> -> memref<10240x128xf32, #tpu.memory_space<hbm>>
      tpu.wait_indirect_dma semaphore(%arg13 : memref<!tpu.dma_semaphore, #tpu.memory_space<semaphore_mem>>) src(%dma_wait3A_173 : memref<10240x128xf32, #tpu.memory_space<hbm>>) dst(%arg10 : memref<64x128xf32, #tpu.memory_space<vmem>>)
      %run_scoped3A_174 = arith.constant 5 : i32
      "tpu.region"() ({
        %run_scoped3A_213 = tpu.sem_alloc : memref<!tpu.dma_semaphore, #tpu.memory_space<semaphore_mem>>
        %dma_start3A_214 = arith.constant 0 : i32
        %dma_start3A_215 = tpu.memref_slice %arg8[%run_scoped3A_174, %dma_start3A_214] : memref<8x64xi32, #tpu.memory_space<vmem>> -> memref<1x64xi32, #tpu.memory_space<vmem>>
        %dma_start3A_216 = tpu.memref_squeeze %dma_start3A_215 : memref<1x64xi32, #tpu.memory_space<vmem>> -> memref<64xi32, #tpu.memory_space<vmem>>
        %dma_start3A_217 = arith.constant 0 : i32
        %dma_start3A_218 = arith.constant 0 : i32
        %dma_start3A_219 = tpu.memref_slice %arg11[%dma_start3A_217, %dma_start3A_218] : memref<10240x128xf32, #tpu.memory_space<vmem_shared>> -> memref<10240x128xf32, #tpu.memory_space<vmem_shared>>
        tpu.enqueue_indirect_dma source(%arg10 : memref<64x128xf32, #tpu.memory_space<vmem>>) target(%dma_start3A_219 : memref<10240x128xf32, #tpu.memory_space<vmem_shared>>) offsets(%dma_start3A_216 : memref<64xi32, #tpu.memory_space<vmem>>) semaphore(%run_scoped3A_213 : memref<!tpu.dma_semaphore, #tpu.memory_space<semaphore_mem>>) {add = true}
        %dma_wait3A_220 = arith.constant 0 : i32
        %dma_wait3A_221 = tpu.memref_slice %arg8[%run_scoped3A_174, %dma_wait3A_220] : memref<8x64xi32, #tpu.memory_space<vmem>> -> memref<1x64xi32, #tpu.memory_space<vmem>>
        %dma_wait3A_222 = tpu.memref_squeeze %dma_wait3A_221 : memref<1x64xi32, #tpu.memory_space<vmem>> -> memref<64xi32, #tpu.memory_space<vmem>>
        %dma_wait3A_223 = arith.constant 0 : i32
        %dma_wait3A_224 = arith.constant 0 : i32
        %dma_wait3A_225 = tpu.memref_slice %arg11[%dma_wait3A_223, %dma_wait3A_224] : memref<10240x128xf32, #tpu.memory_space<vmem_shared>> -> memref<10240x128xf32, #tpu.memory_space<vmem_shared>>
        tpu.wait_indirect_dma semaphore(%run_scoped3A_213 : memref<!tpu.dma_semaphore, #tpu.memory_space<semaphore_mem>>) src(%arg10 : memref<64x128xf32, #tpu.memory_space<vmem>>) dst(%dma_wait3A_225 : memref<10240x128xf32, #tpu.memory_space<vmem_shared>>)
        tpu.yield
      }) : () -> ()
      %scan3A_175 = arith.constant 0 : i32
      %scan3A_176 = arith.constant 4 : i32
      %scan3A_177 = arith.addi %scan3A_175, %scan3A_176 : i32
      %scan3A_178 = arith.constant 1 : i32
      scf.for %scan3A_213 = %scan3A_175 to %scan3A_177 step %scan3A_178  : i32 {
        %mul3A_214 = arith.constant 1 : i32
        %mul3A_215 = arith.muli %scan3A_213, %mul3A_214 : i32
        %add3A_216 = arith.constant 0 : i32
        %add3A_217 = arith.addi %add3A_216, %mul3A_215 : i32
        %mul3A_218 = arith.constant 16 : i32
        %mul3A_219 = arith.muli %add3A_217, %mul3A_218 : i32
        %get3A = arith.constant 5 : i32
        %get3A_220 = arith.index_cast %get3A : i32 to index
        %get3A_221 = arith.index_cast %mul3A_219 : i32 to index
        %get3A_222 = tpu.vector_load %arg8[%get3A_220, %get3A_221] {strides = array<i32>} : memref<8x64xi32, #tpu.memory_space<vmem>>, vector<16xi32>,
        tpu.vector_store_idx %arg14[%get3A_222], %broadcast_in_dim3A_31 {add = true} : memref<10240xf32, #tpu.memory_space<vmem>>[vector<16xi32>], vector<16xf32>,
      }
      %scan3A_179 = arith.constant 4 : i32
      %dma_start3A_180 = arith.constant 7 : i32
      %dma_start3A_181 = arith.constant 0 : i32
      %dma_start3A_182 = tpu.memref_slice %arg7[%dma_start3A_180, %dma_start3A_181] : memref<8x64xi32, #tpu.memory_space<vmem>> -> memref<1x64xi32, #tpu.memory_space<vmem>>
      %dma_start3A_183 = tpu.memref_squeeze %dma_start3A_182 : memref<1x64xi32, #tpu.memory_space<vmem>> -> memref<64xi32, #tpu.memory_space<vmem>>
      %dma_start3A_184 = arith.constant 0 : i32
      %dma_start3A_185 = arith.constant 0 : i32
      %dma_start3A_186 = tpu.memref_slice %arg2[%dma_start3A_184, %dma_start3A_185] : memref<10240x128xf32, #tpu.memory_space<hbm>> -> memref<10240x128xf32, #tpu.memory_space<hbm>>
      tpu.enqueue_indirect_dma source(%dma_start3A_186 : memref<10240x128xf32, #tpu.memory_space<hbm>>) target(%arg10 : memref<64x128xf32, #tpu.memory_space<vmem>>) offsets(%dma_start3A_183 : memref<64xi32, #tpu.memory_space<vmem>>) semaphore(%arg13 : memref<!tpu.dma_semaphore, #tpu.memory_space<semaphore_mem>>)
      %dma_wait3A_187 = arith.constant 6 : i32
      %dma_wait3A_188 = arith.constant 0 : i32
      %dma_wait3A_189 = tpu.memref_slice %arg7[%dma_wait3A_187, %dma_wait3A_188] : memref<8x64xi32, #tpu.memory_space<vmem>> -> memref<1x64xi32, #tpu.memory_space<vmem>>
      %dma_wait3A_190 = tpu.memref_squeeze %dma_wait3A_189 : memref<1x64xi32, #tpu.memory_space<vmem>> -> memref<64xi32, #tpu.memory_space<vmem>>
      %dma_wait3A_191 = arith.constant 0 : i32
      %dma_wait3A_192 = arith.constant 0 : i32
      %dma_wait3A_193 = tpu.memref_slice %arg2[%dma_wait3A_191, %dma_wait3A_192] : memref<10240x128xf32, #tpu.memory_space<hbm>> -> memref<10240x128xf32, #tpu.memory_space<hbm>>
      tpu.wait_indirect_dma semaphore(%arg12 : memref<!tpu.dma_semaphore, #tpu.memory_space<semaphore_mem>>) src(%dma_wait3A_193 : memref<10240x128xf32, #tpu.memory_space<hbm>>) dst(%arg9 : memref<64x128xf32, #tpu.memory_space<vmem>>)
      %run_scoped3A_194 = arith.constant 6 : i32
      "tpu.region"() ({
        %run_scoped3A_213 = tpu.sem_alloc : memref<!tpu.dma_semaphore, #tpu.memory_space<semaphore_mem>>
        %dma_start3A_214 = arith.constant 0 : i32
        %dma_start3A_215 = tpu.memref_slice %arg8[%run_scoped3A_194, %dma_start3A_214] : memref<8x64xi32, #tpu.memory_space<vmem>> -> memref<1x64xi32, #tpu.memory_space<vmem>>
        %dma_start3A_216 = tpu.memref_squeeze %dma_start3A_215 : memref<1x64xi32, #tpu.memory_space<vmem>> -> memref<64xi32, #tpu.memory_space<vmem>>
        %dma_start3A_217 = arith.constant 0 : i32
        %dma_start3A_218 = arith.constant 0 : i32
        %dma_start3A_219 = tpu.memref_slice %arg11[%dma_start3A_217, %dma_start3A_218] : memref<10240x128xf32, #tpu.memory_space<vmem_shared>> -> memref<10240x128xf32, #tpu.memory_space<vmem_shared>>
        tpu.enqueue_indirect_dma source(%arg9 : memref<64x128xf32, #tpu.memory_space<vmem>>) target(%dma_start3A_219 : memref<10240x128xf32, #tpu.memory_space<vmem_shared>>) offsets(%dma_start3A_216 : memref<64xi32, #tpu.memory_space<vmem>>) semaphore(%run_scoped3A_213 : memref<!tpu.dma_semaphore, #tpu.memory_space<semaphore_mem>>) {add = true}
        %dma_wait3A_220 = arith.constant 0 : i32
        %dma_wait3A_221 = tpu.memref_slice %arg8[%run_scoped3A_194, %dma_wait3A_220] : memref<8x64xi32, #tpu.memory_space<vmem>> -> memref<1x64xi32, #tpu.memory_space<vmem>>
        %dma_wait3A_222 = tpu.memref_squeeze %dma_wait3A_221 : memref<1x64xi32, #tpu.memory_space<vmem>> -> memref<64xi32, #tpu.memory_space<vmem>>
        %dma_wait3A_223 = arith.constant 0 : i32
        %dma_wait3A_224 = arith.constant 0 : i32
        %dma_wait3A_225 = tpu.memref_slice %arg11[%dma_wait3A_223, %dma_wait3A_224] : memref<10240x128xf32, #tpu.memory_space<vmem_shared>> -> memref<10240x128xf32, #tpu.memory_space<vmem_shared>>
        tpu.wait_indirect_dma semaphore(%run_scoped3A_213 : memref<!tpu.dma_semaphore, #tpu.memory_space<semaphore_mem>>) src(%arg9 : memref<64x128xf32, #tpu.memory_space<vmem>>) dst(%dma_wait3A_225 : memref<10240x128xf32, #tpu.memory_space<vmem_shared>>)
        tpu.yield
      }) : () -> ()
      %scan3A_195 = arith.constant 0 : i32
      %scan3A_196 = arith.constant 4 : i32
      %scan3A_197 = arith.addi %scan3A_195, %scan3A_196 : i32
      %scan3A_198 = arith.constant 1 : i32
      scf.for %scan3A_213 = %scan3A_195 to %scan3A_197 step %scan3A_198  : i32 {
        %mul3A_214 = arith.constant 1 : i32
        %mul3A_215 = arith.muli %scan3A_213, %mul3A_214 : i32
        %add3A_216 = arith.constant 0 : i32
        %add3A_217 = arith.addi %add3A_216, %mul3A_215 : i32
        %mul3A_218 = arith.constant 16 : i32
        %mul3A_219 = arith.muli %add3A_217, %mul3A_218 : i32
        %get3A = arith.constant 6 : i32
        %get3A_220 = arith.index_cast %get3A : i32 to index
        %get3A_221 = arith.index_cast %mul3A_219 : i32 to index
        %get3A_222 = tpu.vector_load %arg8[%get3A_220, %get3A_221] {strides = array<i32>} : memref<8x64xi32, #tpu.memory_space<vmem>>, vector<16xi32>,
        tpu.vector_store_idx %arg14[%get3A_222], %broadcast_in_dim3A_31 {add = true} : memref<10240xf32, #tpu.memory_space<vmem>>[vector<16xi32>], vector<16xf32>,
      }
      %scan3A_199 = arith.constant 4 : i32
      %dma_wait3A_200 = arith.constant 7 : i32
      %dma_wait3A_201 = arith.constant 0 : i32
      %dma_wait3A_202 = tpu.memref_slice %arg7[%dma_wait3A_200, %dma_wait3A_201] : memref<8x64xi32, #tpu.memory_space<vmem>> -> memref<1x64xi32, #tpu.memory_space<vmem>>
      %dma_wait3A_203 = tpu.memref_squeeze %dma_wait3A_202 : memref<1x64xi32, #tpu.memory_space<vmem>> -> memref<64xi32, #tpu.memory_space<vmem>>
      %dma_wait3A_204 = arith.constant 0 : i32
      %dma_wait3A_205 = arith.constant 0 : i32
      %dma_wait3A_206 = tpu.memref_slice %arg2[%dma_wait3A_204, %dma_wait3A_205] : memref<10240x128xf32, #tpu.memory_space<hbm>> -> memref<10240x128xf32, #tpu.memory_space<hbm>>
      tpu.wait_indirect_dma semaphore(%arg13 : memref<!tpu.dma_semaphore, #tpu.memory_space<semaphore_mem>>) src(%dma_wait3A_206 : memref<10240x128xf32, #tpu.memory_space<hbm>>) dst(%arg10 : memref<64x128xf32, #tpu.memory_space<vmem>>)
      %run_scoped3A_207 = arith.constant 7 : i32
      "tpu.region"() ({
        %run_scoped3A_213 = tpu.sem_alloc : memref<!tpu.dma_semaphore, #tpu.memory_space<semaphore_mem>>
        %dma_start3A_214 = arith.constant 0 : i32
        %dma_start3A_215 = tpu.memref_slice %arg8[%run_scoped3A_207, %dma_start3A_214] : memref<8x64xi32, #tpu.memory_space<vmem>> -> memref<1x64xi32, #tpu.memory_space<vmem>>
        %dma_start3A_216 = tpu.memref_squeeze %dma_start3A_215 : memref<1x64xi32, #tpu.memory_space<vmem>> -> memref<64xi32, #tpu.memory_space<vmem>>
        %dma_start3A_217 = arith.constant 0 : i32
        %dma_start3A_218 = arith.constant 0 : i32
        %dma_start3A_219 = tpu.memref_slice %arg11[%dma_start3A_217, %dma_start3A_218] : memref<10240x128xf32, #tpu.memory_space<vmem_shared>> -> memref<10240x128xf32, #tpu.memory_space<vmem_shared>>
        tpu.enqueue_indirect_dma source(%arg10 : memref<64x128xf32, #tpu.memory_space<vmem>>) target(%dma_start3A_219 : memref<10240x128xf32, #tpu.memory_space<vmem_shared>>) offsets(%dma_start3A_216 : memref<64xi32, #tpu.memory_space<vmem>>) semaphore(%run_scoped3A_213 : memref<!tpu.dma_semaphore, #tpu.memory_space<semaphore_mem>>) {add = true}
        %dma_wait3A_220 = arith.constant 0 : i32
        %dma_wait3A_221 = tpu.memref_slice %arg8[%run_scoped3A_207, %dma_wait3A_220] : memref<8x64xi32, #tpu.memory_space<vmem>> -> memref<1x64xi32, #tpu.memory_space<vmem>>
        %dma_wait3A_222 = tpu.memref_squeeze %dma_wait3A_221 : memref<1x64xi32, #tpu.memory_space<vmem>> -> memref<64xi32, #tpu.memory_space<vmem>>
        %dma_wait3A_223 = arith.constant 0 : i32
        %dma_wait3A_224 = arith.constant 0 : i32
        %dma_wait3A_225 = tpu.memref_slice %arg11[%dma_wait3A_223, %dma_wait3A_224] : memref<10240x128xf32, #tpu.memory_space<vmem_shared>> -> memref<10240x128xf32, #tpu.memory_space<vmem_shared>>
        tpu.wait_indirect_dma semaphore(%run_scoped3A_213 : memref<!tpu.dma_semaphore, #tpu.memory_space<semaphore_mem>>) src(%arg10 : memref<64x128xf32, #tpu.memory_space<vmem>>) dst(%dma_wait3A_225 : memref<10240x128xf32, #tpu.memory_space<vmem_shared>>)
        tpu.yield
      }) : () -> ()
      %scan3A_208 = arith.constant 0 : i32
      %scan3A_209 = arith.constant 4 : i32
      %scan3A_210 = arith.addi %scan3A_208, %scan3A_209 : i32
      %scan3A_211 = arith.constant 1 : i32
      scf.for %scan3A_213 = %scan3A_208 to %scan3A_210 step %scan3A_211  : i32 {
        %mul3A_214 = arith.constant 1 : i32
        %mul3A_215 = arith.muli %scan3A_213, %mul3A_214 : i32
        %add3A_216 = arith.constant 0 : i32
        %add3A_217 = arith.addi %add3A_216, %mul3A_215 : i32
        %mul3A_218 = arith.constant 16 : i32
        %mul3A_219 = arith.muli %add3A_217, %mul3A_218 : i32
        %get3A = arith.constant 7 : i32
        %get3A_220 = arith.index_cast %get3A : i32 to index
        %get3A_221 = arith.index_cast %mul3A_219 : i32 to index
        %get3A_222 = tpu.vector_load %arg8[%get3A_220, %get3A_221] {strides = array<i32>} : memref<8x64xi32, #tpu.memory_space<vmem>>, vector<16xi32>,
        tpu.vector_store_idx %arg14[%get3A_222], %broadcast_in_dim3A_31 {add = true} : memref<10240xf32, #tpu.memory_space<vmem>>[vector<16xi32>], vector<16xf32>,
      }
      %scan3A_212 = arith.constant 4 : i32
    }
    %barrier3A_49 = arith.constant 0 : index
    tpu.barrier barrier_id(%barrier3A_49)
    "tpu.region"() ({
      %run_scoped3A = tpu.sem_alloc : memref<!tpu.dma_semaphore, #tpu.memory_space<semaphore_mem>>
      %dma_start3A = arith.constant 0 : i32
      %dma_start3A_50 = tpu.memref_slice %arg5[%arg0, %mul3A_2, %dma_start3A] : memref<2x10240x128xf32, #tpu.memory_space<hbm>> -> memref<1x640x128xf32, #tpu.memory_space<hbm>>
      %dma_start3A_51 = tpu.memref_squeeze %dma_start3A_50 : memref<1x640x128xf32, #tpu.memory_space<hbm>> -> memref<640x128xf32, #tpu.memory_space<hbm>>
      %dma_start3A_52 = arith.constant 0 : i32
      %dma_start3A_53 = tpu.memref_slice %arg11[%mul3A_2, %dma_start3A_52] : memref<10240x128xf32, #tpu.memory_space<vmem_shared>> -> memref<640x128xf32, #tpu.memory_space<vmem_shared>>
      tpu.enqueue_dma source(%dma_start3A_53 : memref<640x128xf32, #tpu.memory_space<vmem_shared>>) target(%dma_start3A_51 : memref<640x128xf32, #tpu.memory_space<hbm>>) target_semaphore(%run_scoped3A : memref<!tpu.dma_semaphore, #tpu.memory_space<semaphore_mem>>)
      %dma_wait3A = arith.constant 0 : i32
      %dma_wait3A_54 = tpu.memref_slice %arg5[%arg0, %mul3A_2, %dma_wait3A] : memref<2x10240x128xf32, #tpu.memory_space<hbm>> -> memref<1x640x128xf32, #tpu.memory_space<hbm>>
      %dma_wait3A_55 = tpu.memref_squeeze %dma_wait3A_54 : memref<1x640x128xf32, #tpu.memory_space<hbm>> -> memref<640x128xf32, #tpu.memory_space<hbm>>
      %dma_wait3A_56 = arith.constant 0 : i32
      %dma_wait3A_57 = tpu.memref_slice %arg11[%mul3A_2, %dma_wait3A_56] : memref<10240x128xf32, #tpu.memory_space<vmem_shared>> -> memref<640x128xf32, #tpu.memory_space<vmem_shared>>
      tpu.wait_dma2 semaphore(%run_scoped3A : memref<!tpu.dma_semaphore, #tpu.memory_space<semaphore_mem>>) src(%dma_wait3A_57 : memref<640x128xf32, #tpu.memory_space<vmem_shared>>) dst(%dma_wait3A_55 : memref<640x128xf32, #tpu.memory_space<hbm>>)
      tpu.yield
    }) : () -> ()
    "tpu.region"() ({
      %run_scoped3A = tpu.sem_alloc : memref<!tpu.dma_semaphore, #tpu.memory_space<semaphore_mem>>
      %dma_start3A = arith.constant 0 : i32
      %dma_start3A_50 = tpu.memref_slice %arg6[%add3A, %dma_start3A] : memref<32x10240xf32, #tpu.memory_space<hbm>> -> memref<1x10240xf32, #tpu.memory_space<hbm>>
      %dma_start3A_51 = tpu.memref_squeeze %dma_start3A_50 : memref<1x10240xf32, #tpu.memory_space<hbm>> -> memref<10240xf32, #tpu.memory_space<hbm>>
      %dma_start3A_52 = arith.constant 0 : i32
      %dma_start3A_53 = tpu.memref_slice %arg6[%add3A, %dma_start3A_52] : memref<32x10240xf32, #tpu.memory_space<hbm>> -> memref<1x10240xf32, #tpu.memory_space<hbm>>
      %dma_start3A_54 = tpu.memref_squeeze %dma_start3A_53 : memref<1x10240xf32, #tpu.memory_space<hbm>> -> memref<10240xf32, #tpu.memory_space<hbm>>
      tpu.enqueue_dma source(%arg14 : memref<10240xf32, #tpu.memory_space<vmem>>) target(%dma_start3A_54 : memref<10240xf32, #tpu.memory_space<hbm>>) target_semaphore(%run_scoped3A : memref<!tpu.dma_semaphore, #tpu.memory_space<semaphore_mem>>)
      %dma_wait3A = arith.constant 0 : i32
      %dma_wait3A_55 = tpu.memref_slice %arg6[%add3A, %dma_wait3A] : memref<32x10240xf32, #tpu.memory_space<hbm>> -> memref<1x10240xf32, #tpu.memory_space<hbm>>
      %dma_wait3A_56 = tpu.memref_squeeze %dma_wait3A_55 : memref<1x10240xf32, #tpu.memory_space<hbm>> -> memref<10240xf32, #tpu.memory_space<hbm>>
      %dma_wait3A_57 = arith.constant 0 : i32
      %dma_wait3A_58 = tpu.memref_slice %arg6[%add3A, %dma_wait3A_57] : memref<32x10240xf32, #tpu.memory_space<hbm>> -> memref<1x10240xf32, #tpu.memory_space<hbm>>
      %dma_wait3A_59 = tpu.memref_squeeze %dma_wait3A_58 : memref<1x10240xf32, #tpu.memory_space<hbm>> -> memref<10240xf32, #tpu.memory_space<hbm>>
      tpu.wait_dma2 semaphore(%run_scoped3A : memref<!tpu.dma_semaphore, #tpu.memory_space<semaphore_mem>>) src(%arg14 : memref<10240xf32, #tpu.memory_space<vmem>>) dst(%dma_wait3A_59 : memref<10240xf32, #tpu.memory_space<hbm>>)
      tpu.yield
    }) : () -> ()
    return
  }
}

#map = affine_map<(d0, d1) -> (0, 0)>
#map1 = affine_map<(d0, d1) -> (0, 0, 0)>
module attributes {stable_mosaic.version = 14 : i64} {
  func.func @body(%arg0: i32, %arg1: i32, %arg2: memref<10240x128xf32, #tpu.memory_space<hbm>>, %arg3: memref<5120x64xi32, #tpu.memory_space<hbm>>, %arg4: memref<5120x64xi32, #tpu.memory_space<hbm>>, %arg5: memref<2x10240x128xf32, #tpu.memory_space<hbm>>, %arg6: memref<8x64xi32, #tpu.memory_space<vmem>>, %arg7: memref<8x64xi32, #tpu.memory_space<vmem>>, %arg8: memref<64x128xf32, #tpu.memory_space<vmem>>, %arg9: memref<64x128xf32, #tpu.memory_space<vmem>>, %arg10: memref<10240x128xf32, #tpu.memory_space<vmem_shared>>, %arg11: memref<!tpu.dma_semaphore, #tpu.memory_space<semaphore_mem>>, %arg12: memref<!tpu.dma_semaphore, #tpu.memory_space<semaphore_mem>>) attributes {dimension_semantics = [#tpu.dimension_semantics<core_parallel>, #tpu.dimension_semantics<subcore_parallel>], iteration_bounds = array<i64: 2, 16>, scalar_prefetch = 0 : i64, scratch_operands = 7 : i64, tpu.core_type = #tpu.core_type<sc_vector_subcore>, window_params = [{transform_indices = #map}, {transform_indices = #map}, {transform_indices = #map}, {transform_indices = #map1}]} {
    %mul3A = arith.constant 16 : i32
    %mul3A_0 = arith.muli %arg0, %mul3A : i32
    %add3A = arith.addi %mul3A_0, %arg1 : i32
    %mul3A_1 = arith.constant 640 : i32
    %mul3A_2 = arith.muli %arg1, %mul3A_1 : i32
    %eq3A = arith.constant 0 : i32
    %eq3A_3 = arith.cmpi eq, %arg0, %eq3A : i32
    %convert_element_type3A = arith.extui %eq3A_3 : i1 to i32
    %mul3A_4 = arith.constant 32 : i32
    %mul3A_5 = arith.muli %convert_element_type3A, %mul3A_4 : i32
    %add3A_6 = arith.constant 4 : i32
    %add3A_7 = arith.addi %add3A_6, %mul3A_5 : i32
    %sub3A = arith.constant 1 : i32
    %sub3A_8 = arith.subi %sub3A, %convert_element_type3A : i32
    %mul3A_9 = arith.constant 4608 : i32
    %mul3A_10 = arith.muli %sub3A_8, %mul3A_9 : i32
    %mul3A_11 = arith.constant 256 : i32
    %mul3A_12 = arith.muli %convert_element_type3A, %mul3A_11 : i32
    %add3A_13 = arith.constant 32 : i32
    %add3A_14 = arith.addi %add3A_13, %mul3A_12 : i32
    %mul3A_15 = arith.muli %arg1, %add3A_14 : i32
    %add3A_16 = arith.addi %mul3A_10, %mul3A_15 : i32
    %scan3A = arith.constant 0 : i32
    %scan3A_17 = arith.constant 64 : i32
    %scan3A_18 = arith.addi %scan3A, %scan3A_17 : i32
    %scan3A_19 = arith.constant 1 : i32
    scf.for %scan3A_45 = %scan3A to %scan3A_18 step %scan3A_19  : i32 {
      %mul3A_46 = arith.constant 1 : i32
      %mul3A_47 = arith.muli %scan3A_45, %mul3A_46 : i32
      %add3A_48 = arith.constant 0 : i32
      %add3A_49 = arith.addi %add3A_48, %mul3A_47 : i32
      %scan3A_50 = arith.constant 0 : i32
      %scan3A_51 = arith.constant 8 : i32
      %scan3A_52 = arith.addi %scan3A_50, %scan3A_51 : i32
      %scan3A_53 = arith.constant 1 : i32
      scf.for %scan3A_55 = %scan3A_50 to %scan3A_52 step %scan3A_53  : i32 {
        %mul3A_56 = arith.constant 1 : i32
        %mul3A_57 = arith.muli %scan3A_55, %mul3A_56 : i32
        %add3A_58 = arith.constant 0 : i32
        %add3A_59 = arith.addi %add3A_58, %mul3A_57 : i32
        %broadcast_in_dim3A_60 = arith.constant 0.000000e+00 : f32
        %broadcast_in_dim3A_61 = vector.broadcast %broadcast_in_dim3A_60 : f32 to vector<16xf32>
        %mul3A_62 = arith.constant 16 : i32
        %mul3A_63 = arith.muli %add3A_59, %mul3A_62 : i32
        %swap3A = arith.index_cast %add3A_49 : i32 to index
        %swap3A_64 = arith.index_cast %mul3A_63 : i32 to index
        %swap3A_65 = tpu.vector_load %arg8[%swap3A, %swap3A_64] {strides = array<i32>} : memref<64x128xf32, #tpu.memory_space<vmem>>, vector<16xf32>,
        tpu.vector_store %arg8[%swap3A, %swap3A_64], %broadcast_in_dim3A_61 {strides = array<i32>} : memref<64x128xf32, #tpu.memory_space<vmem>>, vector<16xf32>,
      }
      %scan3A_54 = arith.constant 8 : i32
    }
    %scan3A_20 = arith.constant 64 : i32
    %scan3A_21 = arith.constant 0 : i32
    %scan3A_22 = arith.constant 10 : i32
    %scan3A_23 = arith.addi %scan3A_21, %scan3A_22 : i32
    %scan3A_24 = arith.constant 1 : i32
    scf.for %scan3A_45 = %scan3A_21 to %scan3A_23 step %scan3A_24  : i32 {
      %mul3A_46 = arith.constant 1 : i32
      %mul3A_47 = arith.muli %scan3A_45, %mul3A_46 : i32
      %add3A_48 = arith.constant 0 : i32
      %add3A_49 = arith.addi %add3A_48, %mul3A_47 : i32
      %mul3A_50 = arith.constant 64 : i32
      %mul3A_51 = arith.muli %add3A_49, %mul3A_50 : i32
      %add3A_52 = arith.addi %mul3A_2, %mul3A_51 : i32
      "tpu.region"() ({
        %run_scoped3A = tpu.sem_alloc : memref<!tpu.dma_semaphore, #tpu.memory_space<semaphore_mem>>
        %dma_start3A = arith.constant 0 : i32
        %dma_start3A_53 = tpu.memref_slice %arg10[%add3A_52, %dma_start3A] : memref<10240x128xf32, #tpu.memory_space<vmem_shared>> -> memref<64x128xf32, #tpu.memory_space<vmem_shared>>
        %dma_start3A_54 = arith.constant 0 : i32
        %dma_start3A_55 = tpu.memref_slice %arg10[%add3A_52, %dma_start3A_54] : memref<10240x128xf32, #tpu.memory_space<vmem_shared>> -> memref<64x128xf32, #tpu.memory_space<vmem_shared>>
        tpu.enqueue_dma source(%arg8 : memref<64x128xf32, #tpu.memory_space<vmem>>) target(%dma_start3A_55 : memref<64x128xf32, #tpu.memory_space<vmem_shared>>) target_semaphore(%run_scoped3A : memref<!tpu.dma_semaphore, #tpu.memory_space<semaphore_mem>>)
        %dma_wait3A = arith.constant 0 : i32
        %dma_wait3A_56 = tpu.memref_slice %arg10[%add3A_52, %dma_wait3A] : memref<10240x128xf32, #tpu.memory_space<vmem_shared>> -> memref<64x128xf32, #tpu.memory_space<vmem_shared>>
        %dma_wait3A_57 = arith.constant 0 : i32
        %dma_wait3A_58 = tpu.memref_slice %arg10[%add3A_52, %dma_wait3A_57] : memref<10240x128xf32, #tpu.memory_space<vmem_shared>> -> memref<64x128xf32, #tpu.memory_space<vmem_shared>>
        tpu.wait_dma2 semaphore(%run_scoped3A : memref<!tpu.dma_semaphore, #tpu.memory_space<semaphore_mem>>) src(%arg8 : memref<64x128xf32, #tpu.memory_space<vmem>>) dst(%dma_wait3A_58 : memref<64x128xf32, #tpu.memory_space<vmem_shared>>)
        tpu.yield
      }) : () -> ()
    }
    %scan3A_25 = arith.constant 10 : i32
    %barrier3A = arith.constant 0 : index
    tpu.barrier barrier_id(%barrier3A)
    %broadcast_in_dim3A = arith.constant 1.000000e+00 : f32
    %broadcast_in_dim3A_26 = vector.broadcast %broadcast_in_dim3A : f32 to vector<16xf32>
    %sub3A_27 = arith.constant 0 : i32
    %sub3A_28 = arith.subi %add3A_7, %sub3A_27 : i32
    %sub3A_29 = arith.constant 1 : i32
    %sub3A_30 = arith.constant 1 : i32
    %sub3A_31 = arith.subi %sub3A_29, %sub3A_30 : i32
    %add3A_32 = arith.addi %sub3A_28, %sub3A_31 : i32
    %div3A = arith.constant 1 : i32
    %div3A_33 = arith.divsi %add3A_32, %div3A : i32
    %while3A = arith.constant 1 : i32
    %while3A_34 = arith.constant 0 : i32
    %while3A_35 = arith.constant 0 : i32
    %while3A_36 = arith.subi %div3A_33, %while3A_35 : i32
    %while3A_37 = arith.addi %while3A_35, %while3A_36 : i32
    %while3A_38 = arith.constant 1 : i32
    %while3A_39 = arith.divsi %while3A_36, %while3A_38 : i32
    %while3A_40 = arith.muli %while3A_39, %while3A_38 : i32
    %while3A_41 = arith.addi %while3A_35, %while3A_40 : i32
    %while3A_42 = arith.constant 1 : i32
    scf.for %while3A_45 = %while3A_35 to %while3A_41 step %while3A_42  : i32 {
      %mul3A_46 = arith.muli %while3A_45, %while3A : i32
      %add3A_47 = arith.addi %while3A_34, %mul3A_46 : i32
      %mul3A_48 = arith.constant 8 : i32
      %mul3A_49 = arith.muli %add3A_47, %mul3A_48 : i32
      %add3A_50 = arith.addi %add3A_16, %mul3A_49 : i32
      "tpu.region"() ({
        %run_scoped3A_168 = tpu.sem_alloc : memref<!tpu.dma_semaphore, #tpu.memory_space<semaphore_mem>>
        %dma_start3A_169 = arith.constant 0 : i32
        %dma_start3A_170 = tpu.memref_slice %arg3[%add3A_50, %dma_start3A_169] : memref<5120x64xi32, #tpu.memory_space<hbm>> -> memref<8x64xi32, #tpu.memory_space<hbm>>
        %dma_start3A_171 = arith.constant 0 : i32
        %dma_start3A_172 = tpu.memref_slice %arg3[%add3A_50, %dma_start3A_171] : memref<5120x64xi32, #tpu.memory_space<hbm>> -> memref<8x64xi32, #tpu.memory_space<hbm>>
        tpu.enqueue_dma source(%dma_start3A_172 : memref<8x64xi32, #tpu.memory_space<hbm>>) target(%arg6 : memref<8x64xi32, #tpu.memory_space<vmem>>) target_semaphore(%run_scoped3A_168 : memref<!tpu.dma_semaphore, #tpu.memory_space<semaphore_mem>>)
        %dma_wait3A_173 = arith.constant 0 : i32
        %dma_wait3A_174 = tpu.memref_slice %arg3[%add3A_50, %dma_wait3A_173] : memref<5120x64xi32, #tpu.memory_space<hbm>> -> memref<8x64xi32, #tpu.memory_space<hbm>>
        %dma_wait3A_175 = arith.constant 0 : i32
        %dma_wait3A_176 = tpu.memref_slice %arg3[%add3A_50, %dma_wait3A_175] : memref<5120x64xi32, #tpu.memory_space<hbm>> -> memref<8x64xi32, #tpu.memory_space<hbm>>
        tpu.wait_dma2 semaphore(%run_scoped3A_168 : memref<!tpu.dma_semaphore, #tpu.memory_space<semaphore_mem>>) src(%dma_wait3A_176 : memref<8x64xi32, #tpu.memory_space<hbm>>) dst(%arg6 : memref<8x64xi32, #tpu.memory_space<vmem>>)
        tpu.yield
      }) : () -> ()
      "tpu.region"() ({
        %run_scoped3A_168 = tpu.sem_alloc : memref<!tpu.dma_semaphore, #tpu.memory_space<semaphore_mem>>
        %dma_start3A_169 = arith.constant 0 : i32
        %dma_start3A_170 = tpu.memref_slice %arg4[%add3A_50, %dma_start3A_169] : memref<5120x64xi32, #tpu.memory_space<hbm>> -> memref<8x64xi32, #tpu.memory_space<hbm>>
        %dma_start3A_171 = arith.constant 0 : i32
        %dma_start3A_172 = tpu.memref_slice %arg4[%add3A_50, %dma_start3A_171] : memref<5120x64xi32, #tpu.memory_space<hbm>> -> memref<8x64xi32, #tpu.memory_space<hbm>>
        tpu.enqueue_dma source(%dma_start3A_172 : memref<8x64xi32, #tpu.memory_space<hbm>>) target(%arg7 : memref<8x64xi32, #tpu.memory_space<vmem>>) target_semaphore(%run_scoped3A_168 : memref<!tpu.dma_semaphore, #tpu.memory_space<semaphore_mem>>)
        %dma_wait3A_173 = arith.constant 0 : i32
        %dma_wait3A_174 = tpu.memref_slice %arg4[%add3A_50, %dma_wait3A_173] : memref<5120x64xi32, #tpu.memory_space<hbm>> -> memref<8x64xi32, #tpu.memory_space<hbm>>
        %dma_wait3A_175 = arith.constant 0 : i32
        %dma_wait3A_176 = tpu.memref_slice %arg4[%add3A_50, %dma_wait3A_175] : memref<5120x64xi32, #tpu.memory_space<hbm>> -> memref<8x64xi32, #tpu.memory_space<hbm>>
        tpu.wait_dma2 semaphore(%run_scoped3A_168 : memref<!tpu.dma_semaphore, #tpu.memory_space<semaphore_mem>>) src(%dma_wait3A_176 : memref<8x64xi32, #tpu.memory_space<hbm>>) dst(%arg7 : memref<8x64xi32, #tpu.memory_space<vmem>>)
        tpu.yield
      }) : () -> ()
      %dma_start3A = arith.constant 0 : i32
      %dma_start3A_51 = arith.constant 0 : i32
      %dma_start3A_52 = tpu.memref_slice %arg6[%dma_start3A, %dma_start3A_51] : memref<8x64xi32, #tpu.memory_space<vmem>> -> memref<1x64xi32, #tpu.memory_space<vmem>>
      %dma_start3A_53 = tpu.memref_squeeze %dma_start3A_52 : memref<1x64xi32, #tpu.memory_space<vmem>> -> memref<64xi32, #tpu.memory_space<vmem>>
      %dma_start3A_54 = arith.constant 0 : i32
      %dma_start3A_55 = arith.constant 0 : i32
      %dma_start3A_56 = tpu.memref_slice %arg2[%dma_start3A_54, %dma_start3A_55] : memref<10240x128xf32, #tpu.memory_space<hbm>> -> memref<10240x128xf32, #tpu.memory_space<hbm>>
      tpu.enqueue_indirect_dma source(%dma_start3A_56 : memref<10240x128xf32, #tpu.memory_space<hbm>>) target(%arg8 : memref<64x128xf32, #tpu.memory_space<vmem>>) offsets(%dma_start3A_53 : memref<64xi32, #tpu.memory_space<vmem>>) semaphore(%arg11 : memref<!tpu.dma_semaphore, #tpu.memory_space<semaphore_mem>>)
      %dma_start3A_57 = arith.constant 1 : i32
      %dma_start3A_58 = arith.constant 0 : i32
      %dma_start3A_59 = tpu.memref_slice %arg6[%dma_start3A_57, %dma_start3A_58] : memref<8x64xi32, #tpu.memory_space<vmem>> -> memref<1x64xi32, #tpu.memory_space<vmem>>
      %dma_start3A_60 = tpu.memref_squeeze %dma_start3A_59 : memref<1x64xi32, #tpu.memory_space<vmem>> -> memref<64xi32, #tpu.memory_space<vmem>>
      %dma_start3A_61 = arith.constant 0 : i32
      %dma_start3A_62 = arith.constant 0 : i32
      %dma_start3A_63 = tpu.memref_slice %arg2[%dma_start3A_61, %dma_start3A_62] : memref<10240x128xf32, #tpu.memory_space<hbm>> -> memref<10240x128xf32, #tpu.memory_space<hbm>>
      tpu.enqueue_indirect_dma source(%dma_start3A_63 : memref<10240x128xf32, #tpu.memory_space<hbm>>) target(%arg9 : memref<64x128xf32, #tpu.memory_space<vmem>>) offsets(%dma_start3A_60 : memref<64xi32, #tpu.memory_space<vmem>>) semaphore(%arg12 : memref<!tpu.dma_semaphore, #tpu.memory_space<semaphore_mem>>)
      %dma_wait3A = arith.constant 0 : i32
      %dma_wait3A_64 = arith.constant 0 : i32
      %dma_wait3A_65 = tpu.memref_slice %arg6[%dma_wait3A, %dma_wait3A_64] : memref<8x64xi32, #tpu.memory_space<vmem>> -> memref<1x64xi32, #tpu.memory_space<vmem>>
      %dma_wait3A_66 = tpu.memref_squeeze %dma_wait3A_65 : memref<1x64xi32, #tpu.memory_space<vmem>> -> memref<64xi32, #tpu.memory_space<vmem>>
      %dma_wait3A_67 = arith.constant 0 : i32
      %dma_wait3A_68 = arith.constant 0 : i32
      %dma_wait3A_69 = tpu.memref_slice %arg2[%dma_wait3A_67, %dma_wait3A_68] : memref<10240x128xf32, #tpu.memory_space<hbm>> -> memref<10240x128xf32, #tpu.memory_space<hbm>>
      tpu.wait_indirect_dma semaphore(%arg11 : memref<!tpu.dma_semaphore, #tpu.memory_space<semaphore_mem>>) src(%dma_wait3A_69 : memref<10240x128xf32, #tpu.memory_space<hbm>>) dst(%arg8 : memref<64x128xf32, #tpu.memory_space<vmem>>)
      %run_scoped3A = arith.constant 0 : i32
      "tpu.region"() ({
        %run_scoped3A_168 = tpu.sem_alloc : memref<!tpu.dma_semaphore, #tpu.memory_space<semaphore_mem>>
        %dma_start3A_169 = arith.constant 0 : i32
        %dma_start3A_170 = tpu.memref_slice %arg7[%run_scoped3A, %dma_start3A_169] : memref<8x64xi32, #tpu.memory_space<vmem>> -> memref<1x64xi32, #tpu.memory_space<vmem>>
        %dma_start3A_171 = tpu.memref_squeeze %dma_start3A_170 : memref<1x64xi32, #tpu.memory_space<vmem>> -> memref<64xi32, #tpu.memory_space<vmem>>
        %dma_start3A_172 = arith.constant 0 : i32
        %dma_start3A_173 = arith.constant 0 : i32
        %dma_start3A_174 = tpu.memref_slice %arg10[%dma_start3A_172, %dma_start3A_173] : memref<10240x128xf32, #tpu.memory_space<vmem_shared>> -> memref<10240x128xf32, #tpu.memory_space<vmem_shared>>
        tpu.enqueue_indirect_dma source(%arg8 : memref<64x128xf32, #tpu.memory_space<vmem>>) target(%dma_start3A_174 : memref<10240x128xf32, #tpu.memory_space<vmem_shared>>) offsets(%dma_start3A_171 : memref<64xi32, #tpu.memory_space<vmem>>) semaphore(%run_scoped3A_168 : memref<!tpu.dma_semaphore, #tpu.memory_space<semaphore_mem>>) {add = true}
        %dma_wait3A_175 = arith.constant 0 : i32
        %dma_wait3A_176 = tpu.memref_slice %arg7[%run_scoped3A, %dma_wait3A_175] : memref<8x64xi32, #tpu.memory_space<vmem>> -> memref<1x64xi32, #tpu.memory_space<vmem>>
        %dma_wait3A_177 = tpu.memref_squeeze %dma_wait3A_176 : memref<1x64xi32, #tpu.memory_space<vmem>> -> memref<64xi32, #tpu.memory_space<vmem>>
        %dma_wait3A_178 = arith.constant 0 : i32
        %dma_wait3A_179 = arith.constant 0 : i32
        %dma_wait3A_180 = tpu.memref_slice %arg10[%dma_wait3A_178, %dma_wait3A_179] : memref<10240x128xf32, #tpu.memory_space<vmem_shared>> -> memref<10240x128xf32, #tpu.memory_space<vmem_shared>>
        tpu.wait_indirect_dma semaphore(%run_scoped3A_168 : memref<!tpu.dma_semaphore, #tpu.memory_space<semaphore_mem>>) src(%arg8 : memref<64x128xf32, #tpu.memory_space<vmem>>) dst(%dma_wait3A_180 : memref<10240x128xf32, #tpu.memory_space<vmem_shared>>)
        tpu.yield
      }) : () -> ()
      %dma_start3A_70 = arith.constant 2 : i32
      %dma_start3A_71 = arith.constant 0 : i32
      %dma_start3A_72 = tpu.memref_slice %arg6[%dma_start3A_70, %dma_start3A_71] : memref<8x64xi32, #tpu.memory_space<vmem>> -> memref<1x64xi32, #tpu.memory_space<vmem>>
      %dma_start3A_73 = tpu.memref_squeeze %dma_start3A_72 : memref<1x64xi32, #tpu.memory_space<vmem>> -> memref<64xi32, #tpu.memory_space<vmem>>
      %dma_start3A_74 = arith.constant 0 : i32
      %dma_start3A_75 = arith.constant 0 : i32
      %dma_start3A_76 = tpu.memref_slice %arg2[%dma_start3A_74, %dma_start3A_75] : memref<10240x128xf32, #tpu.memory_space<hbm>> -> memref<10240x128xf32, #tpu.memory_space<hbm>>
      tpu.enqueue_indirect_dma source(%dma_start3A_76 : memref<10240x128xf32, #tpu.memory_space<hbm>>) target(%arg8 : memref<64x128xf32, #tpu.memory_space<vmem>>) offsets(%dma_start3A_73 : memref<64xi32, #tpu.memory_space<vmem>>) semaphore(%arg11 : memref<!tpu.dma_semaphore, #tpu.memory_space<semaphore_mem>>)
      %dma_wait3A_77 = arith.constant 1 : i32
      %dma_wait3A_78 = arith.constant 0 : i32
      %dma_wait3A_79 = tpu.memref_slice %arg6[%dma_wait3A_77, %dma_wait3A_78] : memref<8x64xi32, #tpu.memory_space<vmem>> -> memref<1x64xi32, #tpu.memory_space<vmem>>
      %dma_wait3A_80 = tpu.memref_squeeze %dma_wait3A_79 : memref<1x64xi32, #tpu.memory_space<vmem>> -> memref<64xi32, #tpu.memory_space<vmem>>
      %dma_wait3A_81 = arith.constant 0 : i32
      %dma_wait3A_82 = arith.constant 0 : i32
      %dma_wait3A_83 = tpu.memref_slice %arg2[%dma_wait3A_81, %dma_wait3A_82] : memref<10240x128xf32, #tpu.memory_space<hbm>> -> memref<10240x128xf32, #tpu.memory_space<hbm>>
      tpu.wait_indirect_dma semaphore(%arg12 : memref<!tpu.dma_semaphore, #tpu.memory_space<semaphore_mem>>) src(%dma_wait3A_83 : memref<10240x128xf32, #tpu.memory_space<hbm>>) dst(%arg9 : memref<64x128xf32, #tpu.memory_space<vmem>>)
      %run_scoped3A_84 = arith.constant 1 : i32
      "tpu.region"() ({
        %run_scoped3A_168 = tpu.sem_alloc : memref<!tpu.dma_semaphore, #tpu.memory_space<semaphore_mem>>
        %dma_start3A_169 = arith.constant 0 : i32
        %dma_start3A_170 = tpu.memref_slice %arg7[%run_scoped3A_84, %dma_start3A_169] : memref<8x64xi32, #tpu.memory_space<vmem>> -> memref<1x64xi32, #tpu.memory_space<vmem>>
        %dma_start3A_171 = tpu.memref_squeeze %dma_start3A_170 : memref<1x64xi32, #tpu.memory_space<vmem>> -> memref<64xi32, #tpu.memory_space<vmem>>
        %dma_start3A_172 = arith.constant 0 : i32
        %dma_start3A_173 = arith.constant 0 : i32
        %dma_start3A_174 = tpu.memref_slice %arg10[%dma_start3A_172, %dma_start3A_173] : memref<10240x128xf32, #tpu.memory_space<vmem_shared>> -> memref<10240x128xf32, #tpu.memory_space<vmem_shared>>
        tpu.enqueue_indirect_dma source(%arg9 : memref<64x128xf32, #tpu.memory_space<vmem>>) target(%dma_start3A_174 : memref<10240x128xf32, #tpu.memory_space<vmem_shared>>) offsets(%dma_start3A_171 : memref<64xi32, #tpu.memory_space<vmem>>) semaphore(%run_scoped3A_168 : memref<!tpu.dma_semaphore, #tpu.memory_space<semaphore_mem>>) {add = true}
        %dma_wait3A_175 = arith.constant 0 : i32
        %dma_wait3A_176 = tpu.memref_slice %arg7[%run_scoped3A_84, %dma_wait3A_175] : memref<8x64xi32, #tpu.memory_space<vmem>> -> memref<1x64xi32, #tpu.memory_space<vmem>>
        %dma_wait3A_177 = tpu.memref_squeeze %dma_wait3A_176 : memref<1x64xi32, #tpu.memory_space<vmem>> -> memref<64xi32, #tpu.memory_space<vmem>>
        %dma_wait3A_178 = arith.constant 0 : i32
        %dma_wait3A_179 = arith.constant 0 : i32
        %dma_wait3A_180 = tpu.memref_slice %arg10[%dma_wait3A_178, %dma_wait3A_179] : memref<10240x128xf32, #tpu.memory_space<vmem_shared>> -> memref<10240x128xf32, #tpu.memory_space<vmem_shared>>
        tpu.wait_indirect_dma semaphore(%run_scoped3A_168 : memref<!tpu.dma_semaphore, #tpu.memory_space<semaphore_mem>>) src(%arg9 : memref<64x128xf32, #tpu.memory_space<vmem>>) dst(%dma_wait3A_180 : memref<10240x128xf32, #tpu.memory_space<vmem_shared>>)
        tpu.yield
      }) : () -> ()
      %dma_start3A_85 = arith.constant 3 : i32
      %dma_start3A_86 = arith.constant 0 : i32
      %dma_start3A_87 = tpu.memref_slice %arg6[%dma_start3A_85, %dma_start3A_86] : memref<8x64xi32, #tpu.memory_space<vmem>> -> memref<1x64xi32, #tpu.memory_space<vmem>>
      %dma_start3A_88 = tpu.memref_squeeze %dma_start3A_87 : memref<1x64xi32, #tpu.memory_space<vmem>> -> memref<64xi32, #tpu.memory_space<vmem>>
      %dma_start3A_89 = arith.constant 0 : i32
      %dma_start3A_90 = arith.constant 0 : i32
      %dma_start3A_91 = tpu.memref_slice %arg2[%dma_start3A_89, %dma_start3A_90] : memref<10240x128xf32, #tpu.memory_space<hbm>> -> memref<10240x128xf32, #tpu.memory_space<hbm>>
      tpu.enqueue_indirect_dma source(%dma_start3A_91 : memref<10240x128xf32, #tpu.memory_space<hbm>>) target(%arg9 : memref<64x128xf32, #tpu.memory_space<vmem>>) offsets(%dma_start3A_88 : memref<64xi32, #tpu.memory_space<vmem>>) semaphore(%arg12 : memref<!tpu.dma_semaphore, #tpu.memory_space<semaphore_mem>>)
      %dma_wait3A_92 = arith.constant 2 : i32
      %dma_wait3A_93 = arith.constant 0 : i32
      %dma_wait3A_94 = tpu.memref_slice %arg6[%dma_wait3A_92, %dma_wait3A_93] : memref<8x64xi32, #tpu.memory_space<vmem>> -> memref<1x64xi32, #tpu.memory_space<vmem>>
      %dma_wait3A_95 = tpu.memref_squeeze %dma_wait3A_94 : memref<1x64xi32, #tpu.memory_space<vmem>> -> memref<64xi32, #tpu.memory_space<vmem>>
      %dma_wait3A_96 = arith.constant 0 : i32
      %dma_wait3A_97 = arith.constant 0 : i32
      %dma_wait3A_98 = tpu.memref_slice %arg2[%dma_wait3A_96, %dma_wait3A_97] : memref<10240x128xf32, #tpu.memory_space<hbm>> -> memref<10240x128xf32, #tpu.memory_space<hbm>>
      tpu.wait_indirect_dma semaphore(%arg11 : memref<!tpu.dma_semaphore, #tpu.memory_space<semaphore_mem>>) src(%dma_wait3A_98 : memref<10240x128xf32, #tpu.memory_space<hbm>>) dst(%arg8 : memref<64x128xf32, #tpu.memory_space<vmem>>)
      %run_scoped3A_99 = arith.constant 2 : i32
      "tpu.region"() ({
        %run_scoped3A_168 = tpu.sem_alloc : memref<!tpu.dma_semaphore, #tpu.memory_space<semaphore_mem>>
        %dma_start3A_169 = arith.constant 0 : i32
        %dma_start3A_170 = tpu.memref_slice %arg7[%run_scoped3A_99, %dma_start3A_169] : memref<8x64xi32, #tpu.memory_space<vmem>> -> memref<1x64xi32, #tpu.memory_space<vmem>>
        %dma_start3A_171 = tpu.memref_squeeze %dma_start3A_170 : memref<1x64xi32, #tpu.memory_space<vmem>> -> memref<64xi32, #tpu.memory_space<vmem>>
        %dma_start3A_172 = arith.constant 0 : i32
        %dma_start3A_173 = arith.constant 0 : i32
        %dma_start3A_174 = tpu.memref_slice %arg10[%dma_start3A_172, %dma_start3A_173] : memref<10240x128xf32, #tpu.memory_space<vmem_shared>> -> memref<10240x128xf32, #tpu.memory_space<vmem_shared>>
        tpu.enqueue_indirect_dma source(%arg8 : memref<64x128xf32, #tpu.memory_space<vmem>>) target(%dma_start3A_174 : memref<10240x128xf32, #tpu.memory_space<vmem_shared>>) offsets(%dma_start3A_171 : memref<64xi32, #tpu.memory_space<vmem>>) semaphore(%run_scoped3A_168 : memref<!tpu.dma_semaphore, #tpu.memory_space<semaphore_mem>>) {add = true}
        %dma_wait3A_175 = arith.constant 0 : i32
        %dma_wait3A_176 = tpu.memref_slice %arg7[%run_scoped3A_99, %dma_wait3A_175] : memref<8x64xi32, #tpu.memory_space<vmem>> -> memref<1x64xi32, #tpu.memory_space<vmem>>
        %dma_wait3A_177 = tpu.memref_squeeze %dma_wait3A_176 : memref<1x64xi32, #tpu.memory_space<vmem>> -> memref<64xi32, #tpu.memory_space<vmem>>
        %dma_wait3A_178 = arith.constant 0 : i32
        %dma_wait3A_179 = arith.constant 0 : i32
        %dma_wait3A_180 = tpu.memref_slice %arg10[%dma_wait3A_178, %dma_wait3A_179] : memref<10240x128xf32, #tpu.memory_space<vmem_shared>> -> memref<10240x128xf32, #tpu.memory_space<vmem_shared>>
        tpu.wait_indirect_dma semaphore(%run_scoped3A_168 : memref<!tpu.dma_semaphore, #tpu.memory_space<semaphore_mem>>) src(%arg8 : memref<64x128xf32, #tpu.memory_space<vmem>>) dst(%dma_wait3A_180 : memref<10240x128xf32, #tpu.memory_space<vmem_shared>>)
        tpu.yield
      }) : () -> ()
      %dma_start3A_100 = arith.constant 4 : i32
      %dma_start3A_101 = arith.constant 0 : i32
      %dma_start3A_102 = tpu.memref_slice %arg6[%dma_start3A_100, %dma_start3A_101] : memref<8x64xi32, #tpu.memory_space<vmem>> -> memref<1x64xi32, #tpu.memory_space<vmem>>
      %dma_start3A_103 = tpu.memref_squeeze %dma_start3A_102 : memref<1x64xi32, #tpu.memory_space<vmem>> -> memref<64xi32, #tpu.memory_space<vmem>>
      %dma_start3A_104 = arith.constant 0 : i32
      %dma_start3A_105 = arith.constant 0 : i32
      %dma_start3A_106 = tpu.memref_slice %arg2[%dma_start3A_104, %dma_start3A_105] : memref<10240x128xf32, #tpu.memory_space<hbm>> -> memref<10240x128xf32, #tpu.memory_space<hbm>>
      tpu.enqueue_indirect_dma source(%dma_start3A_106 : memref<10240x128xf32, #tpu.memory_space<hbm>>) target(%arg8 : memref<64x128xf32, #tpu.memory_space<vmem>>) offsets(%dma_start3A_103 : memref<64xi32, #tpu.memory_space<vmem>>) semaphore(%arg11 : memref<!tpu.dma_semaphore, #tpu.memory_space<semaphore_mem>>)
      %dma_wait3A_107 = arith.constant 3 : i32
      %dma_wait3A_108 = arith.constant 0 : i32
      %dma_wait3A_109 = tpu.memref_slice %arg6[%dma_wait3A_107, %dma_wait3A_108] : memref<8x64xi32, #tpu.memory_space<vmem>> -> memref<1x64xi32, #tpu.memory_space<vmem>>
      %dma_wait3A_110 = tpu.memref_squeeze %dma_wait3A_109 : memref<1x64xi32, #tpu.memory_space<vmem>> -> memref<64xi32, #tpu.memory_space<vmem>>
      %dma_wait3A_111 = arith.constant 0 : i32
      %dma_wait3A_112 = arith.constant 0 : i32
      %dma_wait3A_113 = tpu.memref_slice %arg2[%dma_wait3A_111, %dma_wait3A_112] : memref<10240x128xf32, #tpu.memory_space<hbm>> -> memref<10240x128xf32, #tpu.memory_space<hbm>>
      tpu.wait_indirect_dma semaphore(%arg12 : memref<!tpu.dma_semaphore, #tpu.memory_space<semaphore_mem>>) src(%dma_wait3A_113 : memref<10240x128xf32, #tpu.memory_space<hbm>>) dst(%arg9 : memref<64x128xf32, #tpu.memory_space<vmem>>)
      %run_scoped3A_114 = arith.constant 3 : i32
      "tpu.region"() ({
        %run_scoped3A_168 = tpu.sem_alloc : memref<!tpu.dma_semaphore, #tpu.memory_space<semaphore_mem>>
        %dma_start3A_169 = arith.constant 0 : i32
        %dma_start3A_170 = tpu.memref_slice %arg7[%run_scoped3A_114, %dma_start3A_169] : memref<8x64xi32, #tpu.memory_space<vmem>> -> memref<1x64xi32, #tpu.memory_space<vmem>>
        %dma_start3A_171 = tpu.memref_squeeze %dma_start3A_170 : memref<1x64xi32, #tpu.memory_space<vmem>> -> memref<64xi32, #tpu.memory_space<vmem>>
        %dma_start3A_172 = arith.constant 0 : i32
        %dma_start3A_173 = arith.constant 0 : i32
        %dma_start3A_174 = tpu.memref_slice %arg10[%dma_start3A_172, %dma_start3A_173] : memref<10240x128xf32, #tpu.memory_space<vmem_shared>> -> memref<10240x128xf32, #tpu.memory_space<vmem_shared>>
        tpu.enqueue_indirect_dma source(%arg9 : memref<64x128xf32, #tpu.memory_space<vmem>>) target(%dma_start3A_174 : memref<10240x128xf32, #tpu.memory_space<vmem_shared>>) offsets(%dma_start3A_171 : memref<64xi32, #tpu.memory_space<vmem>>) semaphore(%run_scoped3A_168 : memref<!tpu.dma_semaphore, #tpu.memory_space<semaphore_mem>>) {add = true}
        %dma_wait3A_175 = arith.constant 0 : i32
        %dma_wait3A_176 = tpu.memref_slice %arg7[%run_scoped3A_114, %dma_wait3A_175] : memref<8x64xi32, #tpu.memory_space<vmem>> -> memref<1x64xi32, #tpu.memory_space<vmem>>
        %dma_wait3A_177 = tpu.memref_squeeze %dma_wait3A_176 : memref<1x64xi32, #tpu.memory_space<vmem>> -> memref<64xi32, #tpu.memory_space<vmem>>
        %dma_wait3A_178 = arith.constant 0 : i32
        %dma_wait3A_179 = arith.constant 0 : i32
        %dma_wait3A_180 = tpu.memref_slice %arg10[%dma_wait3A_178, %dma_wait3A_179] : memref<10240x128xf32, #tpu.memory_space<vmem_shared>> -> memref<10240x128xf32, #tpu.memory_space<vmem_shared>>
        tpu.wait_indirect_dma semaphore(%run_scoped3A_168 : memref<!tpu.dma_semaphore, #tpu.memory_space<semaphore_mem>>) src(%arg9 : memref<64x128xf32, #tpu.memory_space<vmem>>) dst(%dma_wait3A_180 : memref<10240x128xf32, #tpu.memory_space<vmem_shared>>)
        tpu.yield
      }) : () -> ()
      %dma_start3A_115 = arith.constant 5 : i32
      %dma_start3A_116 = arith.constant 0 : i32
      %dma_start3A_117 = tpu.memref_slice %arg6[%dma_start3A_115, %dma_start3A_116] : memref<8x64xi32, #tpu.memory_space<vmem>> -> memref<1x64xi32, #tpu.memory_space<vmem>>
      %dma_start3A_118 = tpu.memref_squeeze %dma_start3A_117 : memref<1x64xi32, #tpu.memory_space<vmem>> -> memref<64xi32, #tpu.memory_space<vmem>>
      %dma_start3A_119 = arith.constant 0 : i32
      %dma_start3A_120 = arith.constant 0 : i32
      %dma_start3A_121 = tpu.memref_slice %arg2[%dma_start3A_119, %dma_start3A_120] : memref<10240x128xf32, #tpu.memory_space<hbm>> -> memref<10240x128xf32, #tpu.memory_space<hbm>>
      tpu.enqueue_indirect_dma source(%dma_start3A_121 : memref<10240x128xf32, #tpu.memory_space<hbm>>) target(%arg9 : memref<64x128xf32, #tpu.memory_space<vmem>>) offsets(%dma_start3A_118 : memref<64xi32, #tpu.memory_space<vmem>>) semaphore(%arg12 : memref<!tpu.dma_semaphore, #tpu.memory_space<semaphore_mem>>)
      %dma_wait3A_122 = arith.constant 4 : i32
      %dma_wait3A_123 = arith.constant 0 : i32
      %dma_wait3A_124 = tpu.memref_slice %arg6[%dma_wait3A_122, %dma_wait3A_123] : memref<8x64xi32, #tpu.memory_space<vmem>> -> memref<1x64xi32, #tpu.memory_space<vmem>>
      %dma_wait3A_125 = tpu.memref_squeeze %dma_wait3A_124 : memref<1x64xi32, #tpu.memory_space<vmem>> -> memref<64xi32, #tpu.memory_space<vmem>>
      %dma_wait3A_126 = arith.constant 0 : i32
      %dma_wait3A_127 = arith.constant 0 : i32
      %dma_wait3A_128 = tpu.memref_slice %arg2[%dma_wait3A_126, %dma_wait3A_127] : memref<10240x128xf32, #tpu.memory_space<hbm>> -> memref<10240x128xf32, #tpu.memory_space<hbm>>
      tpu.wait_indirect_dma semaphore(%arg11 : memref<!tpu.dma_semaphore, #tpu.memory_space<semaphore_mem>>) src(%dma_wait3A_128 : memref<10240x128xf32, #tpu.memory_space<hbm>>) dst(%arg8 : memref<64x128xf32, #tpu.memory_space<vmem>>)
      %run_scoped3A_129 = arith.constant 4 : i32
      "tpu.region"() ({
        %run_scoped3A_168 = tpu.sem_alloc : memref<!tpu.dma_semaphore, #tpu.memory_space<semaphore_mem>>
        %dma_start3A_169 = arith.constant 0 : i32
        %dma_start3A_170 = tpu.memref_slice %arg7[%run_scoped3A_129, %dma_start3A_169] : memref<8x64xi32, #tpu.memory_space<vmem>> -> memref<1x64xi32, #tpu.memory_space<vmem>>
        %dma_start3A_171 = tpu.memref_squeeze %dma_start3A_170 : memref<1x64xi32, #tpu.memory_space<vmem>> -> memref<64xi32, #tpu.memory_space<vmem>>
        %dma_start3A_172 = arith.constant 0 : i32
        %dma_start3A_173 = arith.constant 0 : i32
        %dma_start3A_174 = tpu.memref_slice %arg10[%dma_start3A_172, %dma_start3A_173] : memref<10240x128xf32, #tpu.memory_space<vmem_shared>> -> memref<10240x128xf32, #tpu.memory_space<vmem_shared>>
        tpu.enqueue_indirect_dma source(%arg8 : memref<64x128xf32, #tpu.memory_space<vmem>>) target(%dma_start3A_174 : memref<10240x128xf32, #tpu.memory_space<vmem_shared>>) offsets(%dma_start3A_171 : memref<64xi32, #tpu.memory_space<vmem>>) semaphore(%run_scoped3A_168 : memref<!tpu.dma_semaphore, #tpu.memory_space<semaphore_mem>>) {add = true}
        %dma_wait3A_175 = arith.constant 0 : i32
        %dma_wait3A_176 = tpu.memref_slice %arg7[%run_scoped3A_129, %dma_wait3A_175] : memref<8x64xi32, #tpu.memory_space<vmem>> -> memref<1x64xi32, #tpu.memory_space<vmem>>
        %dma_wait3A_177 = tpu.memref_squeeze %dma_wait3A_176 : memref<1x64xi32, #tpu.memory_space<vmem>> -> memref<64xi32, #tpu.memory_space<vmem>>
        %dma_wait3A_178 = arith.constant 0 : i32
        %dma_wait3A_179 = arith.constant 0 : i32
        %dma_wait3A_180 = tpu.memref_slice %arg10[%dma_wait3A_178, %dma_wait3A_179] : memref<10240x128xf32, #tpu.memory_space<vmem_shared>> -> memref<10240x128xf32, #tpu.memory_space<vmem_shared>>
        tpu.wait_indirect_dma semaphore(%run_scoped3A_168 : memref<!tpu.dma_semaphore, #tpu.memory_space<semaphore_mem>>) src(%arg8 : memref<64x128xf32, #tpu.memory_space<vmem>>) dst(%dma_wait3A_180 : memref<10240x128xf32, #tpu.memory_space<vmem_shared>>)
        tpu.yield
      }) : () -> ()
      %dma_start3A_130 = arith.constant 6 : i32
      %dma_start3A_131 = arith.constant 0 : i32
      %dma_start3A_132 = tpu.memref_slice %arg6[%dma_start3A_130, %dma_start3A_131] : memref<8x64xi32, #tpu.memory_space<vmem>> -> memref<1x64xi32, #tpu.memory_space<vmem>>
      %dma_start3A_133 = tpu.memref_squeeze %dma_start3A_132 : memref<1x64xi32, #tpu.memory_space<vmem>> -> memref<64xi32, #tpu.memory_space<vmem>>
      %dma_start3A_134 = arith.constant 0 : i32
      %dma_start3A_135 = arith.constant 0 : i32
      %dma_start3A_136 = tpu.memref_slice %arg2[%dma_start3A_134, %dma_start3A_135] : memref<10240x128xf32, #tpu.memory_space<hbm>> -> memref<10240x128xf32, #tpu.memory_space<hbm>>
      tpu.enqueue_indirect_dma source(%dma_start3A_136 : memref<10240x128xf32, #tpu.memory_space<hbm>>) target(%arg8 : memref<64x128xf32, #tpu.memory_space<vmem>>) offsets(%dma_start3A_133 : memref<64xi32, #tpu.memory_space<vmem>>) semaphore(%arg11 : memref<!tpu.dma_semaphore, #tpu.memory_space<semaphore_mem>>)
      %dma_wait3A_137 = arith.constant 5 : i32
      %dma_wait3A_138 = arith.constant 0 : i32
      %dma_wait3A_139 = tpu.memref_slice %arg6[%dma_wait3A_137, %dma_wait3A_138] : memref<8x64xi32, #tpu.memory_space<vmem>> -> memref<1x64xi32, #tpu.memory_space<vmem>>
      %dma_wait3A_140 = tpu.memref_squeeze %dma_wait3A_139 : memref<1x64xi32, #tpu.memory_space<vmem>> -> memref<64xi32, #tpu.memory_space<vmem>>
      %dma_wait3A_141 = arith.constant 0 : i32
      %dma_wait3A_142 = arith.constant 0 : i32
      %dma_wait3A_143 = tpu.memref_slice %arg2[%dma_wait3A_141, %dma_wait3A_142] : memref<10240x128xf32, #tpu.memory_space<hbm>> -> memref<10240x128xf32, #tpu.memory_space<hbm>>
      tpu.wait_indirect_dma semaphore(%arg12 : memref<!tpu.dma_semaphore, #tpu.memory_space<semaphore_mem>>) src(%dma_wait3A_143 : memref<10240x128xf32, #tpu.memory_space<hbm>>) dst(%arg9 : memref<64x128xf32, #tpu.memory_space<vmem>>)
      %run_scoped3A_144 = arith.constant 5 : i32
      "tpu.region"() ({
        %run_scoped3A_168 = tpu.sem_alloc : memref<!tpu.dma_semaphore, #tpu.memory_space<semaphore_mem>>
        %dma_start3A_169 = arith.constant 0 : i32
        %dma_start3A_170 = tpu.memref_slice %arg7[%run_scoped3A_144, %dma_start3A_169] : memref<8x64xi32, #tpu.memory_space<vmem>> -> memref<1x64xi32, #tpu.memory_space<vmem>>
        %dma_start3A_171 = tpu.memref_squeeze %dma_start3A_170 : memref<1x64xi32, #tpu.memory_space<vmem>> -> memref<64xi32, #tpu.memory_space<vmem>>
        %dma_start3A_172 = arith.constant 0 : i32
        %dma_start3A_173 = arith.constant 0 : i32
        %dma_start3A_174 = tpu.memref_slice %arg10[%dma_start3A_172, %dma_start3A_173] : memref<10240x128xf32, #tpu.memory_space<vmem_shared>> -> memref<10240x128xf32, #tpu.memory_space<vmem_shared>>
        tpu.enqueue_indirect_dma source(%arg9 : memref<64x128xf32, #tpu.memory_space<vmem>>) target(%dma_start3A_174 : memref<10240x128xf32, #tpu.memory_space<vmem_shared>>) offsets(%dma_start3A_171 : memref<64xi32, #tpu.memory_space<vmem>>) semaphore(%run_scoped3A_168 : memref<!tpu.dma_semaphore, #tpu.memory_space<semaphore_mem>>) {add = true}
        %dma_wait3A_175 = arith.constant 0 : i32
        %dma_wait3A_176 = tpu.memref_slice %arg7[%run_scoped3A_144, %dma_wait3A_175] : memref<8x64xi32, #tpu.memory_space<vmem>> -> memref<1x64xi32, #tpu.memory_space<vmem>>
        %dma_wait3A_177 = tpu.memref_squeeze %dma_wait3A_176 : memref<1x64xi32, #tpu.memory_space<vmem>> -> memref<64xi32, #tpu.memory_space<vmem>>
        %dma_wait3A_178 = arith.constant 0 : i32
        %dma_wait3A_179 = arith.constant 0 : i32
        %dma_wait3A_180 = tpu.memref_slice %arg10[%dma_wait3A_178, %dma_wait3A_179] : memref<10240x128xf32, #tpu.memory_space<vmem_shared>> -> memref<10240x128xf32, #tpu.memory_space<vmem_shared>>
        tpu.wait_indirect_dma semaphore(%run_scoped3A_168 : memref<!tpu.dma_semaphore, #tpu.memory_space<semaphore_mem>>) src(%arg9 : memref<64x128xf32, #tpu.memory_space<vmem>>) dst(%dma_wait3A_180 : memref<10240x128xf32, #tpu.memory_space<vmem_shared>>)
        tpu.yield
      }) : () -> ()
      %dma_start3A_145 = arith.constant 7 : i32
      %dma_start3A_146 = arith.constant 0 : i32
      %dma_start3A_147 = tpu.memref_slice %arg6[%dma_start3A_145, %dma_start3A_146] : memref<8x64xi32, #tpu.memory_space<vmem>> -> memref<1x64xi32, #tpu.memory_space<vmem>>
      %dma_start3A_148 = tpu.memref_squeeze %dma_start3A_147 : memref<1x64xi32, #tpu.memory_space<vmem>> -> memref<64xi32, #tpu.memory_space<vmem>>
      %dma_start3A_149 = arith.constant 0 : i32
      %dma_start3A_150 = arith.constant 0 : i32
      %dma_start3A_151 = tpu.memref_slice %arg2[%dma_start3A_149, %dma_start3A_150] : memref<10240x128xf32, #tpu.memory_space<hbm>> -> memref<10240x128xf32, #tpu.memory_space<hbm>>
      tpu.enqueue_indirect_dma source(%dma_start3A_151 : memref<10240x128xf32, #tpu.memory_space<hbm>>) target(%arg9 : memref<64x128xf32, #tpu.memory_space<vmem>>) offsets(%dma_start3A_148 : memref<64xi32, #tpu.memory_space<vmem>>) semaphore(%arg12 : memref<!tpu.dma_semaphore, #tpu.memory_space<semaphore_mem>>)
      %dma_wait3A_152 = arith.constant 6 : i32
      %dma_wait3A_153 = arith.constant 0 : i32
      %dma_wait3A_154 = tpu.memref_slice %arg6[%dma_wait3A_152, %dma_wait3A_153] : memref<8x64xi32, #tpu.memory_space<vmem>> -> memref<1x64xi32, #tpu.memory_space<vmem>>
      %dma_wait3A_155 = tpu.memref_squeeze %dma_wait3A_154 : memref<1x64xi32, #tpu.memory_space<vmem>> -> memref<64xi32, #tpu.memory_space<vmem>>
      %dma_wait3A_156 = arith.constant 0 : i32
      %dma_wait3A_157 = arith.constant 0 : i32
      %dma_wait3A_158 = tpu.memref_slice %arg2[%dma_wait3A_156, %dma_wait3A_157] : memref<10240x128xf32, #tpu.memory_space<hbm>> -> memref<10240x128xf32, #tpu.memory_space<hbm>>
      tpu.wait_indirect_dma semaphore(%arg11 : memref<!tpu.dma_semaphore, #tpu.memory_space<semaphore_mem>>) src(%dma_wait3A_158 : memref<10240x128xf32, #tpu.memory_space<hbm>>) dst(%arg8 : memref<64x128xf32, #tpu.memory_space<vmem>>)
      %run_scoped3A_159 = arith.constant 6 : i32
      "tpu.region"() ({
        %run_scoped3A_168 = tpu.sem_alloc : memref<!tpu.dma_semaphore, #tpu.memory_space<semaphore_mem>>
        %dma_start3A_169 = arith.constant 0 : i32
        %dma_start3A_170 = tpu.memref_slice %arg7[%run_scoped3A_159, %dma_start3A_169] : memref<8x64xi32, #tpu.memory_space<vmem>> -> memref<1x64xi32, #tpu.memory_space<vmem>>
        %dma_start3A_171 = tpu.memref_squeeze %dma_start3A_170 : memref<1x64xi32, #tpu.memory_space<vmem>> -> memref<64xi32, #tpu.memory_space<vmem>>
        %dma_start3A_172 = arith.constant 0 : i32
        %dma_start3A_173 = arith.constant 0 : i32
        %dma_start3A_174 = tpu.memref_slice %arg10[%dma_start3A_172, %dma_start3A_173] : memref<10240x128xf32, #tpu.memory_space<vmem_shared>> -> memref<10240x128xf32, #tpu.memory_space<vmem_shared>>
        tpu.enqueue_indirect_dma source(%arg8 : memref<64x128xf32, #tpu.memory_space<vmem>>) target(%dma_start3A_174 : memref<10240x128xf32, #tpu.memory_space<vmem_shared>>) offsets(%dma_start3A_171 : memref<64xi32, #tpu.memory_space<vmem>>) semaphore(%run_scoped3A_168 : memref<!tpu.dma_semaphore, #tpu.memory_space<semaphore_mem>>) {add = true}
        %dma_wait3A_175 = arith.constant 0 : i32
        %dma_wait3A_176 = tpu.memref_slice %arg7[%run_scoped3A_159, %dma_wait3A_175] : memref<8x64xi32, #tpu.memory_space<vmem>> -> memref<1x64xi32, #tpu.memory_space<vmem>>
        %dma_wait3A_177 = tpu.memref_squeeze %dma_wait3A_176 : memref<1x64xi32, #tpu.memory_space<vmem>> -> memref<64xi32, #tpu.memory_space<vmem>>
        %dma_wait3A_178 = arith.constant 0 : i32
        %dma_wait3A_179 = arith.constant 0 : i32
        %dma_wait3A_180 = tpu.memref_slice %arg10[%dma_wait3A_178, %dma_wait3A_179] : memref<10240x128xf32, #tpu.memory_space<vmem_shared>> -> memref<10240x128xf32, #tpu.memory_space<vmem_shared>>
        tpu.wait_indirect_dma semaphore(%run_scoped3A_168 : memref<!tpu.dma_semaphore, #tpu.memory_space<semaphore_mem>>) src(%arg8 : memref<64x128xf32, #tpu.memory_space<vmem>>) dst(%dma_wait3A_180 : memref<10240x128xf32, #tpu.memory_space<vmem_shared>>)
        tpu.yield
      }) : () -> ()
      %dma_wait3A_160 = arith.constant 7 : i32
      %dma_wait3A_161 = arith.constant 0 : i32
      %dma_wait3A_162 = tpu.memref_slice %arg6[%dma_wait3A_160, %dma_wait3A_161] : memref<8x64xi32, #tpu.memory_space<vmem>> -> memref<1x64xi32, #tpu.memory_space<vmem>>
      %dma_wait3A_163 = tpu.memref_squeeze %dma_wait3A_162 : memref<1x64xi32, #tpu.memory_space<vmem>> -> memref<64xi32, #tpu.memory_space<vmem>>
      %dma_wait3A_164 = arith.constant 0 : i32
      %dma_wait3A_165 = arith.constant 0 : i32
      %dma_wait3A_166 = tpu.memref_slice %arg2[%dma_wait3A_164, %dma_wait3A_165] : memref<10240x128xf32, #tpu.memory_space<hbm>> -> memref<10240x128xf32, #tpu.memory_space<hbm>>
      tpu.wait_indirect_dma semaphore(%arg12 : memref<!tpu.dma_semaphore, #tpu.memory_space<semaphore_mem>>) src(%dma_wait3A_166 : memref<10240x128xf32, #tpu.memory_space<hbm>>) dst(%arg9 : memref<64x128xf32, #tpu.memory_space<vmem>>)
      %run_scoped3A_167 = arith.constant 7 : i32
      "tpu.region"() ({
        %run_scoped3A_168 = tpu.sem_alloc : memref<!tpu.dma_semaphore, #tpu.memory_space<semaphore_mem>>
        %dma_start3A_169 = arith.constant 0 : i32
        %dma_start3A_170 = tpu.memref_slice %arg7[%run_scoped3A_167, %dma_start3A_169] : memref<8x64xi32, #tpu.memory_space<vmem>> -> memref<1x64xi32, #tpu.memory_space<vmem>>
        %dma_start3A_171 = tpu.memref_squeeze %dma_start3A_170 : memref<1x64xi32, #tpu.memory_space<vmem>> -> memref<64xi32, #tpu.memory_space<vmem>>
        %dma_start3A_172 = arith.constant 0 : i32
        %dma_start3A_173 = arith.constant 0 : i32
        %dma_start3A_174 = tpu.memref_slice %arg10[%dma_start3A_172, %dma_start3A_173] : memref<10240x128xf32, #tpu.memory_space<vmem_shared>> -> memref<10240x128xf32, #tpu.memory_space<vmem_shared>>
        tpu.enqueue_indirect_dma source(%arg9 : memref<64x128xf32, #tpu.memory_space<vmem>>) target(%dma_start3A_174 : memref<10240x128xf32, #tpu.memory_space<vmem_shared>>) offsets(%dma_start3A_171 : memref<64xi32, #tpu.memory_space<vmem>>) semaphore(%run_scoped3A_168 : memref<!tpu.dma_semaphore, #tpu.memory_space<semaphore_mem>>) {add = true}
        %dma_wait3A_175 = arith.constant 0 : i32
        %dma_wait3A_176 = tpu.memref_slice %arg7[%run_scoped3A_167, %dma_wait3A_175] : memref<8x64xi32, #tpu.memory_space<vmem>> -> memref<1x64xi32, #tpu.memory_space<vmem>>
        %dma_wait3A_177 = tpu.memref_squeeze %dma_wait3A_176 : memref<1x64xi32, #tpu.memory_space<vmem>> -> memref<64xi32, #tpu.memory_space<vmem>>
        %dma_wait3A_178 = arith.constant 0 : i32
        %dma_wait3A_179 = arith.constant 0 : i32
        %dma_wait3A_180 = tpu.memref_slice %arg10[%dma_wait3A_178, %dma_wait3A_179] : memref<10240x128xf32, #tpu.memory_space<vmem_shared>> -> memref<10240x128xf32, #tpu.memory_space<vmem_shared>>
        tpu.wait_indirect_dma semaphore(%run_scoped3A_168 : memref<!tpu.dma_semaphore, #tpu.memory_space<semaphore_mem>>) src(%arg9 : memref<64x128xf32, #tpu.memory_space<vmem>>) dst(%dma_wait3A_180 : memref<10240x128xf32, #tpu.memory_space<vmem_shared>>)
        tpu.yield
      }) : () -> ()
    }
    %while3A_43 = arith.constant 1 : i32
    scf.for %while3A_45 = %while3A_41 to %while3A_37 step %while3A_43  : i32 {
      %mul3A_46 = arith.muli %while3A_45, %while3A : i32
      %add3A_47 = arith.addi %while3A_34, %mul3A_46 : i32
      %mul3A_48 = arith.constant 8 : i32
      %mul3A_49 = arith.muli %add3A_47, %mul3A_48 : i32
      %add3A_50 = arith.addi %add3A_16, %mul3A_49 : i32
      "tpu.region"() ({
        %run_scoped3A_168 = tpu.sem_alloc : memref<!tpu.dma_semaphore, #tpu.memory_space<semaphore_mem>>
        %dma_start3A_169 = arith.constant 0 : i32
        %dma_start3A_170 = tpu.memref_slice %arg3[%add3A_50, %dma_start3A_169] : memref<5120x64xi32, #tpu.memory_space<hbm>> -> memref<8x64xi32, #tpu.memory_space<hbm>>
        %dma_start3A_171 = arith.constant 0 : i32
        %dma_start3A_172 = tpu.memref_slice %arg3[%add3A_50, %dma_start3A_171] : memref<5120x64xi32, #tpu.memory_space<hbm>> -> memref<8x64xi32, #tpu.memory_space<hbm>>
        tpu.enqueue_dma source(%dma_start3A_172 : memref<8x64xi32, #tpu.memory_space<hbm>>) target(%arg6 : memref<8x64xi32, #tpu.memory_space<vmem>>) target_semaphore(%run_scoped3A_168 : memref<!tpu.dma_semaphore, #tpu.memory_space<semaphore_mem>>)
        %dma_wait3A_173 = arith.constant 0 : i32
        %dma_wait3A_174 = tpu.memref_slice %arg3[%add3A_50, %dma_wait3A_173] : memref<5120x64xi32, #tpu.memory_space<hbm>> -> memref<8x64xi32, #tpu.memory_space<hbm>>
        %dma_wait3A_175 = arith.constant 0 : i32
        %dma_wait3A_176 = tpu.memref_slice %arg3[%add3A_50, %dma_wait3A_175] : memref<5120x64xi32, #tpu.memory_space<hbm>> -> memref<8x64xi32, #tpu.memory_space<hbm>>
        tpu.wait_dma2 semaphore(%run_scoped3A_168 : memref<!tpu.dma_semaphore, #tpu.memory_space<semaphore_mem>>) src(%dma_wait3A_176 : memref<8x64xi32, #tpu.memory_space<hbm>>) dst(%arg6 : memref<8x64xi32, #tpu.memory_space<vmem>>)
        tpu.yield
      }) : () -> ()
      "tpu.region"() ({
        %run_scoped3A_168 = tpu.sem_alloc : memref<!tpu.dma_semaphore, #tpu.memory_space<semaphore_mem>>
        %dma_start3A_169 = arith.constant 0 : i32
        %dma_start3A_170 = tpu.memref_slice %arg4[%add3A_50, %dma_start3A_169] : memref<5120x64xi32, #tpu.memory_space<hbm>> -> memref<8x64xi32, #tpu.memory_space<hbm>>
        %dma_start3A_171 = arith.constant 0 : i32
        %dma_start3A_172 = tpu.memref_slice %arg4[%add3A_50, %dma_start3A_171] : memref<5120x64xi32, #tpu.memory_space<hbm>> -> memref<8x64xi32, #tpu.memory_space<hbm>>
        tpu.enqueue_dma source(%dma_start3A_172 : memref<8x64xi32, #tpu.memory_space<hbm>>) target(%arg7 : memref<8x64xi32, #tpu.memory_space<vmem>>) target_semaphore(%run_scoped3A_168 : memref<!tpu.dma_semaphore, #tpu.memory_space<semaphore_mem>>)
        %dma_wait3A_173 = arith.constant 0 : i32
        %dma_wait3A_174 = tpu.memref_slice %arg4[%add3A_50, %dma_wait3A_173] : memref<5120x64xi32, #tpu.memory_space<hbm>> -> memref<8x64xi32, #tpu.memory_space<hbm>>
        %dma_wait3A_175 = arith.constant 0 : i32
        %dma_wait3A_176 = tpu.memref_slice %arg4[%add3A_50, %dma_wait3A_175] : memref<5120x64xi32, #tpu.memory_space<hbm>> -> memref<8x64xi32, #tpu.memory_space<hbm>>
        tpu.wait_dma2 semaphore(%run_scoped3A_168 : memref<!tpu.dma_semaphore, #tpu.memory_space<semaphore_mem>>) src(%dma_wait3A_176 : memref<8x64xi32, #tpu.memory_space<hbm>>) dst(%arg7 : memref<8x64xi32, #tpu.memory_space<vmem>>)
        tpu.yield
      }) : () -> ()
      %dma_start3A = arith.constant 0 : i32
      %dma_start3A_51 = arith.constant 0 : i32
      %dma_start3A_52 = tpu.memref_slice %arg6[%dma_start3A, %dma_start3A_51] : memref<8x64xi32, #tpu.memory_space<vmem>> -> memref<1x64xi32, #tpu.memory_space<vmem>>
      %dma_start3A_53 = tpu.memref_squeeze %dma_start3A_52 : memref<1x64xi32, #tpu.memory_space<vmem>> -> memref<64xi32, #tpu.memory_space<vmem>>
      %dma_start3A_54 = arith.constant 0 : i32
      %dma_start3A_55 = arith.constant 0 : i32
      %dma_start3A_56 = tpu.memref_slice %arg2[%dma_start3A_54, %dma_start3A_55] : memref<10240x128xf32, #tpu.memory_space<hbm>> -> memref<10240x128xf32, #tpu.memory_space<hbm>>
      tpu.enqueue_indirect_dma source(%dma_start3A_56 : memref<10240x128xf32, #tpu.memory_space<hbm>>) target(%arg8 : memref<64x128xf32, #tpu.memory_space<vmem>>) offsets(%dma_start3A_53 : memref<64xi32, #tpu.memory_space<vmem>>) semaphore(%arg11 : memref<!tpu.dma_semaphore, #tpu.memory_space<semaphore_mem>>)
      %dma_start3A_57 = arith.constant 1 : i32
      %dma_start3A_58 = arith.constant 0 : i32
      %dma_start3A_59 = tpu.memref_slice %arg6[%dma_start3A_57, %dma_start3A_58] : memref<8x64xi32, #tpu.memory_space<vmem>> -> memref<1x64xi32, #tpu.memory_space<vmem>>
      %dma_start3A_60 = tpu.memref_squeeze %dma_start3A_59 : memref<1x64xi32, #tpu.memory_space<vmem>> -> memref<64xi32, #tpu.memory_space<vmem>>
      %dma_start3A_61 = arith.constant 0 : i32
      %dma_start3A_62 = arith.constant 0 : i32
      %dma_start3A_63 = tpu.memref_slice %arg2[%dma_start3A_61, %dma_start3A_62] : memref<10240x128xf32, #tpu.memory_space<hbm>> -> memref<10240x128xf32, #tpu.memory_space<hbm>>
      tpu.enqueue_indirect_dma source(%dma_start3A_63 : memref<10240x128xf32, #tpu.memory_space<hbm>>) target(%arg9 : memref<64x128xf32, #tpu.memory_space<vmem>>) offsets(%dma_start3A_60 : memref<64xi32, #tpu.memory_space<vmem>>) semaphore(%arg12 : memref<!tpu.dma_semaphore, #tpu.memory_space<semaphore_mem>>)
      %dma_wait3A = arith.constant 0 : i32
      %dma_wait3A_64 = arith.constant 0 : i32
      %dma_wait3A_65 = tpu.memref_slice %arg6[%dma_wait3A, %dma_wait3A_64] : memref<8x64xi32, #tpu.memory_space<vmem>> -> memref<1x64xi32, #tpu.memory_space<vmem>>
      %dma_wait3A_66 = tpu.memref_squeeze %dma_wait3A_65 : memref<1x64xi32, #tpu.memory_space<vmem>> -> memref<64xi32, #tpu.memory_space<vmem>>
      %dma_wait3A_67 = arith.constant 0 : i32
      %dma_wait3A_68 = arith.constant 0 : i32
      %dma_wait3A_69 = tpu.memref_slice %arg2[%dma_wait3A_67, %dma_wait3A_68] : memref<10240x128xf32, #tpu.memory_space<hbm>> -> memref<10240x128xf32, #tpu.memory_space<hbm>>
      tpu.wait_indirect_dma semaphore(%arg11 : memref<!tpu.dma_semaphore, #tpu.memory_space<semaphore_mem>>) src(%dma_wait3A_69 : memref<10240x128xf32, #tpu.memory_space<hbm>>) dst(%arg8 : memref<64x128xf32, #tpu.memory_space<vmem>>)
      %run_scoped3A = arith.constant 0 : i32
      "tpu.region"() ({
        %run_scoped3A_168 = tpu.sem_alloc : memref<!tpu.dma_semaphore, #tpu.memory_space<semaphore_mem>>
        %dma_start3A_169 = arith.constant 0 : i32
        %dma_start3A_170 = tpu.memref_slice %arg7[%run_scoped3A, %dma_start3A_169] : memref<8x64xi32, #tpu.memory_space<vmem>> -> memref<1x64xi32, #tpu.memory_space<vmem>>
        %dma_start3A_171 = tpu.memref_squeeze %dma_start3A_170 : memref<1x64xi32, #tpu.memory_space<vmem>> -> memref<64xi32, #tpu.memory_space<vmem>>
        %dma_start3A_172 = arith.constant 0 : i32
        %dma_start3A_173 = arith.constant 0 : i32
        %dma_start3A_174 = tpu.memref_slice %arg10[%dma_start3A_172, %dma_start3A_173] : memref<10240x128xf32, #tpu.memory_space<vmem_shared>> -> memref<10240x128xf32, #tpu.memory_space<vmem_shared>>
        tpu.enqueue_indirect_dma source(%arg8 : memref<64x128xf32, #tpu.memory_space<vmem>>) target(%dma_start3A_174 : memref<10240x128xf32, #tpu.memory_space<vmem_shared>>) offsets(%dma_start3A_171 : memref<64xi32, #tpu.memory_space<vmem>>) semaphore(%run_scoped3A_168 : memref<!tpu.dma_semaphore, #tpu.memory_space<semaphore_mem>>) {add = true}
        %dma_wait3A_175 = arith.constant 0 : i32
        %dma_wait3A_176 = tpu.memref_slice %arg7[%run_scoped3A, %dma_wait3A_175] : memref<8x64xi32, #tpu.memory_space<vmem>> -> memref<1x64xi32, #tpu.memory_space<vmem>>
        %dma_wait3A_177 = tpu.memref_squeeze %dma_wait3A_176 : memref<1x64xi32, #tpu.memory_space<vmem>> -> memref<64xi32, #tpu.memory_space<vmem>>
        %dma_wait3A_178 = arith.constant 0 : i32
        %dma_wait3A_179 = arith.constant 0 : i32
        %dma_wait3A_180 = tpu.memref_slice %arg10[%dma_wait3A_178, %dma_wait3A_179] : memref<10240x128xf32, #tpu.memory_space<vmem_shared>> -> memref<10240x128xf32, #tpu.memory_space<vmem_shared>>
        tpu.wait_indirect_dma semaphore(%run_scoped3A_168 : memref<!tpu.dma_semaphore, #tpu.memory_space<semaphore_mem>>) src(%arg8 : memref<64x128xf32, #tpu.memory_space<vmem>>) dst(%dma_wait3A_180 : memref<10240x128xf32, #tpu.memory_space<vmem_shared>>)
        tpu.yield
      }) : () -> ()
      %dma_start3A_70 = arith.constant 2 : i32
      %dma_start3A_71 = arith.constant 0 : i32
      %dma_start3A_72 = tpu.memref_slice %arg6[%dma_start3A_70, %dma_start3A_71] : memref<8x64xi32, #tpu.memory_space<vmem>> -> memref<1x64xi32, #tpu.memory_space<vmem>>
      %dma_start3A_73 = tpu.memref_squeeze %dma_start3A_72 : memref<1x64xi32, #tpu.memory_space<vmem>> -> memref<64xi32, #tpu.memory_space<vmem>>
      %dma_start3A_74 = arith.constant 0 : i32
      %dma_start3A_75 = arith.constant 0 : i32
      %dma_start3A_76 = tpu.memref_slice %arg2[%dma_start3A_74, %dma_start3A_75] : memref<10240x128xf32, #tpu.memory_space<hbm>> -> memref<10240x128xf32, #tpu.memory_space<hbm>>
      tpu.enqueue_indirect_dma source(%dma_start3A_76 : memref<10240x128xf32, #tpu.memory_space<hbm>>) target(%arg8 : memref<64x128xf32, #tpu.memory_space<vmem>>) offsets(%dma_start3A_73 : memref<64xi32, #tpu.memory_space<vmem>>) semaphore(%arg11 : memref<!tpu.dma_semaphore, #tpu.memory_space<semaphore_mem>>)
      %dma_wait3A_77 = arith.constant 1 : i32
      %dma_wait3A_78 = arith.constant 0 : i32
      %dma_wait3A_79 = tpu.memref_slice %arg6[%dma_wait3A_77, %dma_wait3A_78] : memref<8x64xi32, #tpu.memory_space<vmem>> -> memref<1x64xi32, #tpu.memory_space<vmem>>
      %dma_wait3A_80 = tpu.memref_squeeze %dma_wait3A_79 : memref<1x64xi32, #tpu.memory_space<vmem>> -> memref<64xi32, #tpu.memory_space<vmem>>
      %dma_wait3A_81 = arith.constant 0 : i32
      %dma_wait3A_82 = arith.constant 0 : i32
      %dma_wait3A_83 = tpu.memref_slice %arg2[%dma_wait3A_81, %dma_wait3A_82] : memref<10240x128xf32, #tpu.memory_space<hbm>> -> memref<10240x128xf32, #tpu.memory_space<hbm>>
      tpu.wait_indirect_dma semaphore(%arg12 : memref<!tpu.dma_semaphore, #tpu.memory_space<semaphore_mem>>) src(%dma_wait3A_83 : memref<10240x128xf32, #tpu.memory_space<hbm>>) dst(%arg9 : memref<64x128xf32, #tpu.memory_space<vmem>>)
      %run_scoped3A_84 = arith.constant 1 : i32
      "tpu.region"() ({
        %run_scoped3A_168 = tpu.sem_alloc : memref<!tpu.dma_semaphore, #tpu.memory_space<semaphore_mem>>
        %dma_start3A_169 = arith.constant 0 : i32
        %dma_start3A_170 = tpu.memref_slice %arg7[%run_scoped3A_84, %dma_start3A_169] : memref<8x64xi32, #tpu.memory_space<vmem>> -> memref<1x64xi32, #tpu.memory_space<vmem>>
        %dma_start3A_171 = tpu.memref_squeeze %dma_start3A_170 : memref<1x64xi32, #tpu.memory_space<vmem>> -> memref<64xi32, #tpu.memory_space<vmem>>
        %dma_start3A_172 = arith.constant 0 : i32
        %dma_start3A_173 = arith.constant 0 : i32
        %dma_start3A_174 = tpu.memref_slice %arg10[%dma_start3A_172, %dma_start3A_173] : memref<10240x128xf32, #tpu.memory_space<vmem_shared>> -> memref<10240x128xf32, #tpu.memory_space<vmem_shared>>
        tpu.enqueue_indirect_dma source(%arg9 : memref<64x128xf32, #tpu.memory_space<vmem>>) target(%dma_start3A_174 : memref<10240x128xf32, #tpu.memory_space<vmem_shared>>) offsets(%dma_start3A_171 : memref<64xi32, #tpu.memory_space<vmem>>) semaphore(%run_scoped3A_168 : memref<!tpu.dma_semaphore, #tpu.memory_space<semaphore_mem>>) {add = true}
        %dma_wait3A_175 = arith.constant 0 : i32
        %dma_wait3A_176 = tpu.memref_slice %arg7[%run_scoped3A_84, %dma_wait3A_175] : memref<8x64xi32, #tpu.memory_space<vmem>> -> memref<1x64xi32, #tpu.memory_space<vmem>>
        %dma_wait3A_177 = tpu.memref_squeeze %dma_wait3A_176 : memref<1x64xi32, #tpu.memory_space<vmem>> -> memref<64xi32, #tpu.memory_space<vmem>>
        %dma_wait3A_178 = arith.constant 0 : i32
        %dma_wait3A_179 = arith.constant 0 : i32
        %dma_wait3A_180 = tpu.memref_slice %arg10[%dma_wait3A_178, %dma_wait3A_179] : memref<10240x128xf32, #tpu.memory_space<vmem_shared>> -> memref<10240x128xf32, #tpu.memory_space<vmem_shared>>
        tpu.wait_indirect_dma semaphore(%run_scoped3A_168 : memref<!tpu.dma_semaphore, #tpu.memory_space<semaphore_mem>>) src(%arg9 : memref<64x128xf32, #tpu.memory_space<vmem>>) dst(%dma_wait3A_180 : memref<10240x128xf32, #tpu.memory_space<vmem_shared>>)
        tpu.yield
      }) : () -> ()
      %dma_start3A_85 = arith.constant 3 : i32
      %dma_start3A_86 = arith.constant 0 : i32
      %dma_start3A_87 = tpu.memref_slice %arg6[%dma_start3A_85, %dma_start3A_86] : memref<8x64xi32, #tpu.memory_space<vmem>> -> memref<1x64xi32, #tpu.memory_space<vmem>>
      %dma_start3A_88 = tpu.memref_squeeze %dma_start3A_87 : memref<1x64xi32, #tpu.memory_space<vmem>> -> memref<64xi32, #tpu.memory_space<vmem>>
      %dma_start3A_89 = arith.constant 0 : i32
      %dma_start3A_90 = arith.constant 0 : i32
      %dma_start3A_91 = tpu.memref_slice %arg2[%dma_start3A_89, %dma_start3A_90] : memref<10240x128xf32, #tpu.memory_space<hbm>> -> memref<10240x128xf32, #tpu.memory_space<hbm>>
      tpu.enqueue_indirect_dma source(%dma_start3A_91 : memref<10240x128xf32, #tpu.memory_space<hbm>>) target(%arg9 : memref<64x128xf32, #tpu.memory_space<vmem>>) offsets(%dma_start3A_88 : memref<64xi32, #tpu.memory_space<vmem>>) semaphore(%arg12 : memref<!tpu.dma_semaphore, #tpu.memory_space<semaphore_mem>>)
      %dma_wait3A_92 = arith.constant 2 : i32
      %dma_wait3A_93 = arith.constant 0 : i32
      %dma_wait3A_94 = tpu.memref_slice %arg6[%dma_wait3A_92, %dma_wait3A_93] : memref<8x64xi32, #tpu.memory_space<vmem>> -> memref<1x64xi32, #tpu.memory_space<vmem>>
      %dma_wait3A_95 = tpu.memref_squeeze %dma_wait3A_94 : memref<1x64xi32, #tpu.memory_space<vmem>> -> memref<64xi32, #tpu.memory_space<vmem>>
      %dma_wait3A_96 = arith.constant 0 : i32
      %dma_wait3A_97 = arith.constant 0 : i32
      %dma_wait3A_98 = tpu.memref_slice %arg2[%dma_wait3A_96, %dma_wait3A_97] : memref<10240x128xf32, #tpu.memory_space<hbm>> -> memref<10240x128xf32, #tpu.memory_space<hbm>>
      tpu.wait_indirect_dma semaphore(%arg11 : memref<!tpu.dma_semaphore, #tpu.memory_space<semaphore_mem>>) src(%dma_wait3A_98 : memref<10240x128xf32, #tpu.memory_space<hbm>>) dst(%arg8 : memref<64x128xf32, #tpu.memory_space<vmem>>)
      %run_scoped3A_99 = arith.constant 2 : i32
      "tpu.region"() ({
        %run_scoped3A_168 = tpu.sem_alloc : memref<!tpu.dma_semaphore, #tpu.memory_space<semaphore_mem>>
        %dma_start3A_169 = arith.constant 0 : i32
        %dma_start3A_170 = tpu.memref_slice %arg7[%run_scoped3A_99, %dma_start3A_169] : memref<8x64xi32, #tpu.memory_space<vmem>> -> memref<1x64xi32, #tpu.memory_space<vmem>>
        %dma_start3A_171 = tpu.memref_squeeze %dma_start3A_170 : memref<1x64xi32, #tpu.memory_space<vmem>> -> memref<64xi32, #tpu.memory_space<vmem>>
        %dma_start3A_172 = arith.constant 0 : i32
        %dma_start3A_173 = arith.constant 0 : i32
        %dma_start3A_174 = tpu.memref_slice %arg10[%dma_start3A_172, %dma_start3A_173] : memref<10240x128xf32, #tpu.memory_space<vmem_shared>> -> memref<10240x128xf32, #tpu.memory_space<vmem_shared>>
        tpu.enqueue_indirect_dma source(%arg8 : memref<64x128xf32, #tpu.memory_space<vmem>>) target(%dma_start3A_174 : memref<10240x128xf32, #tpu.memory_space<vmem_shared>>) offsets(%dma_start3A_171 : memref<64xi32, #tpu.memory_space<vmem>>) semaphore(%run_scoped3A_168 : memref<!tpu.dma_semaphore, #tpu.memory_space<semaphore_mem>>) {add = true}
        %dma_wait3A_175 = arith.constant 0 : i32
        %dma_wait3A_176 = tpu.memref_slice %arg7[%run_scoped3A_99, %dma_wait3A_175] : memref<8x64xi32, #tpu.memory_space<vmem>> -> memref<1x64xi32, #tpu.memory_space<vmem>>
        %dma_wait3A_177 = tpu.memref_squeeze %dma_wait3A_176 : memref<1x64xi32, #tpu.memory_space<vmem>> -> memref<64xi32, #tpu.memory_space<vmem>>
        %dma_wait3A_178 = arith.constant 0 : i32
        %dma_wait3A_179 = arith.constant 0 : i32
        %dma_wait3A_180 = tpu.memref_slice %arg10[%dma_wait3A_178, %dma_wait3A_179] : memref<10240x128xf32, #tpu.memory_space<vmem_shared>> -> memref<10240x128xf32, #tpu.memory_space<vmem_shared>>
        tpu.wait_indirect_dma semaphore(%run_scoped3A_168 : memref<!tpu.dma_semaphore, #tpu.memory_space<semaphore_mem>>) src(%arg8 : memref<64x128xf32, #tpu.memory_space<vmem>>) dst(%dma_wait3A_180 : memref<10240x128xf32, #tpu.memory_space<vmem_shared>>)
        tpu.yield
      }) : () -> ()
      %dma_start3A_100 = arith.constant 4 : i32
      %dma_start3A_101 = arith.constant 0 : i32
      %dma_start3A_102 = tpu.memref_slice %arg6[%dma_start3A_100, %dma_start3A_101] : memref<8x64xi32, #tpu.memory_space<vmem>> -> memref<1x64xi32, #tpu.memory_space<vmem>>
      %dma_start3A_103 = tpu.memref_squeeze %dma_start3A_102 : memref<1x64xi32, #tpu.memory_space<vmem>> -> memref<64xi32, #tpu.memory_space<vmem>>
      %dma_start3A_104 = arith.constant 0 : i32
      %dma_start3A_105 = arith.constant 0 : i32
      %dma_start3A_106 = tpu.memref_slice %arg2[%dma_start3A_104, %dma_start3A_105] : memref<10240x128xf32, #tpu.memory_space<hbm>> -> memref<10240x128xf32, #tpu.memory_space<hbm>>
      tpu.enqueue_indirect_dma source(%dma_start3A_106 : memref<10240x128xf32, #tpu.memory_space<hbm>>) target(%arg8 : memref<64x128xf32, #tpu.memory_space<vmem>>) offsets(%dma_start3A_103 : memref<64xi32, #tpu.memory_space<vmem>>) semaphore(%arg11 : memref<!tpu.dma_semaphore, #tpu.memory_space<semaphore_mem>>)
      %dma_wait3A_107 = arith.constant 3 : i32
      %dma_wait3A_108 = arith.constant 0 : i32
      %dma_wait3A_109 = tpu.memref_slice %arg6[%dma_wait3A_107, %dma_wait3A_108] : memref<8x64xi32, #tpu.memory_space<vmem>> -> memref<1x64xi32, #tpu.memory_space<vmem>>
      %dma_wait3A_110 = tpu.memref_squeeze %dma_wait3A_109 : memref<1x64xi32, #tpu.memory_space<vmem>> -> memref<64xi32, #tpu.memory_space<vmem>>
      %dma_wait3A_111 = arith.constant 0 : i32
      %dma_wait3A_112 = arith.constant 0 : i32
      %dma_wait3A_113 = tpu.memref_slice %arg2[%dma_wait3A_111, %dma_wait3A_112] : memref<10240x128xf32, #tpu.memory_space<hbm>> -> memref<10240x128xf32, #tpu.memory_space<hbm>>
      tpu.wait_indirect_dma semaphore(%arg12 : memref<!tpu.dma_semaphore, #tpu.memory_space<semaphore_mem>>) src(%dma_wait3A_113 : memref<10240x128xf32, #tpu.memory_space<hbm>>) dst(%arg9 : memref<64x128xf32, #tpu.memory_space<vmem>>)
      %run_scoped3A_114 = arith.constant 3 : i32
      "tpu.region"() ({
        %run_scoped3A_168 = tpu.sem_alloc : memref<!tpu.dma_semaphore, #tpu.memory_space<semaphore_mem>>
        %dma_start3A_169 = arith.constant 0 : i32
        %dma_start3A_170 = tpu.memref_slice %arg7[%run_scoped3A_114, %dma_start3A_169] : memref<8x64xi32, #tpu.memory_space<vmem>> -> memref<1x64xi32, #tpu.memory_space<vmem>>
        %dma_start3A_171 = tpu.memref_squeeze %dma_start3A_170 : memref<1x64xi32, #tpu.memory_space<vmem>> -> memref<64xi32, #tpu.memory_space<vmem>>
        %dma_start3A_172 = arith.constant 0 : i32
        %dma_start3A_173 = arith.constant 0 : i32
        %dma_start3A_174 = tpu.memref_slice %arg10[%dma_start3A_172, %dma_start3A_173] : memref<10240x128xf32, #tpu.memory_space<vmem_shared>> -> memref<10240x128xf32, #tpu.memory_space<vmem_shared>>
        tpu.enqueue_indirect_dma source(%arg9 : memref<64x128xf32, #tpu.memory_space<vmem>>) target(%dma_start3A_174 : memref<10240x128xf32, #tpu.memory_space<vmem_shared>>) offsets(%dma_start3A_171 : memref<64xi32, #tpu.memory_space<vmem>>) semaphore(%run_scoped3A_168 : memref<!tpu.dma_semaphore, #tpu.memory_space<semaphore_mem>>) {add = true}
        %dma_wait3A_175 = arith.constant 0 : i32
        %dma_wait3A_176 = tpu.memref_slice %arg7[%run_scoped3A_114, %dma_wait3A_175] : memref<8x64xi32, #tpu.memory_space<vmem>> -> memref<1x64xi32, #tpu.memory_space<vmem>>
        %dma_wait3A_177 = tpu.memref_squeeze %dma_wait3A_176 : memref<1x64xi32, #tpu.memory_space<vmem>> -> memref<64xi32, #tpu.memory_space<vmem>>
        %dma_wait3A_178 = arith.constant 0 : i32
        %dma_wait3A_179 = arith.constant 0 : i32
        %dma_wait3A_180 = tpu.memref_slice %arg10[%dma_wait3A_178, %dma_wait3A_179] : memref<10240x128xf32, #tpu.memory_space<vmem_shared>> -> memref<10240x128xf32, #tpu.memory_space<vmem_shared>>
        tpu.wait_indirect_dma semaphore(%run_scoped3A_168 : memref<!tpu.dma_semaphore, #tpu.memory_space<semaphore_mem>>) src(%arg9 : memref<64x128xf32, #tpu.memory_space<vmem>>) dst(%dma_wait3A_180 : memref<10240x128xf32, #tpu.memory_space<vmem_shared>>)
        tpu.yield
      }) : () -> ()
      %dma_start3A_115 = arith.constant 5 : i32
      %dma_start3A_116 = arith.constant 0 : i32
      %dma_start3A_117 = tpu.memref_slice %arg6[%dma_start3A_115, %dma_start3A_116] : memref<8x64xi32, #tpu.memory_space<vmem>> -> memref<1x64xi32, #tpu.memory_space<vmem>>
      %dma_start3A_118 = tpu.memref_squeeze %dma_start3A_117 : memref<1x64xi32, #tpu.memory_space<vmem>> -> memref<64xi32, #tpu.memory_space<vmem>>
      %dma_start3A_119 = arith.constant 0 : i32
      %dma_start3A_120 = arith.constant 0 : i32
      %dma_start3A_121 = tpu.memref_slice %arg2[%dma_start3A_119, %dma_start3A_120] : memref<10240x128xf32, #tpu.memory_space<hbm>> -> memref<10240x128xf32, #tpu.memory_space<hbm>>
      tpu.enqueue_indirect_dma source(%dma_start3A_121 : memref<10240x128xf32, #tpu.memory_space<hbm>>) target(%arg9 : memref<64x128xf32, #tpu.memory_space<vmem>>) offsets(%dma_start3A_118 : memref<64xi32, #tpu.memory_space<vmem>>) semaphore(%arg12 : memref<!tpu.dma_semaphore, #tpu.memory_space<semaphore_mem>>)
      %dma_wait3A_122 = arith.constant 4 : i32
      %dma_wait3A_123 = arith.constant 0 : i32
      %dma_wait3A_124 = tpu.memref_slice %arg6[%dma_wait3A_122, %dma_wait3A_123] : memref<8x64xi32, #tpu.memory_space<vmem>> -> memref<1x64xi32, #tpu.memory_space<vmem>>
      %dma_wait3A_125 = tpu.memref_squeeze %dma_wait3A_124 : memref<1x64xi32, #tpu.memory_space<vmem>> -> memref<64xi32, #tpu.memory_space<vmem>>
      %dma_wait3A_126 = arith.constant 0 : i32
      %dma_wait3A_127 = arith.constant 0 : i32
      %dma_wait3A_128 = tpu.memref_slice %arg2[%dma_wait3A_126, %dma_wait3A_127] : memref<10240x128xf32, #tpu.memory_space<hbm>> -> memref<10240x128xf32, #tpu.memory_space<hbm>>
      tpu.wait_indirect_dma semaphore(%arg11 : memref<!tpu.dma_semaphore, #tpu.memory_space<semaphore_mem>>) src(%dma_wait3A_128 : memref<10240x128xf32, #tpu.memory_space<hbm>>) dst(%arg8 : memref<64x128xf32, #tpu.memory_space<vmem>>)
      %run_scoped3A_129 = arith.constant 4 : i32
      "tpu.region"() ({
        %run_scoped3A_168 = tpu.sem_alloc : memref<!tpu.dma_semaphore, #tpu.memory_space<semaphore_mem>>
        %dma_start3A_169 = arith.constant 0 : i32
        %dma_start3A_170 = tpu.memref_slice %arg7[%run_scoped3A_129, %dma_start3A_169] : memref<8x64xi32, #tpu.memory_space<vmem>> -> memref<1x64xi32, #tpu.memory_space<vmem>>
        %dma_start3A_171 = tpu.memref_squeeze %dma_start3A_170 : memref<1x64xi32, #tpu.memory_space<vmem>> -> memref<64xi32, #tpu.memory_space<vmem>>
        %dma_start3A_172 = arith.constant 0 : i32
        %dma_start3A_173 = arith.constant 0 : i32
        %dma_start3A_174 = tpu.memref_slice %arg10[%dma_start3A_172, %dma_start3A_173] : memref<10240x128xf32, #tpu.memory_space<vmem_shared>> -> memref<10240x128xf32, #tpu.memory_space<vmem_shared>>
        tpu.enqueue_indirect_dma source(%arg8 : memref<64x128xf32, #tpu.memory_space<vmem>>) target(%dma_start3A_174 : memref<10240x128xf32, #tpu.memory_space<vmem_shared>>) offsets(%dma_start3A_171 : memref<64xi32, #tpu.memory_space<vmem>>) semaphore(%run_scoped3A_168 : memref<!tpu.dma_semaphore, #tpu.memory_space<semaphore_mem>>) {add = true}
        %dma_wait3A_175 = arith.constant 0 : i32
        %dma_wait3A_176 = tpu.memref_slice %arg7[%run_scoped3A_129, %dma_wait3A_175] : memref<8x64xi32, #tpu.memory_space<vmem>> -> memref<1x64xi32, #tpu.memory_space<vmem>>
        %dma_wait3A_177 = tpu.memref_squeeze %dma_wait3A_176 : memref<1x64xi32, #tpu.memory_space<vmem>> -> memref<64xi32, #tpu.memory_space<vmem>>
        %dma_wait3A_178 = arith.constant 0 : i32
        %dma_wait3A_179 = arith.constant 0 : i32
        %dma_wait3A_180 = tpu.memref_slice %arg10[%dma_wait3A_178, %dma_wait3A_179] : memref<10240x128xf32, #tpu.memory_space<vmem_shared>> -> memref<10240x128xf32, #tpu.memory_space<vmem_shared>>
        tpu.wait_indirect_dma semaphore(%run_scoped3A_168 : memref<!tpu.dma_semaphore, #tpu.memory_space<semaphore_mem>>) src(%arg8 : memref<64x128xf32, #tpu.memory_space<vmem>>) dst(%dma_wait3A_180 : memref<10240x128xf32, #tpu.memory_space<vmem_shared>>)
        tpu.yield
      }) : () -> ()
      %dma_start3A_130 = arith.constant 6 : i32
      %dma_start3A_131 = arith.constant 0 : i32
      %dma_start3A_132 = tpu.memref_slice %arg6[%dma_start3A_130, %dma_start3A_131] : memref<8x64xi32, #tpu.memory_space<vmem>> -> memref<1x64xi32, #tpu.memory_space<vmem>>
      %dma_start3A_133 = tpu.memref_squeeze %dma_start3A_132 : memref<1x64xi32, #tpu.memory_space<vmem>> -> memref<64xi32, #tpu.memory_space<vmem>>
      %dma_start3A_134 = arith.constant 0 : i32
      %dma_start3A_135 = arith.constant 0 : i32
      %dma_start3A_136 = tpu.memref_slice %arg2[%dma_start3A_134, %dma_start3A_135] : memref<10240x128xf32, #tpu.memory_space<hbm>> -> memref<10240x128xf32, #tpu.memory_space<hbm>>
      tpu.enqueue_indirect_dma source(%dma_start3A_136 : memref<10240x128xf32, #tpu.memory_space<hbm>>) target(%arg8 : memref<64x128xf32, #tpu.memory_space<vmem>>) offsets(%dma_start3A_133 : memref<64xi32, #tpu.memory_space<vmem>>) semaphore(%arg11 : memref<!tpu.dma_semaphore, #tpu.memory_space<semaphore_mem>>)
      %dma_wait3A_137 = arith.constant 5 : i32
      %dma_wait3A_138 = arith.constant 0 : i32
      %dma_wait3A_139 = tpu.memref_slice %arg6[%dma_wait3A_137, %dma_wait3A_138] : memref<8x64xi32, #tpu.memory_space<vmem>> -> memref<1x64xi32, #tpu.memory_space<vmem>>
      %dma_wait3A_140 = tpu.memref_squeeze %dma_wait3A_139 : memref<1x64xi32, #tpu.memory_space<vmem>> -> memref<64xi32, #tpu.memory_space<vmem>>
      %dma_wait3A_141 = arith.constant 0 : i32
      %dma_wait3A_142 = arith.constant 0 : i32
      %dma_wait3A_143 = tpu.memref_slice %arg2[%dma_wait3A_141, %dma_wait3A_142] : memref<10240x128xf32, #tpu.memory_space<hbm>> -> memref<10240x128xf32, #tpu.memory_space<hbm>>
      tpu.wait_indirect_dma semaphore(%arg12 : memref<!tpu.dma_semaphore, #tpu.memory_space<semaphore_mem>>) src(%dma_wait3A_143 : memref<10240x128xf32, #tpu.memory_space<hbm>>) dst(%arg9 : memref<64x128xf32, #tpu.memory_space<vmem>>)
      %run_scoped3A_144 = arith.constant 5 : i32
      "tpu.region"() ({
        %run_scoped3A_168 = tpu.sem_alloc : memref<!tpu.dma_semaphore, #tpu.memory_space<semaphore_mem>>
        %dma_start3A_169 = arith.constant 0 : i32
        %dma_start3A_170 = tpu.memref_slice %arg7[%run_scoped3A_144, %dma_start3A_169] : memref<8x64xi32, #tpu.memory_space<vmem>> -> memref<1x64xi32, #tpu.memory_space<vmem>>
        %dma_start3A_171 = tpu.memref_squeeze %dma_start3A_170 : memref<1x64xi32, #tpu.memory_space<vmem>> -> memref<64xi32, #tpu.memory_space<vmem>>
        %dma_start3A_172 = arith.constant 0 : i32
        %dma_start3A_173 = arith.constant 0 : i32
        %dma_start3A_174 = tpu.memref_slice %arg10[%dma_start3A_172, %dma_start3A_173] : memref<10240x128xf32, #tpu.memory_space<vmem_shared>> -> memref<10240x128xf32, #tpu.memory_space<vmem_shared>>
        tpu.enqueue_indirect_dma source(%arg9 : memref<64x128xf32, #tpu.memory_space<vmem>>) target(%dma_start3A_174 : memref<10240x128xf32, #tpu.memory_space<vmem_shared>>) offsets(%dma_start3A_171 : memref<64xi32, #tpu.memory_space<vmem>>) semaphore(%run_scoped3A_168 : memref<!tpu.dma_semaphore, #tpu.memory_space<semaphore_mem>>) {add = true}
        %dma_wait3A_175 = arith.constant 0 : i32
        %dma_wait3A_176 = tpu.memref_slice %arg7[%run_scoped3A_144, %dma_wait3A_175] : memref<8x64xi32, #tpu.memory_space<vmem>> -> memref<1x64xi32, #tpu.memory_space<vmem>>
        %dma_wait3A_177 = tpu.memref_squeeze %dma_wait3A_176 : memref<1x64xi32, #tpu.memory_space<vmem>> -> memref<64xi32, #tpu.memory_space<vmem>>
        %dma_wait3A_178 = arith.constant 0 : i32
        %dma_wait3A_179 = arith.constant 0 : i32
        %dma_wait3A_180 = tpu.memref_slice %arg10[%dma_wait3A_178, %dma_wait3A_179] : memref<10240x128xf32, #tpu.memory_space<vmem_shared>> -> memref<10240x128xf32, #tpu.memory_space<vmem_shared>>
        tpu.wait_indirect_dma semaphore(%run_scoped3A_168 : memref<!tpu.dma_semaphore, #tpu.memory_space<semaphore_mem>>) src(%arg9 : memref<64x128xf32, #tpu.memory_space<vmem>>) dst(%dma_wait3A_180 : memref<10240x128xf32, #tpu.memory_space<vmem_shared>>)
        tpu.yield
      }) : () -> ()
      %dma_start3A_145 = arith.constant 7 : i32
      %dma_start3A_146 = arith.constant 0 : i32
      %dma_start3A_147 = tpu.memref_slice %arg6[%dma_start3A_145, %dma_start3A_146] : memref<8x64xi32, #tpu.memory_space<vmem>> -> memref<1x64xi32, #tpu.memory_space<vmem>>
      %dma_start3A_148 = tpu.memref_squeeze %dma_start3A_147 : memref<1x64xi32, #tpu.memory_space<vmem>> -> memref<64xi32, #tpu.memory_space<vmem>>
      %dma_start3A_149 = arith.constant 0 : i32
      %dma_start3A_150 = arith.constant 0 : i32
      %dma_start3A_151 = tpu.memref_slice %arg2[%dma_start3A_149, %dma_start3A_150] : memref<10240x128xf32, #tpu.memory_space<hbm>> -> memref<10240x128xf32, #tpu.memory_space<hbm>>
      tpu.enqueue_indirect_dma source(%dma_start3A_151 : memref<10240x128xf32, #tpu.memory_space<hbm>>) target(%arg9 : memref<64x128xf32, #tpu.memory_space<vmem>>) offsets(%dma_start3A_148 : memref<64xi32, #tpu.memory_space<vmem>>) semaphore(%arg12 : memref<!tpu.dma_semaphore, #tpu.memory_space<semaphore_mem>>)
      %dma_wait3A_152 = arith.constant 6 : i32
      %dma_wait3A_153 = arith.constant 0 : i32
      %dma_wait3A_154 = tpu.memref_slice %arg6[%dma_wait3A_152, %dma_wait3A_153] : memref<8x64xi32, #tpu.memory_space<vmem>> -> memref<1x64xi32, #tpu.memory_space<vmem>>
      %dma_wait3A_155 = tpu.memref_squeeze %dma_wait3A_154 : memref<1x64xi32, #tpu.memory_space<vmem>> -> memref<64xi32, #tpu.memory_space<vmem>>
      %dma_wait3A_156 = arith.constant 0 : i32
      %dma_wait3A_157 = arith.constant 0 : i32
      %dma_wait3A_158 = tpu.memref_slice %arg2[%dma_wait3A_156, %dma_wait3A_157] : memref<10240x128xf32, #tpu.memory_space<hbm>> -> memref<10240x128xf32, #tpu.memory_space<hbm>>
      tpu.wait_indirect_dma semaphore(%arg11 : memref<!tpu.dma_semaphore, #tpu.memory_space<semaphore_mem>>) src(%dma_wait3A_158 : memref<10240x128xf32, #tpu.memory_space<hbm>>) dst(%arg8 : memref<64x128xf32, #tpu.memory_space<vmem>>)
      %run_scoped3A_159 = arith.constant 6 : i32
      "tpu.region"() ({
        %run_scoped3A_168 = tpu.sem_alloc : memref<!tpu.dma_semaphore, #tpu.memory_space<semaphore_mem>>
        %dma_start3A_169 = arith.constant 0 : i32
        %dma_start3A_170 = tpu.memref_slice %arg7[%run_scoped3A_159, %dma_start3A_169] : memref<8x64xi32, #tpu.memory_space<vmem>> -> memref<1x64xi32, #tpu.memory_space<vmem>>
        %dma_start3A_171 = tpu.memref_squeeze %dma_start3A_170 : memref<1x64xi32, #tpu.memory_space<vmem>> -> memref<64xi32, #tpu.memory_space<vmem>>
        %dma_start3A_172 = arith.constant 0 : i32
        %dma_start3A_173 = arith.constant 0 : i32
        %dma_start3A_174 = tpu.memref_slice %arg10[%dma_start3A_172, %dma_start3A_173] : memref<10240x128xf32, #tpu.memory_space<vmem_shared>> -> memref<10240x128xf32, #tpu.memory_space<vmem_shared>>
        tpu.enqueue_indirect_dma source(%arg8 : memref<64x128xf32, #tpu.memory_space<vmem>>) target(%dma_start3A_174 : memref<10240x128xf32, #tpu.memory_space<vmem_shared>>) offsets(%dma_start3A_171 : memref<64xi32, #tpu.memory_space<vmem>>) semaphore(%run_scoped3A_168 : memref<!tpu.dma_semaphore, #tpu.memory_space<semaphore_mem>>) {add = true}
        %dma_wait3A_175 = arith.constant 0 : i32
        %dma_wait3A_176 = tpu.memref_slice %arg7[%run_scoped3A_159, %dma_wait3A_175] : memref<8x64xi32, #tpu.memory_space<vmem>> -> memref<1x64xi32, #tpu.memory_space<vmem>>
        %dma_wait3A_177 = tpu.memref_squeeze %dma_wait3A_176 : memref<1x64xi32, #tpu.memory_space<vmem>> -> memref<64xi32, #tpu.memory_space<vmem>>
        %dma_wait3A_178 = arith.constant 0 : i32
        %dma_wait3A_179 = arith.constant 0 : i32
        %dma_wait3A_180 = tpu.memref_slice %arg10[%dma_wait3A_178, %dma_wait3A_179] : memref<10240x128xf32, #tpu.memory_space<vmem_shared>> -> memref<10240x128xf32, #tpu.memory_space<vmem_shared>>
        tpu.wait_indirect_dma semaphore(%run_scoped3A_168 : memref<!tpu.dma_semaphore, #tpu.memory_space<semaphore_mem>>) src(%arg8 : memref<64x128xf32, #tpu.memory_space<vmem>>) dst(%dma_wait3A_180 : memref<10240x128xf32, #tpu.memory_space<vmem_shared>>)
        tpu.yield
      }) : () -> ()
      %dma_wait3A_160 = arith.constant 7 : i32
      %dma_wait3A_161 = arith.constant 0 : i32
      %dma_wait3A_162 = tpu.memref_slice %arg6[%dma_wait3A_160, %dma_wait3A_161] : memref<8x64xi32, #tpu.memory_space<vmem>> -> memref<1x64xi32, #tpu.memory_space<vmem>>
      %dma_wait3A_163 = tpu.memref_squeeze %dma_wait3A_162 : memref<1x64xi32, #tpu.memory_space<vmem>> -> memref<64xi32, #tpu.memory_space<vmem>>
      %dma_wait3A_164 = arith.constant 0 : i32
      %dma_wait3A_165 = arith.constant 0 : i32
      %dma_wait3A_166 = tpu.memref_slice %arg2[%dma_wait3A_164, %dma_wait3A_165] : memref<10240x128xf32, #tpu.memory_space<hbm>> -> memref<10240x128xf32, #tpu.memory_space<hbm>>
      tpu.wait_indirect_dma semaphore(%arg12 : memref<!tpu.dma_semaphore, #tpu.memory_space<semaphore_mem>>) src(%dma_wait3A_166 : memref<10240x128xf32, #tpu.memory_space<hbm>>) dst(%arg9 : memref<64x128xf32, #tpu.memory_space<vmem>>)
      %run_scoped3A_167 = arith.constant 7 : i32
      "tpu.region"() ({
        %run_scoped3A_168 = tpu.sem_alloc : memref<!tpu.dma_semaphore, #tpu.memory_space<semaphore_mem>>
        %dma_start3A_169 = arith.constant 0 : i32
        %dma_start3A_170 = tpu.memref_slice %arg7[%run_scoped3A_167, %dma_start3A_169] : memref<8x64xi32, #tpu.memory_space<vmem>> -> memref<1x64xi32, #tpu.memory_space<vmem>>
        %dma_start3A_171 = tpu.memref_squeeze %dma_start3A_170 : memref<1x64xi32, #tpu.memory_space<vmem>> -> memref<64xi32, #tpu.memory_space<vmem>>
        %dma_start3A_172 = arith.constant 0 : i32
        %dma_start3A_173 = arith.constant 0 : i32
        %dma_start3A_174 = tpu.memref_slice %arg10[%dma_start3A_172, %dma_start3A_173] : memref<10240x128xf32, #tpu.memory_space<vmem_shared>> -> memref<10240x128xf32, #tpu.memory_space<vmem_shared>>
        tpu.enqueue_indirect_dma source(%arg9 : memref<64x128xf32, #tpu.memory_space<vmem>>) target(%dma_start3A_174 : memref<10240x128xf32, #tpu.memory_space<vmem_shared>>) offsets(%dma_start3A_171 : memref<64xi32, #tpu.memory_space<vmem>>) semaphore(%run_scoped3A_168 : memref<!tpu.dma_semaphore, #tpu.memory_space<semaphore_mem>>) {add = true}
        %dma_wait3A_175 = arith.constant 0 : i32
        %dma_wait3A_176 = tpu.memref_slice %arg7[%run_scoped3A_167, %dma_wait3A_175] : memref<8x64xi32, #tpu.memory_space<vmem>> -> memref<1x64xi32, #tpu.memory_space<vmem>>
        %dma_wait3A_177 = tpu.memref_squeeze %dma_wait3A_176 : memref<1x64xi32, #tpu.memory_space<vmem>> -> memref<64xi32, #tpu.memory_space<vmem>>
        %dma_wait3A_178 = arith.constant 0 : i32
        %dma_wait3A_179 = arith.constant 0 : i32
        %dma_wait3A_180 = tpu.memref_slice %arg10[%dma_wait3A_178, %dma_wait3A_179] : memref<10240x128xf32, #tpu.memory_space<vmem_shared>> -> memref<10240x128xf32, #tpu.memory_space<vmem_shared>>
        tpu.wait_indirect_dma semaphore(%run_scoped3A_168 : memref<!tpu.dma_semaphore, #tpu.memory_space<semaphore_mem>>) src(%arg9 : memref<64x128xf32, #tpu.memory_space<vmem>>) dst(%dma_wait3A_180 : memref<10240x128xf32, #tpu.memory_space<vmem_shared>>)
        tpu.yield
      }) : () -> ()
    }
    %barrier3A_44 = arith.constant 0 : index
    tpu.barrier barrier_id(%barrier3A_44)
    "tpu.region"() ({
      %run_scoped3A = tpu.sem_alloc : memref<!tpu.dma_semaphore, #tpu.memory_space<semaphore_mem>>
      %dma_start3A = arith.constant 0 : i32
      %dma_start3A_45 = tpu.memref_slice %arg5[%arg0, %mul3A_2, %dma_start3A] : memref<2x10240x128xf32, #tpu.memory_space<hbm>> -> memref<1x640x128xf32, #tpu.memory_space<hbm>>
      %dma_start3A_46 = tpu.memref_squeeze %dma_start3A_45 : memref<1x640x128xf32, #tpu.memory_space<hbm>> -> memref<640x128xf32, #tpu.memory_space<hbm>>
      %dma_start3A_47 = arith.constant 0 : i32
      %dma_start3A_48 = tpu.memref_slice %arg10[%mul3A_2, %dma_start3A_47] : memref<10240x128xf32, #tpu.memory_space<vmem_shared>> -> memref<640x128xf32, #tpu.memory_space<vmem_shared>>
      tpu.enqueue_dma source(%dma_start3A_48 : memref<640x128xf32, #tpu.memory_space<vmem_shared>>) target(%dma_start3A_46 : memref<640x128xf32, #tpu.memory_space<hbm>>) target_semaphore(%run_scoped3A : memref<!tpu.dma_semaphore, #tpu.memory_space<semaphore_mem>>)
      %dma_wait3A = arith.constant 0 : i32
      %dma_wait3A_49 = tpu.memref_slice %arg5[%arg0, %mul3A_2, %dma_wait3A] : memref<2x10240x128xf32, #tpu.memory_space<hbm>> -> memref<1x640x128xf32, #tpu.memory_space<hbm>>
      %dma_wait3A_50 = tpu.memref_squeeze %dma_wait3A_49 : memref<1x640x128xf32, #tpu.memory_space<hbm>> -> memref<640x128xf32, #tpu.memory_space<hbm>>
      %dma_wait3A_51 = arith.constant 0 : i32
      %dma_wait3A_52 = tpu.memref_slice %arg10[%mul3A_2, %dma_wait3A_51] : memref<10240x128xf32, #tpu.memory_space<vmem_shared>> -> memref<640x128xf32, #tpu.memory_space<vmem_shared>>
      tpu.wait_dma2 semaphore(%run_scoped3A : memref<!tpu.dma_semaphore, #tpu.memory_space<semaphore_mem>>) src(%dma_wait3A_52 : memref<640x128xf32, #tpu.memory_space<vmem_shared>>) dst(%dma_wait3A_50 : memref<640x128xf32, #tpu.memory_space<hbm>>)
      tpu.yield
    }) : () -> ()
    return
  }
}

module attributes {stable_mosaic.version = 14 : i64} {
  func.func @body(%arg0: i32, %arg1: memref<2x2048x128xf32, #tpu.memory_space<vmem>>, %arg2: memref<2048x1xf32, #tpu.memory_space<vmem>>, %arg3: memref<2048x128xf32, #tpu.memory_space<vmem>>, %arg4: memref<128x128xf32, #tpu.memory_space<vmem>>, %arg5: memref<1x128xf32, #tpu.memory_space<vmem>>, %arg6: memref<128x128xf32, #tpu.memory_space<vmem>>, %arg7: memref<2048x128xf32, #tpu.memory_space<vmem>>) attributes {dimension_semantics = [#tpu.dimension_semantics<arbitrary>], iteration_bounds = array<i64: 5>, scalar_prefetch = 0 : i64, scratch_operands = 0 : i64, tpu.core_type = #tpu.core_type<tc>, window_params = [{transform_indices = @transform_0, window_bounds = array<i64: 2, 2048, 128>}, {transform_indices = @transform_1, window_bounds = array<i64: 2048, 1>}, {transform_indices = @transform_2, window_bounds = array<i64: 2048, 128>}, {pipeline_mode = #tpu.pipeline_mode<synchronous>, transform_indices = @transform_3, window_bounds = array<i64: 128, 128>}, {pipeline_mode = #tpu.pipeline_mode<synchronous>, transform_indices = @transform_4, window_bounds = array<i64: 1, 128>}, {pipeline_mode = #tpu.pipeline_mode<synchronous>, transform_indices = @transform_5, window_bounds = array<i64: 128, 128>}, {transform_indices = @transform_6, window_bounds = array<i64: 2048, 128>}]} {
    %get3A = arith.constant 0 : index
    %get3A_0 = arith.constant 0 : index
    %get3A_1 = arith.constant 0 : index
    %get3A_2 = vector.load %arg1[%get3A, %get3A_0, %get3A_1] : memref<2x2048x128xf32, #tpu.memory_space<vmem>>, vector<1x2048x128xf32>
    %get3A_3 = vector.shape_cast %get3A_2 : vector<1x2048x128xf32> to vector<2048x128xf32>
    %get3A_4 = arith.constant 1 : index
    %get3A_5 = arith.constant 0 : index
    %get3A_6 = arith.constant 0 : index
    %get3A_7 = vector.load %arg1[%get3A_4, %get3A_5, %get3A_6] : memref<2x2048x128xf32, #tpu.memory_space<vmem>>, vector<1x2048x128xf32>
    %get3A_8 = vector.shape_cast %get3A_7 : vector<1x2048x128xf32> to vector<2048x128xf32>
    %add3A = arith.addf %get3A_3, %get3A_8 : vector<2048x128xf32>
    %get3A_9 = arith.constant 0 : index
    %get3A_10 = arith.constant 0 : index
    %get3A_11 = vector.load %arg2[%get3A_9, %get3A_10] : memref<2048x1xf32, #tpu.memory_space<vmem>>, vector<2048x1xf32>
    %mul3A = vector.broadcast %get3A_11 : vector<2048x1xf32> to vector<2048x128xf32>
    %mul3A_12 = arith.mulf %add3A, %mul3A : vector<2048x128xf32>
    %get3A_13 = arith.constant 0 : index
    %get3A_14 = arith.constant 0 : index
    %get3A_15 = vector.load %arg4[%get3A_13, %get3A_14] : memref<128x128xf32, #tpu.memory_space<vmem>>, vector<128x128xf32>
    %dot_general3A = arith.constant dense<0.000000e+00> : vector<2048x128xf32>
    %dot_general3A_16 = tpu.matmul %mul3A_12, %get3A_15, %dot_general3A {dimension_numbers = #tpu.dot_dimension_numbers<[1], [1], [0], [0], [0, 0, 1, 0], [], []>, transpose_lhs_hint = false} : vector<2048x128xf32>, vector<128x128xf32>, vector<2048x128xf32> -> vector<2048x128xf32>
    %get3A_17 = arith.constant 0 : index
    %get3A_18 = arith.constant 0 : index
    %get3A_19 = vector.load %arg3[%get3A_17, %get3A_18] : memref<2048x128xf32, #tpu.memory_space<vmem>>, vector<2048x128xf32>
    %get3A_20 = arith.constant 0 : index
    %get3A_21 = arith.constant 0 : index
    %get3A_22 = vector.load %arg6[%get3A_20, %get3A_21] : memref<128x128xf32, #tpu.memory_space<vmem>>, vector<128x128xf32>
    %dot_general3A_23 = arith.constant dense<0.000000e+00> : vector<2048x128xf32>
    %dot_general3A_24 = tpu.matmul %get3A_19, %get3A_22, %dot_general3A_23 {dimension_numbers = #tpu.dot_dimension_numbers<[1], [1], [0], [0], [0, 0, 1, 0], [], []>, transpose_lhs_hint = false} : vector<2048x128xf32>, vector<128x128xf32>, vector<2048x128xf32> -> vector<2048x128xf32>
    %add3A_25 = arith.addf %dot_general3A_16, %dot_general3A_24 : vector<2048x128xf32>
    %get3A_26 = arith.constant 0 : index
    %get3A_27 = arith.constant 0 : index
    %get3A_28 = vector.load %arg5[%get3A_26, %get3A_27] : memref<1x128xf32, #tpu.memory_space<vmem>>, vector<1x128xf32>
    %add3A_29 = vector.broadcast %get3A_28 : vector<1x128xf32> to vector<2048x128xf32>
    %add3A_30 = arith.addf %add3A_25, %add3A_29 : vector<2048x128xf32>
    %max3A = arith.constant 0.000000e+00 : f32
    %max3A_31 = vector.broadcast %max3A : f32 to vector<2048x128xf32>
    %max3A_32 = arith.maximumf %add3A_30, %max3A_31 : vector<2048x128xf32>
    %swap3A = arith.constant 0 : index
    %swap3A_33 = arith.constant 0 : index
    %swap3A_34 = vector.load %arg7[%swap3A, %swap3A_33] : memref<2048x128xf32, #tpu.memory_space<vmem>>, vector<2048x128xf32>
    tpu.vector_store %arg7[%swap3A, %swap3A_33], %max3A_32 {strides = array<i32>} : memref<2048x128xf32, #tpu.memory_space<vmem>>, vector<2048x128xf32>,
    return
  }
  func.func @transform_0(%arg0: i32) -> (i32, i32, i32) {
    %c0_i32 = arith.constant 0 : i32
    %c0_i32_0 = arith.constant 0 : i32
    %c0_i32_1 = arith.constant 0 : i32
    return %c0_i32, %arg0, %c0_i32_0 : i32, i32, i32
  }
  func.func @transform_1(%arg0: i32) -> (i32, i32) {
    %c0_i32 = arith.constant 0 : i32
    %c0_i32_0 = arith.constant 0 : i32
    return %arg0, %c0_i32 : i32, i32
  }
  func.func @transform_2(%arg0: i32) -> (i32, i32) {
    %c0_i32 = arith.constant 0 : i32
    %c0_i32_0 = arith.constant 0 : i32
    return %arg0, %c0_i32 : i32, i32
  }
  func.func @transform_3(%arg0: i32) -> (i32, i32) {
    %c0_i32 = arith.constant 0 : i32
    %c0_i32_0 = arith.constant 0 : i32
    %c0_i32_1 = arith.constant 0 : i32
    return %c0_i32, %c0_i32_0 : i32, i32
  }
  func.func @transform_4(%arg0: i32) -> (i32, i32) {
    %c0_i32 = arith.constant 0 : i32
    %c0_i32_0 = arith.constant 0 : i32
    %c0_i32_1 = arith.constant 0 : i32
    return %c0_i32, %c0_i32_0 : i32, i32
  }
  func.func @transform_5(%arg0: i32) -> (i32, i32) {
    %c0_i32 = arith.constant 0 : i32
    %c0_i32_0 = arith.constant 0 : i32
    %c0_i32_1 = arith.constant 0 : i32
    return %c0_i32, %c0_i32_0 : i32, i32
  }
  func.func @transform_6(%arg0: i32) -> (i32, i32) {
    %c0_i32 = arith.constant 0 : i32
    %c0_i32_0 = arith.constant 0 : i32
    return %arg0, %c0_i32 : i32, i32
  }
}

module attributes {stable_mosaic.version = 14 : i64} {
  func.func @body(%arg0: i32, %arg1: memref<2x2048x128xf32, #tpu.memory_space<vmem>>, %arg2: memref<2048x1xf32, #tpu.memory_space<vmem>>, %arg3: memref<2048x128xf32, #tpu.memory_space<vmem>>, %arg4: memref<128x128xf32, #tpu.memory_space<vmem>>, %arg5: memref<1x128xf32, #tpu.memory_space<vmem>>, %arg6: memref<128x128xf32, #tpu.memory_space<vmem>>, %arg7: memref<2048x128xf32, #tpu.memory_space<vmem>>) attributes {dimension_semantics = [#tpu.dimension_semantics<arbitrary>], iteration_bounds = array<i64: 5>, scalar_prefetch = 0 : i64, scratch_operands = 0 : i64, tpu.core_type = #tpu.core_type<tc>, window_params = [{transform_indices = @transform_0, window_bounds = array<i64: 2, 2048, 128>}, {transform_indices = @transform_1, window_bounds = array<i64: 2048, 1>}, {transform_indices = @transform_2, window_bounds = array<i64: 2048, 128>}, {pipeline_mode = #tpu.pipeline_mode<synchronous>, transform_indices = @transform_3, window_bounds = array<i64: 128, 128>}, {pipeline_mode = #tpu.pipeline_mode<synchronous>, transform_indices = @transform_4, window_bounds = array<i64: 1, 128>}, {pipeline_mode = #tpu.pipeline_mode<synchronous>, transform_indices = @transform_5, window_bounds = array<i64: 128, 128>}, {transform_indices = @transform_6, window_bounds = array<i64: 2048, 128>}]} {
    %get3A = arith.constant 0 : index
    %get3A_0 = arith.constant 0 : index
    %get3A_1 = arith.constant 0 : index
    %get3A_2 = vector.load %arg1[%get3A, %get3A_0, %get3A_1] : memref<2x2048x128xf32, #tpu.memory_space<vmem>>, vector<1x2048x128xf32>
    %get3A_3 = vector.shape_cast %get3A_2 : vector<1x2048x128xf32> to vector<2048x128xf32>
    %get3A_4 = arith.constant 1 : index
    %get3A_5 = arith.constant 0 : index
    %get3A_6 = arith.constant 0 : index
    %get3A_7 = vector.load %arg1[%get3A_4, %get3A_5, %get3A_6] : memref<2x2048x128xf32, #tpu.memory_space<vmem>>, vector<1x2048x128xf32>
    %get3A_8 = vector.shape_cast %get3A_7 : vector<1x2048x128xf32> to vector<2048x128xf32>
    %add3A = arith.addf %get3A_3, %get3A_8 : vector<2048x128xf32>
    %get3A_9 = arith.constant 0 : index
    %get3A_10 = arith.constant 0 : index
    %get3A_11 = vector.load %arg2[%get3A_9, %get3A_10] : memref<2048x1xf32, #tpu.memory_space<vmem>>, vector<2048x1xf32>
    %mul3A = vector.broadcast %get3A_11 : vector<2048x1xf32> to vector<2048x128xf32>
    %mul3A_12 = arith.mulf %add3A, %mul3A : vector<2048x128xf32>
    %get3A_13 = arith.constant 0 : index
    %get3A_14 = arith.constant 0 : index
    %get3A_15 = vector.load %arg4[%get3A_13, %get3A_14] : memref<128x128xf32, #tpu.memory_space<vmem>>, vector<128x128xf32>
    %dot_general3A = arith.constant dense<0.000000e+00> : vector<2048x128xf32>
    %dot_general3A_16 = tpu.matmul %mul3A_12, %get3A_15, %dot_general3A {dimension_numbers = #tpu.dot_dimension_numbers<[1], [1], [0], [0], [0, 0, 1, 0], [], []>, transpose_lhs_hint = false} : vector<2048x128xf32>, vector<128x128xf32>, vector<2048x128xf32> -> vector<2048x128xf32>
    %get3A_17 = arith.constant 0 : index
    %get3A_18 = arith.constant 0 : index
    %get3A_19 = vector.load %arg3[%get3A_17, %get3A_18] : memref<2048x128xf32, #tpu.memory_space<vmem>>, vector<2048x128xf32>
    %get3A_20 = arith.constant 0 : index
    %get3A_21 = arith.constant 0 : index
    %get3A_22 = vector.load %arg6[%get3A_20, %get3A_21] : memref<128x128xf32, #tpu.memory_space<vmem>>, vector<128x128xf32>
    %dot_general3A_23 = arith.constant dense<0.000000e+00> : vector<2048x128xf32>
    %dot_general3A_24 = tpu.matmul %get3A_19, %get3A_22, %dot_general3A_23 {dimension_numbers = #tpu.dot_dimension_numbers<[1], [1], [0], [0], [0, 0, 1, 0], [], []>, transpose_lhs_hint = false} : vector<2048x128xf32>, vector<128x128xf32>, vector<2048x128xf32> -> vector<2048x128xf32>
    %add3A_25 = arith.addf %dot_general3A_16, %dot_general3A_24 : vector<2048x128xf32>
    %get3A_26 = arith.constant 0 : index
    %get3A_27 = arith.constant 0 : index
    %get3A_28 = vector.load %arg5[%get3A_26, %get3A_27] : memref<1x128xf32, #tpu.memory_space<vmem>>, vector<1x128xf32>
    %add3A_29 = vector.broadcast %get3A_28 : vector<1x128xf32> to vector<2048x128xf32>
    %add3A_30 = arith.addf %add3A_25, %add3A_29 : vector<2048x128xf32>
    %swap3A = arith.constant 0 : index
    %swap3A_31 = arith.constant 0 : index
    %swap3A_32 = vector.load %arg7[%swap3A, %swap3A_31] : memref<2048x128xf32, #tpu.memory_space<vmem>>, vector<2048x128xf32>
    tpu.vector_store %arg7[%swap3A, %swap3A_31], %add3A_30 {strides = array<i32>} : memref<2048x128xf32, #tpu.memory_space<vmem>>, vector<2048x128xf32>,
    return
  }
  func.func @transform_0(%arg0: i32) -> (i32, i32, i32) {
    %c0_i32 = arith.constant 0 : i32
    %c0_i32_0 = arith.constant 0 : i32
    %c0_i32_1 = arith.constant 0 : i32
    return %c0_i32, %arg0, %c0_i32_0 : i32, i32, i32
  }
  func.func @transform_1(%arg0: i32) -> (i32, i32) {
    %c0_i32 = arith.constant 0 : i32
    %c0_i32_0 = arith.constant 0 : i32
    return %arg0, %c0_i32 : i32, i32
  }
  func.func @transform_2(%arg0: i32) -> (i32, i32) {
    %c0_i32 = arith.constant 0 : i32
    %c0_i32_0 = arith.constant 0 : i32
    return %arg0, %c0_i32 : i32, i32
  }
  func.func @transform_3(%arg0: i32) -> (i32, i32) {
    %c0_i32 = arith.constant 0 : i32
    %c0_i32_0 = arith.constant 0 : i32
    %c0_i32_1 = arith.constant 0 : i32
    return %c0_i32, %c0_i32_0 : i32, i32
  }
  func.func @transform_4(%arg0: i32) -> (i32, i32) {
    %c0_i32 = arith.constant 0 : i32
    %c0_i32_0 = arith.constant 0 : i32
    %c0_i32_1 = arith.constant 0 : i32
    return %c0_i32, %c0_i32_0 : i32, i32
  }
  func.func @transform_5(%arg0: i32) -> (i32, i32) {
    %c0_i32 = arith.constant 0 : i32
    %c0_i32_0 = arith.constant 0 : i32
    %c0_i32_1 = arith.constant 0 : i32
    return %c0_i32, %c0_i32_0 : i32, i32
  }
  func.func @transform_6(%arg0: i32) -> (i32, i32) {
    %c0_i32 = arith.constant 0 : i32
    %c0_i32_0 = arith.constant 0 : i32
    return %arg0, %c0_i32 : i32, i32
  }
}

</mosaic_0001>

<sc_bundles>
// kernel: kernel.6.cloned.1.call-start
scs
__scs_entry_jumppad:
0x0: {  	(pc) =	sbr.rel $0x88, $3  }
0x1: {  	(tag) =	ssettag $0x0;
	lr =	simm.s32 $0x1  }
0x2: {  	[smem:$0x3F99] =	sst lr;
	_ =	strace $0xD0000000  }
0x3: {  	_ = 	snop  }
0x4: {  	_ = 	snop  }
0x5: {  	_ = 	snop  }
0x6: {  	_ = 	snop  }
0x7: {  	_ = 	snop  }
__scs_overlays_trampoline_lowered:
0x8: {  	[smem:$0x3FA8] =	sst s0  }
0x9: {  	[smem:$0x3FA9] =	sst s1  }
0xa: {  	[smem:$0x3FAA] =	sst s2  }
0xb: {  	[smem:$0x3FAB] =	sst s3  }
0xc: {  	[smem:$0x3FAC] =	sst s4  }
0xd: {  	[smem:$0x3FAD] =	sst s5  }
0xe: {  	[smem:$0x3FAE] =	sst s6  }
0xf: {  	[smem:$0x3FAF] =	sst s7  }
0x10: {  	[smem:$0x3FB0] =	sst s8  }
0x11: {  	[smem:$0x3FB1] =	sst s9;
	s0 =	simm.s32 @!p0 $0x0  }
0x12: {  	s1 =	sld [smem:$0x3F97];
	s0 =	simm.s32 @p0 $0x1  }
0x13: {  	[smem:$0x3FB2] =	sst s0;
	s0 =	simm.s32 @!p1 $0x0  }
0x14: {  	s2 =	sld [smem:$0x3F96];
	s0 =	simm.s32 @p1 $0x1  }
0x15: {  	[smem:$0x3FB3] =	sst s0;
	s0 =	simm.s32 @!p2 $0x0  }
0x16: {  	s3 =	sld [smem:$0x3FDB];
	s0 =	simm.s32 @p2 $0x1  }
0x17: {  	s4 =	simm.s32 $0x1BF5;
	[smem:$0x3FB5] =	sst s0  }
0x18: {  	s0 =	sld [smem:$0x3F98];
	_ =	swait.ge [sflag:s4], $0x0  }
0x19: {  	s7 =	sld [smem:$0x3F99]  }
0x1a: {  	s8 =	sadd.s32 $0xFFFFE003, lr  }
0x1b: {  	s9 =	sadd.s32 $0xFFFFFEF7, lr;
	s5 =	simm.s32 $0xFFFFFFFF;
	p2 =	slt.u32 s8, $0xFFFFF086  }
0x1c: {  	p1 =	slt.u32 s9, $0xF7A;
	s5 =	simm.s32 @!p2 $0x0  }
0x1d: {  	s5 =	simm.s32 @p1 $0x1;
	p0 =	seq.s32 s7, s2  }
0x1e: {  	s7 =	smul.u32 @!p0 $0xF7A, s2;
	p2 =	seq.s32 @!p0 s5, $0x0  }
0x1f: {  	s9 =	smul.u32 $0xF7A, s1;
	s8 =	simm.s32 @!p0 $0x1BF5;
	p2 =	por !p2, p0  }
0x20: {  	[sflag:s8] =	ssyncset.s32 @!p0 $0xFFFFF086;
	s6 =	sadd.s32 @!p0 s3, s7;
	s7 =	simm.s32 @!p0 $0x108  }
0x21: {  	s3 =	sadd.s32 s3, s9;
	s6 =	sadd.s32 @!p0 $0x88, s6;
	s7 =	simm.s32 @p2 $0x1082  }
0x22: {  	[simem:s7], [sflag:s8] =	dma.local @!p0 [hbm:s6], $0xF7A  }
0x23: {  	s9 =	sor.u32 $0xD0000000, s2;
	s6 =	simm.s32 $0x108;
	_ =	swait.ge @!p0 [sflag:s8], $0x0  }
0x24: {  	s3 =	sadd.s32 $0x88, s3;
	s6 =	simm.s32 @!p1 $0x1082;
	[sflag:s4] =	ssyncset.s32 $0xFFFFF086  }
0x25: {  	[simem:s6], [sflag:s4] =	dma.local [hbm:s3], $0xF7A  }
0x26: {  	[smem:$0x3F99] =	sst s1;
	(tag) =	ssettag s2;
	_ =	strace s9  }
0x27: {  	s1 =	sld [smem:$0x3FA9]  }
0x28: {  	s2 =	sld [smem:$0x3FAA]  }
0x29: {  	s4 =	sld [smem:$0x3FAC]  }
0x2a: {  	p0 =	seq.s32 s5, $0x0;
	s5 =	sld [smem:$0x3FAD]  }
0x2b: {  	s6 =	sld [smem:$0x3FAE]  }
0x2c: {  	s7 =	sld [smem:$0x3FAF]  }
0x2d: {  	s3 =	simm.s32 $0x108;
	s8 =	sld [smem:$0x3FB0]  }
0x2e: {  	s3 =	simm.s32 @!p0 $0x1082;
	s9 =	sld [smem:$0x3FB1]  }
0x2f: {  	lr =	sadd.s32 s0, s3;
	s0 =	sld [smem:$0x3FA8]  }
0x30: {  	s3 =	sld [smem:$0x3FAB]  }
0x31: {  	[smem:$0x3FB4] =	sst s10  }
0x32: {  	s10 =	sld [smem:$0x3FB2];
	_ =	sdelay $0x3  }
0x33: {  	p0 =	seq.s32 s10, $0x1;
	s10 =	sld [smem:$0x3FB4];
	_ =	sdelay $0x3  }
0x34: {  	[smem:$0x3FB4] =	sst s10  }
0x35: {  	s10 =	sld [smem:$0x3FB3];
	_ =	sdelay $0x3  }
0x36: {  	p1 =	seq.s32 s10, $0x1;
	s10 =	sld [smem:$0x3FB4];
	_ =	sdelay $0x3  }
0x37: {  	[smem:$0x3FB4] =	sst s10  }
0x38: {  	s10 =	sld [smem:$0x3FB5]  }
0x39: {  	_ = 	snop;
	(pc) =	sbr.ind lr, $3  }
0x3a: {  	_ = 	snop  }
0x3b: {  	_ = 	snop  }
0x3c: {  	p2 =	seq.s32 s10, $0x1;
	s10 =	sld [smem:$0x3FB4]  }
0x3d: {  	_ =	shalt  }
0x3e: {  	_ =	shalt  }
0x3f: {  	_ =	shalt  }
0x40: {  	_ =	shalt  }
0x41: {  	_ =	shalt  }
0x42: {  	_ =	shalt  }
0x43: {  	_ =	shalt  }
0x44: {  	_ =	shalt  }
0x45: {  	_ =	shalt  }
0x46: {  	_ =	shalt  }
0x47: {  	_ =	shalt  }
0x48: {  	_ =	shalt  }
0x49: {  	_ =	shalt  }
0x4a: {  	_ =	shalt  }
0x4b: {  	_ =	shalt  }
0x4c: {  	_ =	shalt  }
0x4d: {  	_ =	shalt  }
0x4e: {  	_ =	shalt  }
0x4f: {  	_ =	shalt  }
0x50: {  	_ =	shalt  }
0x51: {  	_ =	shalt  }
0x52: {  	_ =	shalt  }
0x53: {  	_ =	shalt  }
0x54: {  	_ =	shalt  }
0x55: {  	_ =	shalt  }
0x56: {  	_ =	shalt  }
0x57: {  	_ =	shalt  }
0x58: {  	_ =	shalt  }
0x59: {  	_ =	shalt  }
0x5a: {  	_ =	shalt  }
0x5b: {  	_ =	shalt  }
0x5c: {  	_ =	shalt  }
0x5d: {  	_ =	shalt  }
0x5e: {  	_ =	shalt  }
0x5f: {  	_ =	shalt  }
0x60: {  	_ =	shalt  }
0x61: {  	_ =	shalt  }
0x62: {  	_ =	shalt  }
0x63: {  	_ =	shalt  }
0x64: {  	_ =	shalt  }
0x65: {  	_ =	shalt  }
0x66: {  	_ =	shalt  }
0x67: {  	_ =	shalt  }
0x68: {  	_ =	shalt  }
0x69: {  	_ =	shalt  }
0x6a: {  	_ =	shalt  }
0x6b: {  	_ =	shalt  }
0x6c: {  	_ =	shalt  }
0x6d: {  	_ =	shalt  }
0x6e: {  	_ =	shalt  }
0x6f: {  	_ =	shalt  }
0x70: {  	_ =	shalt  }
0x71: {  	_ =	shalt  }
0x72: {  	_ =	shalt  }
0x73: {  	_ =	shalt  }
0x74: {  	_ =	shalt  }
0x75: {  	_ =	shalt  }
0x76: {  	_ =	shalt  }
0x77: {  	_ =	shalt  }
0x78: {  	_ =	shalt  }
0x79: {  	_ =	shalt  }
0x7a: {  	_ =	shalt  }
0x7b: {  	_ =	shalt  }
0x7c: {  	_ =	shalt  }
0x7d: {  	_ =	shalt  }
0x7e: {  	_ =	shalt  }
0x7f: {  	_ =	shalt  }
0x80: {  	_ =	shalt  }
0x81: {  	_ =	shalt  }
0x82: {  	_ =	shalt  }
0x83: {  	_ =	shalt  }
0x84: {  	_ =	shalt  }
0x85: {  	_ =	shalt  }
0x86: {  	_ =	shalt  }
0x87: {  	_ =	shalt  }
.Lfunc_end0:
.L_simem_size_0:
called_computation_lowered:
.L_overlay_start_0:
0x88: {  	s2 =	sld [smem:$0x3FD9]  }
0x89: {  	s3 =	sld [smem:$0x3FFE];
	_ =	sdelay $0x1  }
0x8a: {  	s1 =	srdreg.scid  }
0x8b: {  	s0 =	sand.u32 $0x1, s1  }
0x8c: {  	s17 =	sshll.u32 s0, $0xA;
	s2 =	sadd.s32 s3, s2  }
0x8d: {  	s2 =	sadd.s32 s2, s17  }
0x8e: {  	[smem:$0x3FC0] =	sst s2  }
0x8f: {  	_ = 	snop  }
0x90: {  	s2 =	sld [smem:$0x3FD0];
	(tm) =	ssettm $0x1  }
0x91: {  	s18 =	sld [smem:$0x3FFB];
	_ =	sdelay $0x3  }
0x92: {  	_ =	strace s18  }
0x93: {  	s3 =	sld [smem:$0x3FFC];
	_ =	sdelay $0x3  }
0x94: {  	_ =	strace s3  }
0x95: {  	s3 =	sld [smem:$0x3FFD];
	_ =	sdelay $0x3  }
0x96: {  	_ =	strace s3  }
0x97: {  	_ =	strace $0x8FFFFFFF  }
0x98: {  	s19 =	sld [smem:$0x3FDB];
	_ =	sdelay $0x1  }
0x99: {  	s4 =	simm.s32 $_scs_section_size  }
0x9a: {  	s5 =	simm.s32 $_size__tile_overlayer_lowered;
	s6 =	simm.s32 $_tile_overlayer_lowered  }
0x9b: {  	s22 =	simm.s32 $0x1BFF;
	s21 =	sshll.u32 s6, $0x1;
	s3 =	sadd.s32 s4, s19  }
0x9c: {  	s7 =	simm.s32 $0x0;
	s20 =	sshll.u32 s5, $0x1;
	s5 =	sadd.s32 s21, s3  }
0x9d: {  	[timem:s7], [sflag:s22] =	dma.local [hbm:s5], s20  }
0x9e: {  	_ =	swait.ge [sflag:s22], s20  }
0x9f: {  	s4 =	ssub.s32 $0x0, s20;
	[sflag:s22] =	ssyncset.done $0x0  }
0xa0: {  	[sflag:s22] =	ssyncadd.s32 s4;
	_ =	sdelay $0x1  }
0xa1: {  	s23 =	simm.s32 $0x1B8B  }
0xa2: {  	_ =	swait.ge [sflag:s23], $0x1  }
0xa3: {  	[sflag:s23] =	ssyncset.done $0x0  }
0xa4: {  	s25 =	simm.s32 $0x1B8E;
	s24 =	sld [smem:$0x3FFE];
	[sflag:s23] =	ssyncadd.s32 $0xFFFFFFFF  }
0xa5: {  	s26 =	simm.s32 $execute0_lowered;
	[smem:$0x3FD2] =	sst s25  }
0xa6: {  	s5 =	sshll.u32 s26, $0x1;
	_ =	strace $0x80000046;
	[dreg:$0x1] =	wrdreg $0xFFFFFFFF  }
0xa7: {  	s28 =	simm.s32 $_size_execute0_lowered;
	s3 =	sadd.s32 s3, s5;
	[dreg:$0x0] =	wrdreg $0x0  }
0xa8: {  	s5 =	sshll.u32 s28, $0x1;
	[dreg:$0x2] =	wrdreg s3  }
0xa9: {  	[dreg:$0x3] =	wrdreg s5  }
0xaa: {  	[dreg:$0x4] =	wrdreg $0xC0  }
0xab: {  	_ =	task [dreg:s7], $0x5FFFF  }
0xac: {  	[dreg:$0x1] =	wrdreg $0xFFFFFFFF  }
0xad: {  	[dreg:$0x0] =	wrdreg $0x60  }
0xae: {  	[dreg:$0x2] =	wrdreg s24  }
0xaf: {  	[dreg:$0x3] =	wrdreg s2  }
0xb0: {  	[dreg:$0x4] =	wrdreg $0x48000  }
0xb1: {  	[dreg:$0x5] =	wrdreg $0x9  }
0xb2: {  	_ =	task.clear_ibuf [dreg:s7], $0x6FFFF;
	_ =	strace $0x90000046  }
0xb3: {  	s29 =	simm.s32 $0x9;
	_ =	strace $0x80000048  }
0xb4: {  	_ =	swait.ge [sflag:s29], $0x1  }
0xb5: {  	[sflag:s29] =	ssyncadd.s32 $0xFFFFFFFF  }
0xb6: {  	_ =	strace $0x90000048  }
0xb7: {  	_ =	sfence  }
0xb8: {  	s30 =	sld [smem:$0x0];
	_ =	sdelay $0x2  }
0xb9: {  	s31 =	sshll.u32 s1, $0xD;
	s1 =	sshrl.u32 s1, $0x2  }
0xba: {  	s3 =	sand.u32 $0x4000, s31;
	s1 =	sadd.s32 s1, s30  }
0xbb: {  	s0 =	sor.u32 s3, s0;
	s1 =	sshll.u32 s1, $0x11  }
0xbc: {  	s0 =	sor.u32 s1, s0  }
0xbd: {  	s0 =	sadd.s32 $0x8F2B, s0  }
0xbe: {  	[sflag:s0] =	ssyncadd.remote.s32 $0x1  }
0xbf: {  	_ =	sfence.sel $0xFFFF  }
0xc0: {  	[dreg:$0x0] =	wrdreg $0xFFFFFFFF;
	(pc) =	sbr.abs _section_cstart, $3  }
0xc1: {  	[dreg:$0x1] =	wrdreg $0xFFFFFFFF  }
0xc2: {  	_ =	task.clear_ibuf [dreg:s7], $0x2FFFF;
	_ =	strace $0x9FFFFFFF  }
0xc3: {  	(tm) =	ssettm $0x7FFFFFFF  }
tec
execute0_lowered:
.L_overlay_start_1:
0x0: {  	(tag) =	ssettag $0x1  }
0x1: {  	s0 =	rddreg [dreg:$0x0]  }
0x2: {  	s3 =	rddreg [dreg:$0x1]  }
0x3: {  	s1 =	rddreg [dreg:$0x2]  }
0x4: {  	s4 =	srdreg.scid;
	s2 =	simm.s32 $0x0;
	s12 =	stileid.u32  }
0x5: {  	s18 =	simm.s32 $0x24;
	s28 =	simm.s32 $0x1;
	s29 =	simm.s32 $0x18800  }
0x6: {  	s30 =	simm.s32 $0x2;
	s31 =	simm.s32 $0x480;
	s5 =	sand.u32 $0x1, s4  }
0x7: {  	[smem:$0x7FF] =	sst s2;
	s4 =	simm.s32 $0x120;
	s10 =	smul.u32 $0x14000, s12  }
0x8: {  	s21 =	sshll.u32 s12, $0x7;
	s25 =	smul.u32 $0x50000, s12;
	p0 =	seq.s32 s5, $0x0  }
0x9: {  	_ =	strace $0x80000047;
	s20 =	ssub.s32 $0x0, s5;
	s7 =	smul.u32 $0x140000, s5  }
0xa: {  	s8 =	sshll.u32 s5, $0x4;
	s23 =	sand.u32 $0x380, s21;
	s5 =	ssub.s32 $0x2, s5  }
0xb: {  	s4 =	simm.s32 @!p0 $0x20;
	s9 =	sand.u32 $0x1200, s20;
	s8 =	sor.u32 s12, s8  }
0xc: {  	s26 =	sshrl.u32 s5, $0x1;
	s18 =	simm.s32 @!p0 $0x4;
	s6 =	smul.u32 s12, s4  }
0xd: {  	s4 =	sadd.s32 $0x15800, s0;
	s8 =	sshrl.u32 s8, $0x3;
	s7 =	sadd.s32 s10, s7  }
0xe: {  	s5 =	ssub.s32 s5, s26;
	s26 =	simm.s32 $0x100;
	s8 =	smul.u32 $0x14000, s8  }
0xf: {  	s22 =	sshrl.u32 s7, $0x3;
	s13 =	smax.u32 s5, $0x1;
	[dreg:$0x4] =	wrdreg s26  }
0x10: {  	s26 =	simm.s32 $0x2800;
	s6 =	sadd.s32 s9, s6;
	s11 =	sadd.s32 s22, s0  }
0x11: {  	[dreg:$0x7] =	wrdreg s13;
	s10 =	sshll.u32 s6, $0x4;
	s24 =	sor.u32 s23, s8  }
0x12: {  	s8 =	sshrl.u32 s25, $0x2;
	s12 =	sadd.s32 $0x47800, s11;
	s9 =	sadd.s32 s10, s0  }
0x13: {  	s6 =	sshrl.u32 s24, $0x3;
	[dreg:$0x5] =	wrdreg s12;
	s25 =	sadd.s32 s10, s3  }
0x14: {  	s0 =	sadd.s32 s6, s0;
	s24 =	sadd.s32 $0x1800, s9;
	[dreg:$0x12] =	wrdreg s25  }
0x15: {  	s6 =	sadd.s32 s8, s1;
	s0 =	sadd.s32 $0x3D800, s0;
	[dreg:$0x11] =	wrdreg s24  }
0x16: {  	s7 =	simm.s32 $0x200;
	s14 =	sadd.s32 $0x2000, s6;
	[dreg:$0x6] =	wrdreg s0  }
0x17: {  	s13 =	simm.s32 $0x380;
	s15 =	sadd.s32 $0x4000, s6;
	[dreg:$0x8] =	wrdreg s14  }
0x18: {  	s11 =	simm.s32 $0x300;
	s16 =	sadd.s32 $0x6000, s6;
	[dreg:$0x9] =	wrdreg s15  }
0x19: {  	s3 =	simm.s32 $0x500;
	s17 =	sadd.s32 $0x8000, s6;
	[dreg:$0xa] =	wrdreg s16  }
0x1a: {  	s10 =	simm.s32 $0x600;
	s19 =	sadd.s32 $0xA000, s6;
	[dreg:$0xb] =	wrdreg s17  }
0x1b: {  	s12 =	simm.s32 $0x680;
	s20 =	sadd.s32 $0xC000, s6;
	[dreg:$0xc] =	wrdreg s19  }
0x1c: {  	s25 =	simm.s32 $0x80;
	s21 =	sadd.s32 $0xE000, s6;
	[dreg:$0xd] =	wrdreg s20  }
0x1d: {  	s8 =	simm.s32 $0x580;
	s22 =	sadd.s32 $0x10000, s6;
	[dreg:$0xe] =	wrdreg s21  }
0x1e: {  	s9 =	simm.s32 $0x280;
	s23 =	sadd.s32 $0x12000, s6;
	[dreg:$0xf] =	wrdreg s22  }
0x1f: {  	s24 =	simm.s32 $0x40;
	[dreg:$0x10] =	wrdreg s23;
	s21 =	simm.s32 $0x800  }
0x20: {  	s22 =	simm.s32 $0x3;
	s23 =	simm.s32 $0x400;
	s0 =	simm.s32 $0x180  }
0x21: {  	v0 =	vimm.f32 $0.0e+00;
	v1 =	vimm.f32 $1.000000000e+00;
	s14 =	simm.s32 $0x700;
	s15 =	simm.s32 $0x780;
	s16 =	simm.s32 $0x0  }
.LBB2_1:
0x22: {  	s5 =	simm.s32 $0x0;
	s19 =	simm.s32 $0x200  }
.LBB2_2:
0x23: {  	p0 =	sne.s32 s19, $0x7E00;
	[tilespmem:s5+$0x870] =	vst v0  }
0x24: {  	[tilespmem:s5+$0x800] =	vst v0  }
0x25: {  	[tilespmem:s5+$0x810] =	vst v0  }
.Ltmp0:
0x26: {  	[tilespmem:s5+$0x820] =	vst v0;
	(pc) =	sbr.rel @p0 .LBB2_2-.Ltmp0, $4  }
0x27: {  	[tilespmem:s5+$0x830] =	vst v0  }
0x28: {  	[tilespmem:s5+$0x840] =	vst v0  }
0x29: {  	[tilespmem:s5+$0x850] =	vst v0  }
0x2a: {  	[tilespmem:s5+$0x860] =	vst v0;
	s5 =	sshra.s32 s19, $0x2;
	s19 =	sadd.s32 $0x200, s19  }
0x2b: {  	[tilespmem:s5+$0x870] =	vst v0  }
0x2c: {  	[tilespmem:s5+$0x800] =	vst v0  }
0x2d: {  	[tilespmem:s5+$0x810] =	vst v0  }
0x2e: {  	[tilespmem:s5+$0x820] =	vst v0  }
0x2f: {  	[tilespmem:s5+$0x830] =	vst v0  }
0x30: {  	[tilespmem:s5+$0x840] =	vst v0  }
0x31: {  	[tilespmem:s5+$0x850] =	vst v0  }
0x32: {  	[tilespmem:s5+$0x860] =	vst v0;
	s5 =	simm.s32 $0x40;
	s19 =	simm.s32 $0x0  }
.LBB2_4:
0x33: {  	p0 =	sne.s32 s5, $0x9FC0;
	[tilespmem:s19+$0x18800] =	vst v0;
	s19 =	smov.u32 s5;
	s5 =	sadd.s32 $0x40, s5  }
.Ltmp1:
0x34: {  	(pc) =	sbr.rel @p0 .LBB2_4-.Ltmp1, $2  }
0x35: {  	_ =	sdelay $0x2  }
0x36: {  	s19 =	sshra.s32 s19, $0x2  }
0x37: {  	[tilespmem:s19+$0x18800] =	vst v0  }
0x38: {  	[spmem:s6] =	stream.linear.scatter [tilespmem:s21], [sflag:$0x3], $0x2000, $0x38;
	[tilespmem:$0x1B000] =	vst v63  }
0x39: {  	_ =	swait.ge [sflag:s22], $0x2000  }
0x3a: {  	[sflag:s22] =	ssyncset.done $0x0  }
0x3b: {  	s5 =	rddreg [dreg:$0x8];
	[sflag:s22] =	ssyncadd.s32 $0xFFFFE000  }
0x3c: {  	[spmem:s5] =	stream.linear.scatter [tilespmem:s21], [sflag:$0x3], $0x2000, $0x38;
	[tilespmem:$0x1B000] =	vst v63  }
0x3d: {  	_ =	swait.ge [sflag:s22], $0x2000  }
0x3e: {  	[sflag:s22] =	ssyncset.done $0x0  }
0x3f: {  	s19 =	rddreg [dreg:$0x9];
	[sflag:s22] =	ssyncadd.s32 $0xFFFFE000  }
0x40: {  	[spmem:s19] =	stream.linear.scatter [tilespmem:s21], [sflag:$0x3], $0x2000, $0x38;
	[tilespmem:$0x1B000] =	vst v63  }
0x41: {  	_ =	swait.ge [sflag:s22], $0x2000  }
0x42: {  	[sflag:s22] =	ssyncset.done $0x0  }
0x43: {  	s20 =	rddreg [dreg:$0xa];
	[sflag:s22] =	ssyncadd.s32 $0xFFFFE000  }
0x44: {  	[spmem:s20] =	stream.linear.scatter [tilespmem:s21], [sflag:$0x3], $0x2000, $0x38;
	[tilespmem:$0x1B000] =	vst v63  }
0x45: {  	_ =	swait.ge [sflag:s22], $0x2000  }
0x46: {  	[sflag:s22] =	ssyncset.done $0x0  }
0x47: {  	s17 =	rddreg [dreg:$0xb];
	[sflag:s22] =	ssyncadd.s32 $0xFFFFE000  }
0x48: {  	[spmem:s17] =	stream.linear.scatter [tilespmem:s21], [sflag:$0x3], $0x2000, $0x38;
	[tilespmem:$0x1B000] =	vst v63  }
0x49: {  	_ =	swait.ge [sflag:s22], $0x2000  }
0x4a: {  	[sflag:s22] =	ssyncset.done $0x0  }
0x4b: {  	s19 =	rddreg [dreg:$0xc];
	[sflag:s22] =	ssyncadd.s32 $0xFFFFE000  }
0x4c: {  	[spmem:s19] =	stream.linear.scatter [tilespmem:s21], [sflag:$0x3], $0x2000, $0x38;
	[tilespmem:$0x1B000] =	vst v63  }
0x4d: {  	_ =	swait.ge [sflag:s22], $0x2000  }
0x4e: {  	[sflag:s22] =	ssyncset.done $0x0  }
0x4f: {  	s20 =	rddreg [dreg:$0xd];
	[sflag:s22] =	ssyncadd.s32 $0xFFFFE000  }
0x50: {  	[spmem:s20] =	stream.linear.scatter [tilespmem:s21], [sflag:$0x3], $0x2000, $0x38;
	[tilespmem:$0x1B000] =	vst v63  }
0x51: {  	_ =	swait.ge [sflag:s22], $0x2000  }
0x52: {  	[sflag:s22] =	ssyncset.done $0x0  }
0x53: {  	s17 =	rddreg [dreg:$0xe];
	[sflag:s22] =	ssyncadd.s32 $0xFFFFE000  }
0x54: {  	[spmem:s17] =	stream.linear.scatter [tilespmem:s21], [sflag:$0x3], $0x2000, $0x38;
	[tilespmem:$0x1B000] =	vst v63  }
0x55: {  	_ =	swait.ge [sflag:s22], $0x2000  }
0x56: {  	[sflag:s22] =	ssyncset.done $0x0  }
0x57: {  	s19 =	rddreg [dreg:$0xf];
	[sflag:s22] =	ssyncadd.s32 $0xFFFFE000  }
0x58: {  	[spmem:s19] =	stream.linear.scatter [tilespmem:s21], [sflag:$0x3], $0x2000, $0x38;
	[tilespmem:$0x1B000] =	vst v63  }
0x59: {  	_ =	swait.ge [sflag:s22], $0x2000  }
0x5a: {  	[sflag:s22] =	ssyncset.done $0x0  }
0x5b: {  	s20 =	rddreg [dreg:$0x10];
	[sflag:s22] =	ssyncadd.s32 $0xFFFFE000  }
0x5c: {  	[spmem:s20] =	stream.linear.scatter [tilespmem:s21], [sflag:$0x3], $0x2000, $0x38;
	[tilespmem:$0x1B000] =	vst v63  }
0x5d: {  	_ =	swait.ge [sflag:s22], $0x2000  }
0x5e: {  	[sflag:s22] =	ssyncset.done $0x0  }
0x5f: {  	[sflag:s22] =	ssyncadd.s32 $0xFFFFE000  }
0x60: {  	[bflag:$0x0] =	sbarrier.arrive $0xFFFF  }
0x61: {  	s20 =	rddreg [dreg:$0x12]  }
0x62: {  	s5 =	smov.u32 s18;
	s19 =	rddreg [dreg:$0x11]  }
.LBB2_6:
0x63: {  	[tilespmem:s2], [sflag:$0x3] =	stream.linear.gather [hbm4b:s20+s2], $0x400, $0x38;
	[tilespmem:$0x1B000] =	vst v63  }
0x64: {  	_ =	swait.ge [sflag:s22], $0x400  }
0x65: {  	[sflag:s22] =	ssyncset.done $0x0  }
0x66: {  	[sflag:s22] =	ssyncadd.s32 $0xFFFFFC00  }
0x67: {  	[tilespmem:s23], [sflag:$0x3] =	stream.linear.gather [hbm4b:s19+s2], $0x400, $0x38;
	[tilespmem:$0x1B000] =	vst v63  }
0x68: {  	_ =	swait.ge [sflag:s22], $0x400  }
0x69: {  	[sflag:s22] =	ssyncset.done $0x0  }
0x6a: {  	[sflag:s22] =	ssyncadd.s32 $0xFFFFFC00  }
0x6b: {  	[tilespmem:s21], [sflag:$0x1] =	stream.indirect.gather [hbm4b:s4+s24], $0x80, s2, s24, $0xb8;
	[tilespmem:$0x1B000] =	vst v63  }
0x6c: {  	_ = 	snop  }
0x6d: {  	[tilespmem:s26], [sflag:$0x2] =	stream.indirect.gather [hbm4b:s4+s24], $0x80, s25, s24, $0xb8;
	[tilespmem:$0x1B000] =	vst v63  }
0x6e: {  	_ =	swait.ge [sflag:s28], $0x2000  }
0x6f: {  	[sflag:s28] =	ssyncset.done $0x0  }
0x70: {  	[sflag:s28] =	ssyncadd.s32 $0xFFFFE000  }
0x71: {  	[spmem:s1] =	stream.indirect.scatter.add.f32 [tilespmem:s21], [sflag:$0x3], $0x80, s23, s24, $0xb8;
	[tilespmem:$0x1B000] =	vst v63  }
0x72: {  	_ =	swait.ge [sflag:s22], $0x2000  }
0x73: {  	[sflag:s22] =	ssyncset.done $0x0  }
0x74: {  	[sflag:s22] =	ssyncadd.s32 $0xFFFFE000  }
0x75: {  	v2 =	vld [tilespmem:$0x400];
	_ =	sdelay $0x7  }
0x76: {  	[tilespmem:v2+s29+$0x0] =	vst.idx.add.f32.msk $0xffff, v1  }
0x77: {  	v2 =	vld [tilespmem:$0x410];
	_ =	sdelay $0x7  }
0x78: {  	[tilespmem:v2+s29+$0x0] =	vst.idx.add.f32.msk $0xffff, v1  }
0x79: {  	v2 =	vld [tilespmem:$0x420];
	_ =	sdelay $0x7  }
0x7a: {  	[tilespmem:v2+s29+$0x0] =	vst.idx.add.f32.msk $0xffff, v1  }
0x7b: {  	v2 =	vld [tilespmem:$0x430];
	_ =	sdelay $0x7  }
0x7c: {  	s17 =	rddreg [dreg:$0x4];
	[tilespmem:v2+s29+$0x0] =	vst.idx.add.f32.msk $0xffff, v1  }
0x7d: {  	[tilespmem:s21], [sflag:$0x1] =	stream.indirect.gather [hbm4b:s4+s24], $0x80, s17, s24, $0xb8;
	[tilespmem:$0x1B000] =	vst v63  }
0x7e: {  	_ =	swait.ge [sflag:s30], $0x2000  }
0x7f: {  	[sflag:s30] =	ssyncset.done $0x0  }
0x80: {  	[sflag:s30] =	ssyncadd.s32 $0xFFFFE000  }
0x81: {  	[spmem:s1] =	stream.indirect.scatter.add.f32 [tilespmem:s26], [sflag:$0x3], $0x80, s31, s24, $0xb8;
	[tilespmem:$0x1B000] =	vst v63  }
0x82: {  	_ =	swait.ge [sflag:s22], $0x2000  }
0x83: {  	[sflag:s22] =	ssyncset.done $0x0  }
0x84: {  	[sflag:s22] =	ssyncadd.s32 $0xFFFFE000  }
0x85: {  	v2 =	vld [tilespmem:$0x480];
	_ =	sdelay $0x7  }
0x86: {  	[tilespmem:v2+s29+$0x0] =	vst.idx.add.f32.msk $0xffff, v1  }
0x87: {  	v2 =	vld [tilespmem:$0x490];
	_ =	sdelay $0x7  }
0x88: {  	[tilespmem:v2+s29+$0x0] =	vst.idx.add.f32.msk $0xffff, v1  }
0x89: {  	v2 =	vld [tilespmem:$0x4A0];
	_ =	sdelay $0x7  }
0x8a: {  	[tilespmem:v2+s29+$0x0] =	vst.idx.add.f32.msk $0xffff, v1  }
0x8b: {  	v2 =	vld [tilespmem:$0x4B0];
	_ =	sdelay $0x7  }
0x8c: {  	[tilespmem:v2+s29+$0x0] =	vst.idx.add.f32.msk $0xffff, v1  }
0x8d: {  	[tilespmem:s26], [sflag:$0x2] =	stream.indirect.gather [hbm4b:s4+s24], $0x80, s0, s24, $0xb8;
	[tilespmem:$0x1B000] =	vst v63  }
0x8e: {  	_ =	swait.ge [sflag:s28], $0x2000  }
0x8f: {  	[sflag:s28] =	ssyncset.done $0x0  }
0x90: {  	[sflag:s28] =	ssyncadd.s32 $0xFFFFE000  }
0x91: {  	[spmem:s1] =	stream.indirect.scatter.add.f32 [tilespmem:s21], [sflag:$0x3], $0x80, s3, s24, $0xb8;
	[tilespmem:$0x1B000] =	vst v63  }
0x92: {  	_ =	swait.ge [sflag:s22], $0x2000  }
0x93: {  	[sflag:s22] =	ssyncset.done $0x0  }
0x94: {  	[sflag:s22] =	ssyncadd.s32 $0xFFFFE000  }
0x95: {  	v2 =	vld [tilespmem:$0x500];
	_ =	sdelay $0x7  }
0x96: {  	[tilespmem:v2+s29+$0x0] =	vst.idx.add.f32.msk $0xffff, v1  }
0x97: {  	v2 =	vld [tilespmem:$0x510];
	_ =	sdelay $0x7  }
0x98: {  	[tilespmem:v2+s29+$0x0] =	vst.idx.add.f32.msk $0xffff, v1  }
0x99: {  	v2 =	vld [tilespmem:$0x520];
	_ =	sdelay $0x7  }
0x9a: {  	[tilespmem:v2+s29+$0x0] =	vst.idx.add.f32.msk $0xffff, v1  }
0x9b: {  	v2 =	vld [tilespmem:$0x530];
	_ =	sdelay $0x7  }
0x9c: {  	[tilespmem:v2+s29+$0x0] =	vst.idx.add.f32.msk $0xffff, v1  }
0x9d: {  	[tilespmem:s21], [sflag:$0x1] =	stream.indirect.gather [hbm4b:s4+s24], $0x80, s7, s24, $0xb8;
	[tilespmem:$0x1B000] =	vst v63  }
0x9e: {  	_ =	swait.ge [sflag:s30], $0x2000  }
0x9f: {  	[sflag:s30] =	ssyncset.done $0x0  }
0xa0: {  	[sflag:s30] =	ssyncadd.s32 $0xFFFFE000  }
0xa1: {  	[spmem:s1] =	stream.indirect.scatter.add.f32 [tilespmem:s26], [sflag:$0x3], $0x80, s8, s24, $0xb8;
	[tilespmem:$0x1B000] =	vst v63  }
0xa2: {  	_ =	swait.ge [sflag:s22], $0x2000  }
0xa3: {  	[sflag:s22] =	ssyncset.done $0x0  }
0xa4: {  	[sflag:s22] =	ssyncadd.s32 $0xFFFFE000  }
0xa5: {  	v2 =	vld [tilespmem:$0x580];
	_ =	sdelay $0x7  }
0xa6: {  	[tilespmem:v2+s29+$0x0] =	vst.idx.add.f32.msk $0xffff, v1  }
0xa7: {  	v2 =	vld [tilespmem:$0x590];
	_ =	sdelay $0x7  }
0xa8: {  	[tilespmem:v2+s29+$0x0] =	vst.idx.add.f32.msk $0xffff, v1  }
0xa9: {  	v2 =	vld [tilespmem:$0x5A0];
	_ =	sdelay $0x7  }
0xaa: {  	[tilespmem:v2+s29+$0x0] =	vst.idx.add.f32.msk $0xffff, v1  }
0xab: {  	v2 =	vld [tilespmem:$0x5B0];
	_ =	sdelay $0x7  }
0xac: {  	[tilespmem:v2+s29+$0x0] =	vst.idx.add.f32.msk $0xffff, v1  }
0xad: {  	[tilespmem:s26], [sflag:$0x2] =	stream.indirect.gather [hbm4b:s4+s24], $0x80, s9, s24, $0xb8;
	[tilespmem:$0x1B000] =	vst v63  }
0xae: {  	_ =	swait.ge [sflag:s28], $0x2000  }
0xaf: {  	[sflag:s28] =	ssyncset.done $0x0  }
0xb0: {  	[sflag:s28] =	ssyncadd.s32 $0xFFFFE000  }
0xb1: {  	[spmem:s1] =	stream.indirect.scatter.add.f32 [tilespmem:s21], [sflag:$0x3], $0x80, s10, s24, $0xb8;
	[tilespmem:$0x1B000] =	vst v63  }
0xb2: {  	_ =	swait.ge [sflag:s22], $0x2000  }
0xb3: {  	[sflag:s22] =	ssyncset.done $0x0  }
0xb4: {  	[sflag:s22] =	ssyncadd.s32 $0xFFFFE000  }
0xb5: {  	v2 =	vld [tilespmem:$0x600];
	_ =	sdelay $0x7  }
0xb6: {  	[tilespmem:v2+s29+$0x0] =	vst.idx.add.f32.msk $0xffff, v1  }
0xb7: {  	v2 =	vld [tilespmem:$0x610];
	_ =	sdelay $0x7  }
0xb8: {  	[tilespmem:v2+s29+$0x0] =	vst.idx.add.f32.msk $0xffff, v1  }
0xb9: {  	v2 =	vld [tilespmem:$0x620];
	_ =	sdelay $0x7  }
0xba: {  	[tilespmem:v2+s29+$0x0] =	vst.idx.add.f32.msk $0xffff, v1  }
0xbb: {  	v2 =	vld [tilespmem:$0x630];
	_ =	sdelay $0x7  }
0xbc: {  	[tilespmem:v2+s29+$0x0] =	vst.idx.add.f32.msk $0xffff, v1  }
0xbd: {  	[tilespmem:s21], [sflag:$0x1] =	stream.indirect.gather [hbm4b:s4+s24], $0x80, s11, s24, $0xb8;
	[tilespmem:$0x1B000] =	vst v63  }
0xbe: {  	_ =	swait.ge [sflag:s30], $0x2000  }
0xbf: {  	[sflag:s30] =	ssyncset.done $0x0  }
0xc0: {  	[sflag:s30] =	ssyncadd.s32 $0xFFFFE000  }
0xc1: {  	[spmem:s1] =	stream.indirect.scatter.add.f32 [tilespmem:s26], [sflag:$0x3], $0x80, s12, s24, $0xb8;
	[tilespmem:$0x1B000] =	vst v63  }
0xc2: {  	_ =	swait.ge [sflag:s22], $0x2000  }
0xc3: {  	[sflag:s22] =	ssyncset.done $0x0  }
0xc4: {  	[sflag:s22] =	ssyncadd.s32 $0xFFFFE000  }
0xc5: {  	v2 =	vld [tilespmem:$0x680];
	_ =	sdelay $0x7  }
0xc6: {  	[tilespmem:v2+s29+$0x0] =	vst.idx.add.f32.msk $0xffff, v1  }
0xc7: {  	v2 =	vld [tilespmem:$0x690];
	_ =	sdelay $0x7  }
0xc8: {  	[tilespmem:v2+s29+$0x0] =	vst.idx.add.f32.msk $0xffff, v1  }
0xc9: {  	v2 =	vld [tilespmem:$0x6A0];
	_ =	sdelay $0x7  }
0xca: {  	[tilespmem:v2+s29+$0x0] =	vst.idx.add.f32.msk $0xffff, v1  }
0xcb: {  	v2 =	vld [tilespmem:$0x6B0];
	_ =	sdelay $0x7  }
0xcc: {  	[tilespmem:v2+s29+$0x0] =	vst.idx.add.f32.msk $0xffff, v1  }
0xcd: {  	[tilespmem:s26], [sflag:$0x2] =	stream.indirect.gather [hbm4b:s4+s24], $0x80, s13, s24, $0xb8;
	[tilespmem:$0x1B000] =	vst v63  }
0xce: {  	_ =	swait.ge [sflag:s28], $0x2000  }
0xcf: {  	[sflag:s28] =	ssyncset.done $0x0  }
0xd0: {  	[sflag:s28] =	ssyncadd.s32 $0xFFFFE000  }
0xd1: {  	[spmem:s1] =	stream.indirect.scatter.add.f32 [tilespmem:s21], [sflag:$0x3], $0x80, s14, s24, $0xb8;
	[tilespmem:$0x1B000] =	vst v63  }
0xd2: {  	_ =	swait.ge [sflag:s22], $0x2000  }
0xd3: {  	[sflag:s22] =	ssyncset.done $0x0  }
0xd4: {  	[sflag:s22] =	ssyncadd.s32 $0xFFFFE000  }
0xd5: {  	v2 =	vld [tilespmem:$0x700];
	_ =	sdelay $0x7  }
0xd6: {  	[tilespmem:v2+s29+$0x0] =	vst.idx.add.f32.msk $0xffff, v1  }
0xd7: {  	v2 =	vld [tilespmem:$0x710];
	_ =	sdelay $0x7  }
0xd8: {  	[tilespmem:v2+s29+$0x0] =	vst.idx.add.f32.msk $0xffff, v1  }
0xd9: {  	v2 =	vld [tilespmem:$0x720];
	_ =	sdelay $0x7  }
0xda: {  	[tilespmem:v2+s29+$0x0] =	vst.idx.add.f32.msk $0xffff, v1  }
0xdb: {  	v2 =	vld [tilespmem:$0x730];
	_ =	sdelay $0x7  }
0xdc: {  	[tilespmem:v2+s29+$0x0] =	vst.idx.add.f32.msk $0xffff, v1  }
0xdd: {  	_ =	swait.ge [sflag:s30], $0x2000  }
0xde: {  	[sflag:s30] =	ssyncset.done $0x0  }
0xdf: {  	[sflag:s30] =	ssyncadd.s32 $0xFFFFE000  }
0xe0: {  	[spmem:s1] =	stream.indirect.scatter.add.f32 [tilespmem:s26], [sflag:$0x3], $0x80, s15, s24, $0xb8;
	[tilespmem:$0x1B000] =	vst v63  }
0xe1: {  	_ =	swait.ge [sflag:s22], $0x2000  }
0xe2: {  	[sflag:s22] =	ssyncset.done $0x0  }
0xe3: {  	[sflag:s22] =	ssyncadd.s32 $0xFFFFE000  }
0xe4: {  	v2 =	vld [tilespmem:$0x780];
	_ =	sdelay $0x7  }
0xe5: {  	[tilespmem:v2+s29+$0x0] =	vst.idx.add.f32.msk $0xffff, v1  }
0xe6: {  	v2 =	vld [tilespmem:$0x790];
	_ =	sdelay $0x7  }
0xe7: {  	[tilespmem:v2+s29+$0x0] =	vst.idx.add.f32.msk $0xffff, v1  }
0xe8: {  	v2 =	vld [tilespmem:$0x7A0];
	_ =	sdelay $0x7  }
0xe9: {  	[tilespmem:v2+s29+$0x0] =	vst.idx.add.f32.msk $0xffff, v1  }
0xea: {  	v2 =	vld [tilespmem:$0x7B0];
	_ =	sdelay $0x2  }
0xeb: {  	p0 =	sne.s32 s5, $0x1  }
.Ltmp2:
0xec: {  	_ = 	snop;
	(pc) =	sbr.rel @p0 .LBB2_6-.Ltmp2, $2  }
0xed: {  	_ =	sdelay $0x2  }
0xee: {  	s20 =	sadd.s32 $0x80, s20;
	s5 =	sadd.s32 $0xFFFFFFFF, s5;
	s19 =	sadd.s32 $0x80, s19;
	[tilespmem:v2+s29+$0x0] =	vst.idx.add.f32.msk $0xffff, v1  }
0xef: {  	s5 =	stileid.u32  }
0xf0: {  	[bflag:$0x0] =	sbarrier.arrive $0xFFFF;
	s5 =	sshll.u32 s5, $0x6  }
0xf1: {  	s17 =	sshrl.u32 s6, $0x3;
	s19 =	rddreg [dreg:$0x5];
	s5 =	sor.u32 $0x1C03, s5  }
0xf2: {  	[hbm:s19], [sflag:s5] =	dma.local [spmem:s17], $0x2800  }
0xf3: {  	_ =	swait.ge [sflag:s22], $0x2800  }
0xf4: {  	[sflag:s22] =	ssyncset.done $0x0  }
0xf5: {  	s19 =	rddreg [dreg:$0x6];
	[sflag:s22] =	ssyncadd.s32 $0xFFFFD800  }
0xf6: {  	[hbm4b:s19+s25] =	stream.strided.scatter [tilespmem:s29], [sflag:$0x3], $0x2800, s23, s25, $0x38;
	[tilespmem:$0x1B000] =	vst v63  }
0xf7: {  	_ =	swait.ge [sflag:s22], $0x2800  }
0xf8: {  	s16 =	sadd.s32 $0x1, s16;
	s20 =	rddreg [dreg:$0x7]  }
0xf9: {  	p0 =	sne.s32 s16, s20  }
.Ltmp3:
0xfa: {  	_ = 	snop;
	(pc) =	sbr.rel @p0 .LBB2_1-.Ltmp3, $3  }
0xfb: {  	_ =	sdelay $0x1  }
0xfc: {  	[sflag:s22] =	ssyncset.done $0x0  }
0xfd: {  	[sflag:s22] =	ssyncadd.s32 $0xFFFFD800  }
0xfe: {  	_ =	sfence.sel $0x180000  }
0xff: {  	[bflag:$0x0] =	sbarrier.arrive $0xFFFF  }
0x100: {  	_ =	strace $0x90000047  }
0x101: {  	s0 =	stileid.u32;
	[bflag:$0x2] =	sbarrier.arrive $0xFFFF  }
0x102: {  	p0 =	sne.s32 s0, $0x0;
	s0 =	rddreg [dreg:$0x3]  }
0x103: {  	s0 =	sadd.s32 @!p0 $0x100000, s0  }
0x104: {  	[sflag:s0] =	ssyncadd.tile.s32 @!p0 $0x1;
	_ =	shalt  }
.Lfunc_end2:
_tile_overlayer_lowered:
.L_overlay_start_2:
0x105: {  	(tag) =	ssettag $0x2  }
0x106: {  	s0 =	rddreg [dreg:$0x0];
	s2 =	stileid.u32  }
0x107: {  	s1 =	rddreg [dreg:$0x1];
	p0 =	sne.s32 s2, $0x0  }
0x108: {  	s3 =	rddreg [dreg:$0x2];
	[bflag:$0x3] =	sbarrier.arrive $0xFFFF;
	s2 =	simm.s32 @!p0 $0x1C03  }
0x109: {  	[timem:s3], [sflag:s2] =	dma.local @!p0 [hbm:s0], s1  }
0x10a: {  	s0 =	simm.s32 @!p0 $0x3  }
0x10b: {  	_ =	swait.ge @!p0 [sflag:s0], s1  }
0x10c: {  	s1 =	ssub.s32 @!p0 $0x0, s1;
	[sflag:s0] =	ssyncset.done @!p0 $0x0  }
0x10d: {  	[sflag:s0] =	ssyncadd.s32 @!p0 s1  }
0x10e: {  	[bflag:$0x3] =	sbarrier.arrive $0xFFFF  }
0x10f: {  	_ =	shalt  }

// kernel: kernel.9.cloned.1.call-start
scs
__scs_entry_jumppad:
0x0: {  	(pc) =	sbr.rel $0x88, $3  }
0x1: {  	(tag) =	ssettag $0x0;
	lr =	simm.s32 $0x1  }
0x2: {  	[smem:$0x3F99] =	sst lr;
	_ =	strace $0xD0000000  }
0x3: {  	_ = 	snop  }
0x4: {  	_ = 	snop  }
0x5: {  	_ = 	snop  }
0x6: {  	_ = 	snop  }
0x7: {  	_ = 	snop  }
__scs_overlays_trampoline_lowered:
0x8: {  	[smem:$0x3FA8] =	sst s0  }
0x9: {  	[smem:$0x3FA9] =	sst s1  }
0xa: {  	[smem:$0x3FAA] =	sst s2  }
0xb: {  	[smem:$0x3FAB] =	sst s3  }
0xc: {  	[smem:$0x3FAC] =	sst s4  }
0xd: {  	[smem:$0x3FAD] =	sst s5  }
0xe: {  	[smem:$0x3FAE] =	sst s6  }
0xf: {  	[smem:$0x3FAF] =	sst s7  }
0x10: {  	[smem:$0x3FB0] =	sst s8  }
0x11: {  	[smem:$0x3FB1] =	sst s9;
	s0 =	simm.s32 @!p0 $0x0  }
0x12: {  	s1 =	sld [smem:$0x3F97];
	s0 =	simm.s32 @p0 $0x1  }
0x13: {  	[smem:$0x3FB2] =	sst s0;
	s0 =	simm.s32 @!p1 $0x0  }
0x14: {  	s2 =	sld [smem:$0x3F96];
	s0 =	simm.s32 @p1 $0x1  }
0x15: {  	[smem:$0x3FB3] =	sst s0;
	s0 =	simm.s32 @!p2 $0x0  }
0x16: {  	s3 =	sld [smem:$0x3FDB];
	s0 =	simm.s32 @p2 $0x1  }
0x17: {  	s4 =	simm.s32 $0x1BF5;
	[smem:$0x3FB5] =	sst s0  }
0x18: {  	s0 =	sld [smem:$0x3F98];
	_ =	swait.ge [sflag:s4], $0x0  }
0x19: {  	s7 =	sld [smem:$0x3F99]  }
0x1a: {  	s8 =	sadd.s32 $0xFFFFE003, lr  }
0x1b: {  	s9 =	sadd.s32 $0xFFFFFEF7, lr;
	s5 =	simm.s32 $0xFFFFFFFF;
	p2 =	slt.u32 s8, $0xFFFFF086  }
0x1c: {  	p1 =	slt.u32 s9, $0xF7A;
	s5 =	simm.s32 @!p2 $0x0  }
0x1d: {  	s5 =	simm.s32 @p1 $0x1;
	p0 =	seq.s32 s7, s2  }
0x1e: {  	s7 =	smul.u32 @!p0 $0xF7A, s2;
	p2 =	seq.s32 @!p0 s5, $0x0  }
0x1f: {  	s9 =	smul.u32 $0xF7A, s1;
	s8 =	simm.s32 @!p0 $0x1BF5;
	p2 =	por !p2, p0  }
0x20: {  	[sflag:s8] =	ssyncset.s32 @!p0 $0xFFFFF086;
	s6 =	sadd.s32 @!p0 s3, s7;
	s7 =	simm.s32 @!p0 $0x108  }
0x21: {  	s3 =	sadd.s32 s3, s9;
	s6 =	sadd.s32 @!p0 $0x88, s6;
	s7 =	simm.s32 @p2 $0x1082  }
0x22: {  	[simem:s7], [sflag:s8] =	dma.local @!p0 [hbm:s6], $0xF7A  }
0x23: {  	s9 =	sor.u32 $0xD0000000, s2;
	s6 =	simm.s32 $0x108;
	_ =	swait.ge @!p0 [sflag:s8], $0x0  }
0x24: {  	s3 =	sadd.s32 $0x88, s3;
	s6 =	simm.s32 @!p1 $0x1082;
	[sflag:s4] =	ssyncset.s32 $0xFFFFF086  }
0x25: {  	[simem:s6], [sflag:s4] =	dma.local [hbm:s3], $0xF7A  }
0x26: {  	[smem:$0x3F99] =	sst s1;
	(tag) =	ssettag s2;
	_ =	strace s9  }
0x27: {  	s1 =	sld [smem:$0x3FA9]  }
0x28: {  	s2 =	sld [smem:$0x3FAA]  }
0x29: {  	s4 =	sld [smem:$0x3FAC]  }
0x2a: {  	p0 =	seq.s32 s5, $0x0;
	s5 =	sld [smem:$0x3FAD]  }
0x2b: {  	s6 =	sld [smem:$0x3FAE]  }
0x2c: {  	s7 =	sld [smem:$0x3FAF]  }
0x2d: {  	s3 =	simm.s32 $0x108;
	s8 =	sld [smem:$0x3FB0]  }
0x2e: {  	s3 =	simm.s32 @!p0 $0x1082;
	s9 =	sld [smem:$0x3FB1]  }
0x2f: {  	lr =	sadd.s32 s0, s3;
	s0 =	sld [smem:$0x3FA8]  }
0x30: {  	s3 =	sld [smem:$0x3FAB]  }
0x31: {  	[smem:$0x3FB4] =	sst s10  }
0x32: {  	s10 =	sld [smem:$0x3FB2];
	_ =	sdelay $0x3  }
0x33: {  	p0 =	seq.s32 s10, $0x1;
	s10 =	sld [smem:$0x3FB4];
	_ =	sdelay $0x3  }
0x34: {  	[smem:$0x3FB4] =	sst s10  }
0x35: {  	s10 =	sld [smem:$0x3FB3];
	_ =	sdelay $0x3  }
0x36: {  	p1 =	seq.s32 s10, $0x1;
	s10 =	sld [smem:$0x3FB4];
	_ =	sdelay $0x3  }
0x37: {  	[smem:$0x3FB4] =	sst s10  }
0x38: {  	s10 =	sld [smem:$0x3FB5]  }
0x39: {  	_ = 	snop;
	(pc) =	sbr.ind lr, $3  }
0x3a: {  	_ = 	snop  }
0x3b: {  	_ = 	snop  }
0x3c: {  	p2 =	seq.s32 s10, $0x1;
	s10 =	sld [smem:$0x3FB4]  }
0x3d: {  	_ =	shalt  }
0x3e: {  	_ =	shalt  }
0x3f: {  	_ =	shalt  }
0x40: {  	_ =	shalt  }
0x41: {  	_ =	shalt  }
0x42: {  	_ =	shalt  }
0x43: {  	_ =	shalt  }
0x44: {  	_ =	shalt  }
0x45: {  	_ =	shalt  }
0x46: {  	_ =	shalt  }
0x47: {  	_ =	shalt  }
0x48: {  	_ =	shalt  }
0x49: {  	_ =	shalt  }
0x4a: {  	_ =	shalt  }
0x4b: {  	_ =	shalt  }
0x4c: {  	_ =	shalt  }
0x4d: {  	_ =	shalt  }
0x4e: {  	_ =	shalt  }
0x4f: {  	_ =	shalt  }
0x50: {  	_ =	shalt  }
0x51: {  	_ =	shalt  }
0x52: {  	_ =	shalt  }
0x53: {  	_ =	shalt  }
0x54: {  	_ =	shalt  }
0x55: {  	_ =	shalt  }
0x56: {  	_ =	shalt  }
0x57: {  	_ =	shalt  }
0x58: {  	_ =	shalt  }
0x59: {  	_ =	shalt  }
0x5a: {  	_ =	shalt  }
0x5b: {  	_ =	shalt  }
0x5c: {  	_ =	shalt  }
0x5d: {  	_ =	shalt  }
0x5e: {  	_ =	shalt  }
0x5f: {  	_ =	shalt  }
0x60: {  	_ =	shalt  }
0x61: {  	_ =	shalt  }
0x62: {  	_ =	shalt  }
0x63: {  	_ =	shalt  }
0x64: {  	_ =	shalt  }
0x65: {  	_ =	shalt  }
0x66: {  	_ =	shalt  }
0x67: {  	_ =	shalt  }
0x68: {  	_ =	shalt  }
0x69: {  	_ =	shalt  }
0x6a: {  	_ =	shalt  }
0x6b: {  	_ =	shalt  }
0x6c: {  	_ =	shalt  }
0x6d: {  	_ =	shalt  }
0x6e: {  	_ =	shalt  }
0x6f: {  	_ =	shalt  }
0x70: {  	_ =	shalt  }
0x71: {  	_ =	shalt  }
0x72: {  	_ =	shalt  }
0x73: {  	_ =	shalt  }
0x74: {  	_ =	shalt  }
0x75: {  	_ =	shalt  }
0x76: {  	_ =	shalt  }
0x77: {  	_ =	shalt  }
0x78: {  	_ =	shalt  }
0x79: {  	_ =	shalt  }
0x7a: {  	_ =	shalt  }
0x7b: {  	_ =	shalt  }
0x7c: {  	_ =	shalt  }
0x7d: {  	_ =	shalt  }
0x7e: {  	_ =	shalt  }
0x7f: {  	_ =	shalt  }
0x80: {  	_ =	shalt  }
0x81: {  	_ =	shalt  }
0x82: {  	_ =	shalt  }
0x83: {  	_ =	shalt  }
0x84: {  	_ =	shalt  }
0x85: {  	_ =	shalt  }
0x86: {  	_ =	shalt  }
0x87: {  	_ =	shalt  }
.Lfunc_end0:
.L_simem_size_0:
called_computation.1_lowered:
.L_overlay_start_0:
0x88: {  	s2 =	sld [smem:$0x3FD9]  }
0x89: {  	s3 =	sld [smem:$0x3FFE];
	_ =	sdelay $0x1  }
0x8a: {  	s1 =	srdreg.scid  }
0x8b: {  	s0 =	sand.u32 $0x1, s1  }
0x8c: {  	s17 =	sshll.u32 s0, $0xA;
	s2 =	sadd.s32 s3, s2  }
0x8d: {  	s2 =	sadd.s32 s2, s17  }
0x8e: {  	[smem:$0x3FC0] =	sst s2  }
0x8f: {  	_ = 	snop  }
0x90: {  	s2 =	sld [smem:$0x3FD0];
	(tm) =	ssettm $0x1  }
0x91: {  	s18 =	sld [smem:$0x3FFB];
	_ =	sdelay $0x3  }
0x92: {  	_ =	strace s18  }
0x93: {  	s3 =	sld [smem:$0x3FFC];
	_ =	sdelay $0x3  }
0x94: {  	_ =	strace s3  }
0x95: {  	s3 =	sld [smem:$0x3FFD];
	_ =	sdelay $0x3  }
0x96: {  	_ =	strace s3  }
0x97: {  	_ =	strace $0x8FFFFFFF  }
0x98: {  	s19 =	sld [smem:$0x3FDB];
	_ =	sdelay $0x1  }
0x99: {  	s4 =	simm.s32 $_scs_section_size  }
0x9a: {  	s5 =	simm.s32 $_size__tile_overlayer_lowered;
	s6 =	simm.s32 $_tile_overlayer_lowered  }
0x9b: {  	s22 =	simm.s32 $0x1BFF;
	s21 =	sshll.u32 s6, $0x1;
	s3 =	sadd.s32 s4, s19  }
0x9c: {  	s7 =	simm.s32 $0x0;
	s20 =	sshll.u32 s5, $0x1;
	s5 =	sadd.s32 s21, s3  }
0x9d: {  	[timem:s7], [sflag:s22] =	dma.local [hbm:s5], s20  }
0x9e: {  	_ =	swait.ge [sflag:s22], s20  }
0x9f: {  	s4 =	ssub.s32 $0x0, s20;
	[sflag:s22] =	ssyncset.done $0x0  }
0xa0: {  	[sflag:s22] =	ssyncadd.s32 s4;
	_ =	sdelay $0x1  }
0xa1: {  	s23 =	simm.s32 $0x1B8B  }
0xa2: {  	_ =	swait.ge [sflag:s23], $0x1  }
0xa3: {  	[sflag:s23] =	ssyncset.done $0x0  }
0xa4: {  	s25 =	simm.s32 $0x1B8E;
	s24 =	sld [smem:$0x3FFE];
	[sflag:s23] =	ssyncadd.s32 $0xFFFFFFFF  }
0xa5: {  	s26 =	simm.s32 $execute0_lowered;
	[smem:$0x3FD2] =	sst s25  }
0xa6: {  	s5 =	sshll.u32 s26, $0x1;
	_ =	strace $0x80000049;
	[dreg:$0x1] =	wrdreg $0xFFFFFFFF  }
0xa7: {  	s28 =	simm.s32 $_size_execute0_lowered;
	s3 =	sadd.s32 s3, s5;
	[dreg:$0x0] =	wrdreg $0x0  }
0xa8: {  	s5 =	sshll.u32 s28, $0x1;
	[dreg:$0x2] =	wrdreg s3  }
0xa9: {  	[dreg:$0x3] =	wrdreg s5  }
0xaa: {  	[dreg:$0x4] =	wrdreg $0xC0  }
0xab: {  	_ =	task [dreg:s7], $0x5FFFF  }
0xac: {  	[dreg:$0x1] =	wrdreg $0xFFFFFFFF  }
0xad: {  	[dreg:$0x0] =	wrdreg $0x60  }
0xae: {  	[dreg:$0x2] =	wrdreg s24  }
0xaf: {  	[dreg:$0x3] =	wrdreg s2  }
0xb0: {  	[dreg:$0x4] =	wrdreg $0x48000  }
0xb1: {  	[dreg:$0x5] =	wrdreg $0x9  }
0xb2: {  	_ =	task.clear_ibuf [dreg:s7], $0x6FFFF;
	_ =	strace $0x90000049  }
0xb3: {  	s29 =	simm.s32 $0x9;
	_ =	strace $0x8000004B  }
0xb4: {  	_ =	swait.ge [sflag:s29], $0x1  }
0xb5: {  	[sflag:s29] =	ssyncadd.s32 $0xFFFFFFFF  }
0xb6: {  	_ =	strace $0x9000004B  }
0xb7: {  	_ =	sfence  }
0xb8: {  	s30 =	sld [smem:$0x0];
	_ =	sdelay $0x2  }
0xb9: {  	s31 =	sshll.u32 s1, $0xD;
	s1 =	sshrl.u32 s1, $0x2  }
0xba: {  	s3 =	sand.u32 $0x4000, s31;
	s1 =	sadd.s32 s1, s30  }
0xbb: {  	s0 =	sor.u32 s3, s0;
	s1 =	sshll.u32 s1, $0x11  }
0xbc: {  	s0 =	sor.u32 s1, s0  }
0xbd: {  	s0 =	sadd.s32 $0x8F2B, s0  }
0xbe: {  	[sflag:s0] =	ssyncadd.remote.s32 $0x1  }
0xbf: {  	_ =	sfence.sel $0xFFFF  }
0xc0: {  	[dreg:$0x0] =	wrdreg $0xFFFFFFFF;
	(pc) =	sbr.abs _section_cstart, $3  }
0xc1: {  	[dreg:$0x1] =	wrdreg $0xFFFFFFFF  }
0xc2: {  	_ =	task.clear_ibuf [dreg:s7], $0x2FFFF;
	_ =	strace $0x9FFFFFFF  }
0xc3: {  	(tm) =	ssettm $0x7FFFFFFF  }
tec
execute0_lowered:
.L_overlay_start_1:
0x0: {  	(tag) =	ssettag $0x1  }
0x1: {  	s0 =	rddreg [dreg:$0x0]  }
0x2: {  	s5 =	rddreg [dreg:$0x1]  }
0x3: {  	s1 =	srdreg.scid;
	s2 =	rddreg [dreg:$0x2]  }
0x4: {  	s3 =	simm.s32 $0x120;
	s10 =	stileid.u32;
	s28 =	simm.s32 $0x100  }
0x5: {  	s29 =	simm.s32 $0x2;
	s30 =	simm.s32 $0x480;
	s31 =	simm.s32 $0x180  }
0x6: {  	s11 =	simm.s32 $0x680;
	s1 =	sand.u32 $0x1, s1;
	s13 =	smul.u32 $0x14000, s10  }
0x7: {  	s12 =	simm.s32 $0x380;
	s14 =	smul.u32 $0x50000, s10;
	p0 =	seq.s32 s1, $0x0  }
0x8: {  	s4 =	ssub.s32 $0x0, s1;
	s7 =	smul.u32 $0x140000, s1;
	s1 =	ssub.s32 $0x2, s1  }
0x9: {  	s3 =	simm.s32 @!p0 $0x20;
	s4 =	sand.u32 $0x1200, s4;
	s15 =	sshrl.u32 s1, $0x1  }
0xa: {  	s16 =	sshrl.u32 s14, $0x2;
	s14 =	simm.s32 $0x780;
	s6 =	smul.u32 s10, s3  }
0xb: {  	s3 =	simm.s32 $0x0;
	s10 =	simm.s32 $0x24;
	s1 =	ssub.s32 s1, s15  }
0xc: {  	[smem:$0x7FF] =	sst s3;
	s10 =	simm.s32 @!p0 $0x4;
	s17 =	smax.u32 s1, $0x1  }
0xd: {  	s4 =	sadd.s32 s4, s6;
	_ =	strace $0x8000004A;
	s6 =	sadd.s32 s13, s7  }
0xe: {  	[dreg:$0x4] =	wrdreg s10;
	s8 =	sshll.u32 s4, $0x4;
	s6 =	sshrl.u32 s6, $0x3  }
0xf: {  	s4 =	sadd.s32 $0x15800, s0;
	s9 =	sadd.s32 s8, s0;
	s0 =	sadd.s32 s6, s0  }
0x10: {  	[dreg:$0x6] =	wrdreg s17;
	s6 =	sadd.s32 s16, s2;
	s0 =	sadd.s32 $0x3D800, s0  }
0x11: {  	s15 =	simm.s32 $0x0;
	s18 =	sadd.s32 $0x2000, s6;
	[dreg:$0x5] =	wrdreg s0  }
0x12: {  	s1 =	simm.s32 $0x200;
	s19 =	sadd.s32 $0x4000, s6;
	[dreg:$0x7] =	wrdreg s18  }
0x13: {  	s7 =	simm.s32 $0x580;
	s20 =	sadd.s32 $0x6000, s6;
	[dreg:$0x8] =	wrdreg s19  }
0x14: {  	s10 =	simm.s32 $0x300;
	s21 =	sadd.s32 $0x8000, s6;
	[dreg:$0x9] =	wrdreg s20  }
0x15: {  	s13 =	simm.s32 $0x700;
	s22 =	sadd.s32 $0xA000, s6;
	[dreg:$0xa] =	wrdreg s21  }
0x16: {  	s5 =	sadd.s32 s8, s5;
	s23 =	sadd.s32 $0xC000, s6;
	[dreg:$0xb] =	wrdreg s22  }
0x17: {  	s8 =	simm.s32 $0x280;
	s24 =	sadd.s32 $0xE000, s6;
	[dreg:$0xc] =	wrdreg s23  }
0x18: {  	s25 =	sadd.s32 $0x10000, s6;
	s26 =	sadd.s32 $0x12000, s6;
	[dreg:$0xd] =	wrdreg s24  }
0x19: {  	s17 =	sadd.s32 $0x1800, s9;
	s9 =	simm.s32 $0x600;
	[dreg:$0xe] =	wrdreg s25  }
0x1a: {  	[dreg:$0xf] =	wrdreg s26;
	s20 =	simm.s32 $0x800;
	s21 =	simm.s32 $0x3  }
0x1b: {  	s22 =	simm.s32 $0x400;
	s23 =	simm.s32 $0x40;
	s24 =	simm.s32 $0x80  }
0x1c: {  	v0 =	vimm.f32 $0.0e+00;
	s25 =	simm.s32 $0x2800;
	s26 =	simm.s32 $0x1;
	s0 =	simm.s32 $0x500  }
.LBB2_1:
0x1d: {  	s16 =	simm.s32 $0x0;
	s18 =	simm.s32 $0x200  }
.LBB2_2:
0x1e: {  	p0 =	sne.s32 s18, $0x7E00;
	[tilespmem:s16+$0x870] =	vst v0  }
0x1f: {  	[tilespmem:s16+$0x800] =	vst v0  }
0x20: {  	[tilespmem:s16+$0x810] =	vst v0  }
.Ltmp0:
0x21: {  	[tilespmem:s16+$0x820] =	vst v0;
	(pc) =	sbr.rel @p0 .LBB2_2-.Ltmp0, $4  }
0x22: {  	[tilespmem:s16+$0x830] =	vst v0  }
0x23: {  	[tilespmem:s16+$0x840] =	vst v0  }
0x24: {  	[tilespmem:s16+$0x850] =	vst v0  }
0x25: {  	[tilespmem:s16+$0x860] =	vst v0;
	s16 =	sshra.s32 s18, $0x2;
	s18 =	sadd.s32 $0x200, s18  }
0x26: {  	[tilespmem:s16+$0x870] =	vst v0  }
0x27: {  	[tilespmem:s16+$0x800] =	vst v0  }
0x28: {  	[tilespmem:s16+$0x810] =	vst v0  }
0x29: {  	[tilespmem:s16+$0x820] =	vst v0  }
0x2a: {  	[tilespmem:s16+$0x830] =	vst v0  }
0x2b: {  	[tilespmem:s16+$0x840] =	vst v0  }
0x2c: {  	[tilespmem:s16+$0x850] =	vst v0  }
0x2d: {  	[tilespmem:s16+$0x860] =	vst v0  }
0x2e: {  	[spmem:s6] =	stream.linear.scatter [tilespmem:s20], [sflag:$0x3], $0x2000, $0x38;
	[tilespmem:$0x18800] =	vst v63  }
0x2f: {  	_ =	swait.ge [sflag:s21], $0x2000  }
0x30: {  	[sflag:s21] =	ssyncset.done $0x0  }
0x31: {  	s18 =	rddreg [dreg:$0x7];
	[sflag:s21] =	ssyncadd.s32 $0xFFFFE000  }
0x32: {  	[spmem:s18] =	stream.linear.scatter [tilespmem:s20], [sflag:$0x3], $0x2000, $0x38;
	[tilespmem:$0x18800] =	vst v63  }
0x33: {  	_ =	swait.ge [sflag:s21], $0x2000  }
0x34: {  	[sflag:s21] =	ssyncset.done $0x0  }
0x35: {  	s19 =	rddreg [dreg:$0x8];
	[sflag:s21] =	ssyncadd.s32 $0xFFFFE000  }
0x36: {  	[spmem:s19] =	stream.linear.scatter [tilespmem:s20], [sflag:$0x3], $0x2000, $0x38;
	[tilespmem:$0x18800] =	vst v63  }
0x37: {  	_ =	swait.ge [sflag:s21], $0x2000  }
0x38: {  	[sflag:s21] =	ssyncset.done $0x0  }
0x39: {  	s18 =	rddreg [dreg:$0x9];
	[sflag:s21] =	ssyncadd.s32 $0xFFFFE000  }
0x3a: {  	[spmem:s18] =	stream.linear.scatter [tilespmem:s20], [sflag:$0x3], $0x2000, $0x38;
	[tilespmem:$0x18800] =	vst v63  }
0x3b: {  	_ =	swait.ge [sflag:s21], $0x2000  }
0x3c: {  	[sflag:s21] =	ssyncset.done $0x0  }
0x3d: {  	s19 =	rddreg [dreg:$0xa];
	[sflag:s21] =	ssyncadd.s32 $0xFFFFE000  }
0x3e: {  	[spmem:s19] =	stream.linear.scatter [tilespmem:s20], [sflag:$0x3], $0x2000, $0x38;
	[tilespmem:$0x18800] =	vst v63  }
0x3f: {  	_ =	swait.ge [sflag:s21], $0x2000  }
0x40: {  	[sflag:s21] =	ssyncset.done $0x0  }
0x41: {  	s18 =	rddreg [dreg:$0xb];
	[sflag:s21] =	ssyncadd.s32 $0xFFFFE000  }
0x42: {  	[spmem:s18] =	stream.linear.scatter [tilespmem:s20], [sflag:$0x3], $0x2000, $0x38;
	[tilespmem:$0x18800] =	vst v63  }
0x43: {  	_ =	swait.ge [sflag:s21], $0x2000  }
0x44: {  	[sflag:s21] =	ssyncset.done $0x0  }
0x45: {  	s19 =	rddreg [dreg:$0xc];
	[sflag:s21] =	ssyncadd.s32 $0xFFFFE000  }
0x46: {  	[spmem:s19] =	stream.linear.scatter [tilespmem:s20], [sflag:$0x3], $0x2000, $0x38;
	[tilespmem:$0x18800] =	vst v63  }
0x47: {  	_ =	swait.ge [sflag:s21], $0x2000  }
0x48: {  	[sflag:s21] =	ssyncset.done $0x0  }
0x49: {  	s18 =	rddreg [dreg:$0xd];
	[sflag:s21] =	ssyncadd.s32 $0xFFFFE000  }
0x4a: {  	[spmem:s18] =	stream.linear.scatter [tilespmem:s20], [sflag:$0x3], $0x2000, $0x38;
	[tilespmem:$0x18800] =	vst v63  }
0x4b: {  	_ =	swait.ge [sflag:s21], $0x2000  }
0x4c: {  	[sflag:s21] =	ssyncset.done $0x0  }
0x4d: {  	s19 =	rddreg [dreg:$0xe];
	[sflag:s21] =	ssyncadd.s32 $0xFFFFE000  }
0x4e: {  	[spmem:s19] =	stream.linear.scatter [tilespmem:s20], [sflag:$0x3], $0x2000, $0x38;
	[tilespmem:$0x18800] =	vst v63  }
0x4f: {  	_ =	swait.ge [sflag:s21], $0x2000  }
0x50: {  	[sflag:s21] =	ssyncset.done $0x0  }
0x51: {  	s18 =	rddreg [dreg:$0xf];
	[sflag:s21] =	ssyncadd.s32 $0xFFFFE000  }
0x52: {  	[spmem:s18] =	stream.linear.scatter [tilespmem:s20], [sflag:$0x3], $0x2000, $0x38;
	[tilespmem:$0x18800] =	vst v63  }
0x53: {  	_ =	swait.ge [sflag:s21], $0x2000  }
0x54: {  	[sflag:s21] =	ssyncset.done $0x0  }
0x55: {  	[sflag:s21] =	ssyncadd.s32 $0xFFFFE000  }
0x56: {  	[bflag:$0x0] =	sbarrier.arrive $0xFFFF  }
0x57: {  	[tilespmem:s3], [sflag:$0x3] =	stream.linear.gather [hbm4b:s5+s3], $0x400, $0x38;
	[tilespmem:$0x18800] =	vst v63  }
0x58: {  	_ =	swait.ge [sflag:s21], $0x400  }
0x59: {  	[sflag:s21] =	ssyncset.done $0x0  }
0x5a: {  	[sflag:s21] =	ssyncadd.s32 $0xFFFFFC00  }
0x5b: {  	[tilespmem:s22], [sflag:$0x3] =	stream.linear.gather [hbm4b:s17+s3], $0x400, $0x38;
	[tilespmem:$0x18800] =	vst v63  }
0x5c: {  	_ =	swait.ge [sflag:s21], $0x400  }
0x5d: {  	[sflag:s21] =	ssyncset.done $0x0  }
0x5e: {  	[sflag:s21] =	ssyncadd.s32 $0xFFFFFC00  }
0x5f: {  	[tilespmem:s20], [sflag:$0x1] =	stream.indirect.gather [hbm4b:s4+s23], $0x80, s3, s23, $0xb8;
	[tilespmem:$0x18800] =	vst v63  }
0x60: {  	_ = 	snop  }
0x61: {  	[tilespmem:s25], [sflag:$0x2] =	stream.indirect.gather [hbm4b:s4+s23], $0x80, s24, s23, $0xb8;
	[tilespmem:$0x18800] =	vst v63  }
0x62: {  	_ =	swait.ge [sflag:s26], $0x2000  }
0x63: {  	[sflag:s26] =	ssyncset.done $0x0  }
0x64: {  	[sflag:s26] =	ssyncadd.s32 $0xFFFFE000  }
0x65: {  	[spmem:s2] =	stream.indirect.scatter.add.f32 [tilespmem:s20], [sflag:$0x3], $0x80, s22, s23, $0xb8;
	[tilespmem:$0x18800] =	vst v63  }
0x66: {  	_ =	swait.ge [sflag:s21], $0x2000  }
0x67: {  	[sflag:s21] =	ssyncset.done $0x0  }
0x68: {  	[sflag:s21] =	ssyncadd.s32 $0xFFFFE000  }
0x69: {  	[tilespmem:s20], [sflag:$0x1] =	stream.indirect.gather [hbm4b:s4+s23], $0x80, s28, s23, $0xb8;
	[tilespmem:$0x18800] =	vst v63  }
0x6a: {  	_ =	swait.ge [sflag:s29], $0x2000  }
0x6b: {  	[sflag:s29] =	ssyncset.done $0x0  }
0x6c: {  	[sflag:s29] =	ssyncadd.s32 $0xFFFFE000  }
0x6d: {  	[spmem:s2] =	stream.indirect.scatter.add.f32 [tilespmem:s25], [sflag:$0x3], $0x80, s30, s23, $0xb8;
	[tilespmem:$0x18800] =	vst v63  }
0x6e: {  	_ =	swait.ge [sflag:s21], $0x2000  }
0x6f: {  	[sflag:s21] =	ssyncset.done $0x0  }
0x70: {  	[sflag:s21] =	ssyncadd.s32 $0xFFFFE000  }
0x71: {  	[tilespmem:s25], [sflag:$0x2] =	stream.indirect.gather [hbm4b:s4+s23], $0x80, s31, s23, $0xb8;
	[tilespmem:$0x18800] =	vst v63  }
0x72: {  	_ =	swait.ge [sflag:s26], $0x2000  }
0x73: {  	[sflag:s26] =	ssyncset.done $0x0  }
0x74: {  	[sflag:s26] =	ssyncadd.s32 $0xFFFFE000  }
0x75: {  	[spmem:s2] =	stream.indirect.scatter.add.f32 [tilespmem:s20], [sflag:$0x3], $0x80, s0, s23, $0xb8;
	[tilespmem:$0x18800] =	vst v63  }
0x76: {  	_ =	swait.ge [sflag:s21], $0x2000  }
0x77: {  	[sflag:s21] =	ssyncset.done $0x0  }
0x78: {  	[sflag:s21] =	ssyncadd.s32 $0xFFFFE000  }
0x79: {  	[tilespmem:s20], [sflag:$0x1] =	stream.indirect.gather [hbm4b:s4+s23], $0x80, s1, s23, $0xb8;
	[tilespmem:$0x18800] =	vst v63  }
0x7a: {  	_ =	swait.ge [sflag:s29], $0x2000  }
0x7b: {  	[sflag:s29] =	ssyncset.done $0x0  }
0x7c: {  	[sflag:s29] =	ssyncadd.s32 $0xFFFFE000  }
0x7d: {  	[spmem:s2] =	stream.indirect.scatter.add.f32 [tilespmem:s25], [sflag:$0x3], $0x80, s7, s23, $0xb8;
	[tilespmem:$0x18800] =	vst v63  }
0x7e: {  	_ =	swait.ge [sflag:s21], $0x2000  }
0x7f: {  	[sflag:s21] =	ssyncset.done $0x0  }
0x80: {  	[sflag:s21] =	ssyncadd.s32 $0xFFFFE000  }
0x81: {  	[tilespmem:s25], [sflag:$0x2] =	stream.indirect.gather [hbm4b:s4+s23], $0x80, s8, s23, $0xb8;
	[tilespmem:$0x18800] =	vst v63  }
0x82: {  	_ =	swait.ge [sflag:s26], $0x2000  }
0x83: {  	[sflag:s26] =	ssyncset.done $0x0  }
0x84: {  	[sflag:s26] =	ssyncadd.s32 $0xFFFFE000  }
0x85: {  	[spmem:s2] =	stream.indirect.scatter.add.f32 [tilespmem:s20], [sflag:$0x3], $0x80, s9, s23, $0xb8;
	[tilespmem:$0x18800] =	vst v63  }
0x86: {  	_ =	swait.ge [sflag:s21], $0x2000  }
0x87: {  	[sflag:s21] =	ssyncset.done $0x0  }
0x88: {  	[sflag:s21] =	ssyncadd.s32 $0xFFFFE000  }
0x89: {  	[tilespmem:s20], [sflag:$0x1] =	stream.indirect.gather [hbm4b:s4+s23], $0x80, s10, s23, $0xb8;
	[tilespmem:$0x18800] =	vst v63  }
0x8a: {  	_ =	swait.ge [sflag:s29], $0x2000  }
0x8b: {  	[sflag:s29] =	ssyncset.done $0x0  }
0x8c: {  	[sflag:s29] =	ssyncadd.s32 $0xFFFFE000  }
0x8d: {  	[spmem:s2] =	stream.indirect.scatter.add.f32 [tilespmem:s25], [sflag:$0x3], $0x80, s11, s23, $0xb8;
	[tilespmem:$0x18800] =	vst v63  }
0x8e: {  	_ =	swait.ge [sflag:s21], $0x2000  }
0x8f: {  	[sflag:s21] =	ssyncset.done $0x0  }
0x90: {  	[sflag:s21] =	ssyncadd.s32 $0xFFFFE000  }
0x91: {  	[tilespmem:s25], [sflag:$0x2] =	stream.indirect.gather [hbm4b:s4+s23], $0x80, s12, s23, $0xb8;
	[tilespmem:$0x18800] =	vst v63  }
0x92: {  	_ =	swait.ge [sflag:s26], $0x2000  }
0x93: {  	[sflag:s26] =	ssyncset.done $0x0  }
0x94: {  	[sflag:s26] =	ssyncadd.s32 $0xFFFFE000  }
0x95: {  	[spmem:s2] =	stream.indirect.scatter.add.f32 [tilespmem:s20], [sflag:$0x3], $0x80, s13, s23, $0xb8;
	[tilespmem:$0x18800] =	vst v63  }
0x96: {  	_ =	swait.ge [sflag:s21], $0x2000  }
0x97: {  	[sflag:s21] =	ssyncset.done $0x0  }
0x98: {  	[sflag:s21] =	ssyncadd.s32 $0xFFFFE000  }
0x99: {  	_ =	swait.ge [sflag:s29], $0x2000  }
0x9a: {  	s19 =	rddreg [dreg:$0x4]  }
0x9b: {  	p0 =	sne.s32 s19, $0x1  }
.Ltmp1:
0x9c: {  	[sflag:s29] =	ssyncset.done $0x0;
	(pc) =	sbr.rel @!p0 .LBB2_5-.Ltmp1, $4  }
0x9d: {  	[sflag:s29] =	ssyncadd.s32 $0xFFFFE000  }
0x9e: {  	[spmem:s2] =	stream.indirect.scatter.add.f32 [tilespmem:s25], [sflag:$0x3], $0x80, s14, s23, $0xb8;
	[tilespmem:$0x18800] =	vst v63  }
0x9f: {  	s18 =	smov.u32 s17;
	_ =	swait.ge [sflag:s21], $0x2000  }
0xa0: {  	s16 =	sadd.s32 $0xFFFFFFFF, s19;
	s19 =	smov.u32 s5;
	[sflag:s21] =	ssyncset.done $0x0  }
.LBB2_4:
0xa1: {  	[sflag:s21] =	ssyncadd.s32 $0xFFFFE000;
	s18 =	sadd.s32 $0x80, s18;
	s19 =	sadd.s32 $0x80, s19  }
0xa2: {  	[tilespmem:s3], [sflag:$0x3] =	stream.linear.gather [hbm4b:s19+s3], $0x400, $0x38;
	[tilespmem:$0x18800] =	vst v63  }
0xa3: {  	p0 =	sne.s32 s16, $0x1;
	s16 =	sadd.s32 $0xFFFFFFFF, s16;
	_ =	swait.ge [sflag:s21], $0x400  }
0xa4: {  	[sflag:s21] =	ssyncset.done $0x0  }
0xa5: {  	[sflag:s21] =	ssyncadd.s32 $0xFFFFFC00  }
0xa6: {  	[tilespmem:s22], [sflag:$0x3] =	stream.linear.gather [hbm4b:s18+s3], $0x400, $0x38;
	[tilespmem:$0x18800] =	vst v63  }
0xa7: {  	_ =	swait.ge [sflag:s21], $0x400  }
0xa8: {  	[sflag:s21] =	ssyncset.done $0x0  }
0xa9: {  	[sflag:s21] =	ssyncadd.s32 $0xFFFFFC00  }
0xaa: {  	[tilespmem:s20], [sflag:$0x1] =	stream.indirect.gather [hbm4b:s4+s23], $0x80, s3, s23, $0xb8;
	[tilespmem:$0x18800] =	vst v63  }
0xab: {  	_ = 	snop  }
0xac: {  	[tilespmem:s25], [sflag:$0x2] =	stream.indirect.gather [hbm4b:s4+s23], $0x80, s24, s23, $0xb8;
	[tilespmem:$0x18800] =	vst v63  }
0xad: {  	_ =	swait.ge [sflag:s26], $0x2000  }
0xae: {  	[sflag:s26] =	ssyncset.done $0x0  }
0xaf: {  	[sflag:s26] =	ssyncadd.s32 $0xFFFFE000  }
0xb0: {  	[spmem:s2] =	stream.indirect.scatter.add.f32 [tilespmem:s20], [sflag:$0x3], $0x80, s22, s23, $0xb8;
	[tilespmem:$0x18800] =	vst v63  }
0xb1: {  	_ =	swait.ge [sflag:s21], $0x2000  }
0xb2: {  	[sflag:s21] =	ssyncset.done $0x0  }
0xb3: {  	[sflag:s21] =	ssyncadd.s32 $0xFFFFE000  }
0xb4: {  	[tilespmem:s20], [sflag:$0x1] =	stream.indirect.gather [hbm4b:s4+s23], $0x80, s28, s23, $0xb8;
	[tilespmem:$0x18800] =	vst v63  }
0xb5: {  	_ =	swait.ge [sflag:s29], $0x2000  }
0xb6: {  	[sflag:s29] =	ssyncset.done $0x0  }
0xb7: {  	[sflag:s29] =	ssyncadd.s32 $0xFFFFE000  }
0xb8: {  	[spmem:s2] =	stream.indirect.scatter.add.f32 [tilespmem:s25], [sflag:$0x3], $0x80, s30, s23, $0xb8;
	[tilespmem:$0x18800] =	vst v63  }
0xb9: {  	_ =	swait.ge [sflag:s21], $0x2000  }
0xba: {  	[sflag:s21] =	ssyncset.done $0x0  }
0xbb: {  	[sflag:s21] =	ssyncadd.s32 $0xFFFFE000  }
0xbc: {  	[tilespmem:s25], [sflag:$0x2] =	stream.indirect.gather [hbm4b:s4+s23], $0x80, s31, s23, $0xb8;
	[tilespmem:$0x18800] =	vst v63  }
0xbd: {  	_ =	swait.ge [sflag:s26], $0x2000  }
0xbe: {  	[sflag:s26] =	ssyncset.done $0x0  }
0xbf: {  	[sflag:s26] =	ssyncadd.s32 $0xFFFFE000  }
0xc0: {  	[spmem:s2] =	stream.indirect.scatter.add.f32 [tilespmem:s20], [sflag:$0x3], $0x80, s0, s23, $0xb8;
	[tilespmem:$0x18800] =	vst v63  }
0xc1: {  	_ =	swait.ge [sflag:s21], $0x2000  }
0xc2: {  	[sflag:s21] =	ssyncset.done $0x0  }
0xc3: {  	[sflag:s21] =	ssyncadd.s32 $0xFFFFE000  }
0xc4: {  	[tilespmem:s20], [sflag:$0x1] =	stream.indirect.gather [hbm4b:s4+s23], $0x80, s1, s23, $0xb8;
	[tilespmem:$0x18800] =	vst v63  }
0xc5: {  	_ =	swait.ge [sflag:s29], $0x2000  }
0xc6: {  	[sflag:s29] =	ssyncset.done $0x0  }
0xc7: {  	[sflag:s29] =	ssyncadd.s32 $0xFFFFE000  }
0xc8: {  	[spmem:s2] =	stream.indirect.scatter.add.f32 [tilespmem:s25], [sflag:$0x3], $0x80, s7, s23, $0xb8;
	[tilespmem:$0x18800] =	vst v63  }
0xc9: {  	_ =	swait.ge [sflag:s21], $0x2000  }
0xca: {  	[sflag:s21] =	ssyncset.done $0x0  }
0xcb: {  	[sflag:s21] =	ssyncadd.s32 $0xFFFFE000  }
0xcc: {  	[tilespmem:s25], [sflag:$0x2] =	stream.indirect.gather [hbm4b:s4+s23], $0x80, s8, s23, $0xb8;
	[tilespmem:$0x18800] =	vst v63  }
0xcd: {  	_ =	swait.ge [sflag:s26], $0x2000  }
0xce: {  	[sflag:s26] =	ssyncset.done $0x0  }
0xcf: {  	[sflag:s26] =	ssyncadd.s32 $0xFFFFE000  }
0xd0: {  	[spmem:s2] =	stream.indirect.scatter.add.f32 [tilespmem:s20], [sflag:$0x3], $0x80, s9, s23, $0xb8;
	[tilespmem:$0x18800] =	vst v63  }
0xd1: {  	_ =	swait.ge [sflag:s21], $0x2000  }
0xd2: {  	[sflag:s21] =	ssyncset.done $0x0  }
0xd3: {  	[sflag:s21] =	ssyncadd.s32 $0xFFFFE000  }
0xd4: {  	[tilespmem:s20], [sflag:$0x1] =	stream.indirect.gather [hbm4b:s4+s23], $0x80, s10, s23, $0xb8;
	[tilespmem:$0x18800] =	vst v63  }
0xd5: {  	_ =	swait.ge [sflag:s29], $0x2000  }
0xd6: {  	[sflag:s29] =	ssyncset.done $0x0  }
0xd7: {  	[sflag:s29] =	ssyncadd.s32 $0xFFFFE000  }
0xd8: {  	[spmem:s2] =	stream.indirect.scatter.add.f32 [tilespmem:s25], [sflag:$0x3], $0x80, s11, s23, $0xb8;
	[tilespmem:$0x18800] =	vst v63  }
0xd9: {  	_ =	swait.ge [sflag:s21], $0x2000  }
0xda: {  	[sflag:s21] =	ssyncset.done $0x0  }
0xdb: {  	[sflag:s21] =	ssyncadd.s32 $0xFFFFE000  }
0xdc: {  	[tilespmem:s25], [sflag:$0x2] =	stream.indirect.gather [hbm4b:s4+s23], $0x80, s12, s23, $0xb8;
	[tilespmem:$0x18800] =	vst v63  }
0xdd: {  	_ =	swait.ge [sflag:s26], $0x2000  }
0xde: {  	[sflag:s26] =	ssyncset.done $0x0  }
0xdf: {  	[sflag:s26] =	ssyncadd.s32 $0xFFFFE000  }
0xe0: {  	[spmem:s2] =	stream.indirect.scatter.add.f32 [tilespmem:s20], [sflag:$0x3], $0x80, s13, s23, $0xb8;
	[tilespmem:$0x18800] =	vst v63  }
0xe1: {  	_ =	swait.ge [sflag:s21], $0x2000  }
0xe2: {  	[sflag:s21] =	ssyncset.done $0x0  }
0xe3: {  	[sflag:s21] =	ssyncadd.s32 $0xFFFFE000  }
0xe4: {  	_ =	swait.ge [sflag:s29], $0x2000  }
.Ltmp2:
0xe5: {  	[sflag:s29] =	ssyncset.done $0x0;
	(pc) =	sbr.rel @p0 .LBB2_4-.Ltmp2, $4  }
0xe6: {  	[sflag:s29] =	ssyncadd.s32 $0xFFFFE000  }
0xe7: {  	[spmem:s2] =	stream.indirect.scatter.add.f32 [tilespmem:s25], [sflag:$0x3], $0x80, s14, s23, $0xb8;
	[tilespmem:$0x18800] =	vst v63  }
0xe8: {  	_ =	swait.ge [sflag:s21], $0x2000  }
0xe9: {  	[sflag:s21] =	ssyncset.done $0x0  }
.LBB2_5:
0xea: {  	[sflag:s21] =	ssyncadd.s32 $0xFFFFE000;
	s16 =	stileid.u32  }
0xeb: {  	s16 =	sshll.u32 s16, $0x6;
	[bflag:$0x0] =	sbarrier.arrive $0xFFFF  }
0xec: {  	s18 =	sshrl.u32 s6, $0x3;
	s16 =	sor.u32 $0x1C03, s16;
	s19 =	rddreg [dreg:$0x5]  }
0xed: {  	[hbm:s19], [sflag:s16] =	dma.local [spmem:s18], $0x2800  }
0xee: {  	_ =	swait.ge [sflag:s21], $0x2800  }
0xef: {  	s15 =	sadd.s32 $0x1, s15;
	s19 =	rddreg [dreg:$0x6]  }
0xf0: {  	p0 =	sne.s32 s15, s19  }
.Ltmp3:
0xf1: {  	_ = 	snop;
	(pc) =	sbr.rel @p0 .LBB2_1-.Ltmp3, $3  }
0xf2: {  	_ =	sdelay $0x1  }
0xf3: {  	[sflag:s21] =	ssyncset.done $0x0  }
0xf4: {  	[sflag:s21] =	ssyncadd.s32 $0xFFFFD800  }
0xf5: {  	_ =	sfence.sel $0x180000  }
0xf6: {  	[bflag:$0x0] =	sbarrier.arrive $0xFFFF  }
0xf7: {  	_ =	strace $0x9000004A  }
0xf8: {  	s0 =	stileid.u32;
	[bflag:$0x2] =	sbarrier.arrive $0xFFFF  }
0xf9: {  	p0 =	sne.s32 s0, $0x0;
	s0 =	rddreg [dreg:$0x3]  }
0xfa: {  	s0 =	sadd.s32 @!p0 $0x100000, s0  }
0xfb: {  	[sflag:s0] =	ssyncadd.tile.s32 @!p0 $0x1;
	_ =	shalt  }
.Lfunc_end2:
_tile_overlayer_lowered:
.L_overlay_start_2:
0xfc: {  	(tag) =	ssettag $0x2  }
0xfd: {  	s0 =	rddreg [dreg:$0x0];
	s2 =	stileid.u32  }
0xfe: {  	s1 =	rddreg [dreg:$0x1];
	p0 =	sne.s32 s2, $0x0  }
0xff: {  	s3 =	rddreg [dreg:$0x2];
	[bflag:$0x3] =	sbarrier.arrive $0xFFFF;
	s2 =	simm.s32 @!p0 $0x1C03  }
0x100: {  	[timem:s3], [sflag:s2] =	dma.local @!p0 [hbm:s0], s1  }
0x101: {  	s0 =	simm.s32 @!p0 $0x3  }
0x102: {  	_ =	swait.ge @!p0 [sflag:s0], s1  }
0x103: {  	s1 =	ssub.s32 @!p0 $0x0, s1;
	[sflag:s0] =	ssyncset.done @!p0 $0x0  }
0x104: {  	[sflag:s0] =	ssyncadd.s32 @!p0 s1  }
0x105: {  	[bflag:$0x3] =	sbarrier.arrive $0xFFFF  }
0x106: {  	_ =	shalt  }

</sc_bundles>
